<compile_context>
chip_gen: v7x
topology: tpu7x:2x2x1
jax: 0.10.2.dev20260603
libtpu: 0.0.44.dev20260713+nightly
codegen_flags: <defaults>
</compile_context>

<pallas_src>
import jax
import jax.numpy as jnp
from jax import lax
from jax.experimental import pallas as pl
from jax.experimental.pallas import tpu as pltpu
from jax.experimental.pallas import tpu_sc as plsc

B = 4096
W = 4
NNEG = 5
V = 1000000
D = 32

NC = 2
NS = 16
NWK = NC * NS
CHUNK = B // NWK
ORows = CHUNK * W
NRows = CHUNK * W * NNEG
SCORES = ORows + NRows
L = 16


def _sc_scores_kernel(iw_hbm, ow_hbm, nw_hbm, wi_hbm, wo_hbm, out_hbm,
                      iidx_v, oidx_v, nidx_v, ivec_v, ovec_v, nvec_v,
                      tscr_v, sc_v, sem):
    wid = lax.axis_index("s") * NC + lax.axis_index("c")

    pltpu.sync_copy(iw_hbm.at[wid], iidx_v)
    pltpu.sync_copy(ow_hbm.at[wid], oidx_v)
    pltpu.sync_copy(nw_hbm.at[wid], nidx_v)

    copies = [pltpu.async_copy(wi_hbm.at[iidx_v.at[0]], ivec_v, sem)]
    for k in range(W):
        copies.append(pltpu.async_copy(
            wo_hbm.at[oidx_v.at[k]], ovec_v.at[pl.ds(k * CHUNK, CHUNK)], sem))
    for k in range(W * NNEG):
        copies.append(pltpu.async_copy(
            wo_hbm.at[nidx_v.at[k]], nvec_v.at[pl.ds(k * CHUNK, CHUNK)], sem))
    for c in copies:
        c.wait()

    iota = lax.iota(jnp.int32, L)
    col_idx = [iota * L + c for c in range(L)]

    def o_group(g, carry):
        ivs = [(ivec_v[g * 4 + q, pl.ds(0, L)], ivec_v[g * 4 + q, pl.ds(L, L)])
               for q in range(4)]
        for r in range(L):
            j = g * L + r
            b0, b1 = ivs[r // W]
            p = ovec_v[j, pl.ds(0, L)] * b0 + ovec_v[j, pl.ds(L, L)] * b1
            tscr_v[pl.ds(r * L, L)] = p
        acc = jnp.zeros((L,), jnp.float32)
        for c in range(L):
            acc = acc + plsc.load_gather(tscr_v, [col_idx[c]])
        sc_v[pl.ds(g * L, L)] = acc
        return carry

    lax.fori_loop(0, ORows // L, o_group, 0, unroll=False)

    def n_group(g, carry):
        ivs = [(ivec_v[g * 4 + q, pl.ds(0, L)], ivec_v[g * 4 + q, pl.ds(L, L)])
               for q in range(4)]
        for sub in range(5):
            for r16 in range(L):
                r = sub * L + r16
                j = g * 80 + r
                b0, b1 = ivs[r // (W * NNEG)]
                p = (nvec_v[j, pl.ds(0, L)] * b0 +
                     nvec_v[j, pl.ds(L, L)] * b1)
                tscr_v[pl.ds(r16 * L, L)] = p
            acc = jnp.zeros((L,), jnp.float32)
            for c in range(L):
                acc = acc - plsc.load_gather(tscr_v, [col_idx[c]])
            sc_v[pl.ds(ORows + g * 80 + sub * L, L)] = acc
        return carry

    lax.fori_loop(0, NRows // 80, n_group, 0, unroll=False)

    pltpu.sync_copy(sc_v, out_hbm.at[wid])


def _tc_loss_kernel(s_ref, o_ref):
    x = s_ref[...]
    ls = jnp.minimum(x, 0.0) - jnp.log1p(jnp.exp(-jnp.abs(x)))
    o_ref[...] = jnp.reshape(-jnp.sum(ls) / B, (1, 1))


@jax.jit
def kernel(iword, owords, nwords, Wi, Wo):
    iw2d = iword.reshape(NWK, 1, CHUNK).astype(jnp.int32)
    ow2d = owords.reshape(NWK, W, CHUNK).astype(jnp.int32)
    nw2d = nwords.reshape(NWK, W * NNEG, CHUNK).astype(jnp.int32)

    sc_call = pl.kernel(
        _sc_scores_kernel,
        out_type=jax.ShapeDtypeStruct((NWK, SCORES), jnp.float32),
        mesh=plsc.VectorSubcoreMesh(
            core_axis_name="c", subcore_axis_name="s",
            num_cores=NC, num_subcores=NS),
        scratch_types=[
            pltpu.VMEM((1, CHUNK), jnp.int32),
            pltpu.VMEM((W, CHUNK), jnp.int32),
            pltpu.VMEM((W * NNEG, CHUNK), jnp.int32),
            pltpu.VMEM((CHUNK, D), jnp.float32),
            pltpu.VMEM((ORows, D), jnp.float32),
            pltpu.VMEM((NRows, D), jnp.float32),
            pltpu.VMEM((L * L,), jnp.float32),
            pltpu.VMEM((SCORES,), jnp.float32),
            pltpu.SemaphoreType.DMA,
        ],
        compiler_params=pltpu.CompilerParams(
            needs_layout_passes=False, use_tc_tiling_on_sc=False),
    )
    scores = sc_call(iw2d, ow2d, nw2d, Wi, Wo)

    loss = pl.pallas_call(
        _tc_loss_kernel,
        out_shape=jax.ShapeDtypeStruct((1, 1), jnp.float32),
    )(scores)
    return loss[0, 0]

# --- scband reference (transcript-rebuilt; emitter-appended) ---
"""Pipeline reference for scband-sgns-20555713479270 (READ-ONLY COPY).

The authoritative reference and input builder live on the scoring server;
editing this copy changes nothing except your own understanding.
"""

import jax, jax.numpy as jnp
import numpy as np

B = 4096
W = 4
NNEG = 5
V = 1000000
D = 32


def setup_inputs(seed: int = 0) -> dict:
    key = jax.random.key(seed)
    k1, k2, k3, k4, k5 = jax.random.split(key, 5)
    iword = jax.random.randint(k1, (B,), 0, V)
    owords = jax.random.randint(k2, (B, W), 0, V)
    # negatives are sampled with python `random` in the torch module; here we
    # materialize them deterministically as an input tensor (same shapes/ranges)
    nwords = jax.random.randint(k3, (B, W, NNEG), 0, V)
    # embedding tables (V+1 rows, row 0 is the padding row as in the torch module)
    Wi = jax.random.normal(k4, (V + 1, D), dtype=jnp.float32) * 0.1
    Wo = jax.random.normal(k5, (V + 1, D), dtype=jnp.float32) * 0.1
    return {"iword": iword, "owords": owords, "nwords": nwords, "Wi": Wi, "Wo": Wo}


def reference(iword, owords, nwords, Wi, Wo):
    # torch: LongTensor(iword).repeat(1, window).view(-1) tiles the whole batch
    iidx = jnp.tile(iword, W)                      # [B*W]
    ivectors = jnp.take(Wi, iidx, axis=0)          # [B*W, D]  (embedding.forward_i)
    oidx = owords.reshape(-1)                      # [B*W]
    ovectors = jnp.take(Wo, oidx, axis=0)          # [B*W, D]  (embedding.forward_o)
    nidx = nwords.reshape(B * W, NNEG)             # [B*W, NNEG]
    nvectors = -jnp.take(Wo, nidx, axis=0)         # [B*W, NNEG, D], .neg()
    oloss = jnp.log(jax.nn.sigmoid(jnp.sum(ivectors * ovectors, axis=1)))  # [B*W]
    nscores = jnp.einsum('knd,kd->kn', nvectors, ivectors)  # bmm -> [B*W, NNEG]
    nloss = jnp.sum(jnp.log(jax.nn.sigmoid(nscores)), axis=1)              # [B*W]
    return -jnp.sum(oloss + nloss) / B


if False:  # reference __main__ guard neutralized (emitter)
    out = reference(**setup_inputs())
    print(out)

if __name__ == "__main__":
    import jax
    _d = setup_inputs()
    print(jax.jit(kernel)(*tuple(_d.values())))

</pallas_src>

<mosaic_0001>
#map = affine_map<(d0, d1) -> (0, 0, 0)>
#map1 = affine_map<(d0, d1) -> (0, 0)>
module attributes {stable_mosaic.version = 14 : i64} {
  func.func @_sc_scores_kernel(%arg0: i32, %arg1: i32, %arg2: memref<32x1x128xi32, #tpu.memory_space<hbm>>, %arg3: memref<32x4x128xi32, #tpu.memory_space<hbm>>, %arg4: memref<32x20x128xi32, #tpu.memory_space<hbm>>, %arg5: memref<1000001x32xf32, #tpu.memory_space<hbm>>, %arg6: memref<1000001x32xf32, #tpu.memory_space<hbm>>, %arg7: memref<32x3072xf32, #tpu.memory_space<hbm>>, %arg8: memref<1x128xi32, #tpu.memory_space<vmem>>, %arg9: memref<4x128xi32, #tpu.memory_space<vmem>>, %arg10: memref<20x128xi32, #tpu.memory_space<vmem>>, %arg11: memref<128x32xf32, #tpu.memory_space<vmem>>, %arg12: memref<512x32xf32, #tpu.memory_space<vmem>>, %arg13: memref<2560x32xf32, #tpu.memory_space<vmem>>, %arg14: memref<256xf32, #tpu.memory_space<vmem>>, %arg15: memref<3072xf32, #tpu.memory_space<vmem>>, %arg16: memref<!tpu.dma_semaphore, #tpu.memory_space<semaphore_mem>>) attributes {dimension_semantics = [#tpu.dimension_semantics<core_parallel>, #tpu.dimension_semantics<subcore_parallel>], iteration_bounds = array<i64: 2, 16>, scalar_prefetch = 0 : i64, scratch_operands = 9 : i64, tpu.core_type = #tpu.core_type<sc_vector_subcore>, window_params = [{transform_indices = #map}, {transform_indices = #map}, {transform_indices = #map}, {transform_indices = #map1}, {transform_indices = #map1}, {transform_indices = #map1}]} {
    %mul3A = arith.constant 2 : i32
    %mul3A_0 = arith.muli %arg1, %mul3A : i32
    %add3A = arith.addi %mul3A_0, %arg0 : i32
    "tpu.region"() ({
      %run_scoped3A = tpu.sem_alloc : memref<!tpu.dma_semaphore, #tpu.memory_space<semaphore_mem>>
      %dma_start3A_600 = arith.constant 0 : i32
      %dma_start3A_601 = arith.constant 0 : i32
      %dma_start3A_602 = tpu.memref_slice %arg2[%add3A, %dma_start3A_600, %dma_start3A_601] : memref<32x1x128xi32, #tpu.memory_space<hbm>> -> memref<1x1x128xi32, #tpu.memory_space<hbm>>
      %dma_start3A_603 = tpu.memref_squeeze %dma_start3A_602 : memref<1x1x128xi32, #tpu.memory_space<hbm>> -> memref<1x128xi32, #tpu.memory_space<hbm>>
      %dma_start3A_604 = arith.constant 0 : i32
      %dma_start3A_605 = arith.constant 0 : i32
      %dma_start3A_606 = tpu.memref_slice %arg2[%add3A, %dma_start3A_604, %dma_start3A_605] : memref<32x1x128xi32, #tpu.memory_space<hbm>> -> memref<1x1x128xi32, #tpu.memory_space<hbm>>
      %dma_start3A_607 = tpu.memref_squeeze %dma_start3A_606 : memref<1x1x128xi32, #tpu.memory_space<hbm>> -> memref<1x128xi32, #tpu.memory_space<hbm>>
      tpu.enqueue_dma source(%dma_start3A_607 : memref<1x128xi32, #tpu.memory_space<hbm>>) target(%arg8 : memref<1x128xi32, #tpu.memory_space<vmem>>) target_semaphore(%run_scoped3A : memref<!tpu.dma_semaphore, #tpu.memory_space<semaphore_mem>>)
      %dma_wait3A_608 = arith.constant 0 : i32
      %dma_wait3A_609 = arith.constant 0 : i32
      %dma_wait3A_610 = tpu.memref_slice %arg2[%add3A, %dma_wait3A_608, %dma_wait3A_609] : memref<32x1x128xi32, #tpu.memory_space<hbm>> -> memref<1x1x128xi32, #tpu.memory_space<hbm>>
      %dma_wait3A_611 = tpu.memref_squeeze %dma_wait3A_610 : memref<1x1x128xi32, #tpu.memory_space<hbm>> -> memref<1x128xi32, #tpu.memory_space<hbm>>
      %dma_wait3A_612 = arith.constant 0 : i32
      %dma_wait3A_613 = arith.constant 0 : i32
      %dma_wait3A_614 = tpu.memref_slice %arg2[%add3A, %dma_wait3A_612, %dma_wait3A_613] : memref<32x1x128xi32, #tpu.memory_space<hbm>> -> memref<1x1x128xi32, #tpu.memory_space<hbm>>
      %dma_wait3A_615 = tpu.memref_squeeze %dma_wait3A_614 : memref<1x1x128xi32, #tpu.memory_space<hbm>> -> memref<1x128xi32, #tpu.memory_space<hbm>>
      tpu.wait_dma2 semaphore(%run_scoped3A : memref<!tpu.dma_semaphore, #tpu.memory_space<semaphore_mem>>) src(%dma_wait3A_615 : memref<1x128xi32, #tpu.memory_space<hbm>>) dst(%arg8 : memref<1x128xi32, #tpu.memory_space<vmem>>)
      tpu.yield
    }) : () -> ()
    "tpu.region"() ({
      %run_scoped3A = tpu.sem_alloc : memref<!tpu.dma_semaphore, #tpu.memory_space<semaphore_mem>>
      %dma_start3A_600 = arith.constant 0 : i32
      %dma_start3A_601 = arith.constant 0 : i32
      %dma_start3A_602 = tpu.memref_slice %arg3[%add3A, %dma_start3A_600, %dma_start3A_601] : memref<32x4x128xi32, #tpu.memory_space<hbm>> -> memref<1x4x128xi32, #tpu.memory_space<hbm>>
      %dma_start3A_603 = tpu.memref_squeeze %dma_start3A_602 : memref<1x4x128xi32, #tpu.memory_space<hbm>> -> memref<4x128xi32, #tpu.memory_space<hbm>>
      %dma_start3A_604 = arith.constant 0 : i32
      %dma_start3A_605 = arith.constant 0 : i32
      %dma_start3A_606 = tpu.memref_slice %arg3[%add3A, %dma_start3A_604, %dma_start3A_605] : memref<32x4x128xi32, #tpu.memory_space<hbm>> -> memref<1x4x128xi32, #tpu.memory_space<hbm>>
      %dma_start3A_607 = tpu.memref_squeeze %dma_start3A_606 : memref<1x4x128xi32, #tpu.memory_space<hbm>> -> memref<4x128xi32, #tpu.memory_space<hbm>>
      tpu.enqueue_dma source(%dma_start3A_607 : memref<4x128xi32, #tpu.memory_space<hbm>>) target(%arg9 : memref<4x128xi32, #tpu.memory_space<vmem>>) target_semaphore(%run_scoped3A : memref<!tpu.dma_semaphore, #tpu.memory_space<semaphore_mem>>)
      %dma_wait3A_608 = arith.constant 0 : i32
      %dma_wait3A_609 = arith.constant 0 : i32
      %dma_wait3A_610 = tpu.memref_slice %arg3[%add3A, %dma_wait3A_608, %dma_wait3A_609] : memref<32x4x128xi32, #tpu.memory_space<hbm>> -> memref<1x4x128xi32, #tpu.memory_space<hbm>>
      %dma_wait3A_611 = tpu.memref_squeeze %dma_wait3A_610 : memref<1x4x128xi32, #tpu.memory_space<hbm>> -> memref<4x128xi32, #tpu.memory_space<hbm>>
      %dma_wait3A_612 = arith.constant 0 : i32
      %dma_wait3A_613 = arith.constant 0 : i32
      %dma_wait3A_614 = tpu.memref_slice %arg3[%add3A, %dma_wait3A_612, %dma_wait3A_613] : memref<32x4x128xi32, #tpu.memory_space<hbm>> -> memref<1x4x128xi32, #tpu.memory_space<hbm>>
      %dma_wait3A_615 = tpu.memref_squeeze %dma_wait3A_614 : memref<1x4x128xi32, #tpu.memory_space<hbm>> -> memref<4x128xi32, #tpu.memory_space<hbm>>
      tpu.wait_dma2 semaphore(%run_scoped3A : memref<!tpu.dma_semaphore, #tpu.memory_space<semaphore_mem>>) src(%dma_wait3A_615 : memref<4x128xi32, #tpu.memory_space<hbm>>) dst(%arg9 : memref<4x128xi32, #tpu.memory_space<vmem>>)
      tpu.yield
    }) : () -> ()
    "tpu.region"() ({
      %run_scoped3A = tpu.sem_alloc : memref<!tpu.dma_semaphore, #tpu.memory_space<semaphore_mem>>
      %dma_start3A_600 = arith.constant 0 : i32
      %dma_start3A_601 = arith.constant 0 : i32
      %dma_start3A_602 = tpu.memref_slice %arg4[%add3A, %dma_start3A_600, %dma_start3A_601] : memref<32x20x128xi32, #tpu.memory_space<hbm>> -> memref<1x20x128xi32, #tpu.memory_space<hbm>>
      %dma_start3A_603 = tpu.memref_squeeze %dma_start3A_602 : memref<1x20x128xi32, #tpu.memory_space<hbm>> -> memref<20x128xi32, #tpu.memory_space<hbm>>
      %dma_start3A_604 = arith.constant 0 : i32
      %dma_start3A_605 = arith.constant 0 : i32
      %dma_start3A_606 = tpu.memref_slice %arg4[%add3A, %dma_start3A_604, %dma_start3A_605] : memref<32x20x128xi32, #tpu.memory_space<hbm>> -> memref<1x20x128xi32, #tpu.memory_space<hbm>>
      %dma_start3A_607 = tpu.memref_squeeze %dma_start3A_606 : memref<1x20x128xi32, #tpu.memory_space<hbm>> -> memref<20x128xi32, #tpu.memory_space<hbm>>
      tpu.enqueue_dma source(%dma_start3A_607 : memref<20x128xi32, #tpu.memory_space<hbm>>) target(%arg10 : memref<20x128xi32, #tpu.memory_space<vmem>>) target_semaphore(%run_scoped3A : memref<!tpu.dma_semaphore, #tpu.memory_space<semaphore_mem>>)
      %dma_wait3A_608 = arith.constant 0 : i32
      %dma_wait3A_609 = arith.constant 0 : i32
      %dma_wait3A_610 = tpu.memref_slice %arg4[%add3A, %dma_wait3A_608, %dma_wait3A_609] : memref<32x20x128xi32, #tpu.memory_space<hbm>> -> memref<1x20x128xi32, #tpu.memory_space<hbm>>
      %dma_wait3A_611 = tpu.memref_squeeze %dma_wait3A_610 : memref<1x20x128xi32, #tpu.memory_space<hbm>> -> memref<20x128xi32, #tpu.memory_space<hbm>>
      %dma_wait3A_612 = arith.constant 0 : i32
      %dma_wait3A_613 = arith.constant 0 : i32
      %dma_wait3A_614 = tpu.memref_slice %arg4[%add3A, %dma_wait3A_612, %dma_wait3A_613] : memref<32x20x128xi32, #tpu.memory_space<hbm>> -> memref<1x20x128xi32, #tpu.memory_space<hbm>>
      %dma_wait3A_615 = tpu.memref_squeeze %dma_wait3A_614 : memref<1x20x128xi32, #tpu.memory_space<hbm>> -> memref<20x128xi32, #tpu.memory_space<hbm>>
      tpu.wait_dma2 semaphore(%run_scoped3A : memref<!tpu.dma_semaphore, #tpu.memory_space<semaphore_mem>>) src(%dma_wait3A_615 : memref<20x128xi32, #tpu.memory_space<hbm>>) dst(%arg10 : memref<20x128xi32, #tpu.memory_space<vmem>>)
      tpu.yield
    }) : () -> ()
    %dma_start3A = arith.constant 0 : i32
    %dma_start3A_1 = arith.constant 0 : i32
    %dma_start3A_2 = tpu.memref_slice %arg8[%dma_start3A, %dma_start3A_1] : memref<1x128xi32, #tpu.memory_space<vmem>> -> memref<1x128xi32, #tpu.memory_space<vmem>>
    %dma_start3A_3 = tpu.memref_squeeze %dma_start3A_2 : memref<1x128xi32, #tpu.memory_space<vmem>> -> memref<128xi32, #tpu.memory_space<vmem>>
    %dma_start3A_4 = arith.constant 0 : i32
    %dma_start3A_5 = arith.constant 0 : i32
    %dma_start3A_6 = tpu.memref_slice %arg5[%dma_start3A_4, %dma_start3A_5] : memref<1000001x32xf32, #tpu.memory_space<hbm>> -> memref<1000001x32xf32, #tpu.memory_space<hbm>>
    tpu.enqueue_indirect_dma source(%dma_start3A_6 : memref<1000001x32xf32, #tpu.memory_space<hbm>>) target(%arg11 : memref<128x32xf32, #tpu.memory_space<vmem>>) offsets(%dma_start3A_3 : memref<128xi32, #tpu.memory_space<vmem>>) semaphore(%arg16 : memref<!tpu.dma_semaphore, #tpu.memory_space<semaphore_mem>>)
    %dma_start3A_7 = arith.constant 0 : i32
    %dma_start3A_8 = arith.constant 0 : i32
    %dma_start3A_9 = arith.constant 0 : i32
    %dma_start3A_10 = tpu.memref_slice %arg12[%dma_start3A_8, %dma_start3A_9] : memref<512x32xf32, #tpu.memory_space<vmem>> -> memref<128x32xf32, #tpu.memory_space<vmem>>
    %dma_start3A_11 = arith.constant 0 : i32
    %dma_start3A_12 = tpu.memref_slice %arg9[%dma_start3A_7, %dma_start3A_11] : memref<4x128xi32, #tpu.memory_space<vmem>> -> memref<1x128xi32, #tpu.memory_space<vmem>>
    %dma_start3A_13 = tpu.memref_squeeze %dma_start3A_12 : memref<1x128xi32, #tpu.memory_space<vmem>> -> memref<128xi32, #tpu.memory_space<vmem>>
    %dma_start3A_14 = arith.constant 0 : i32
    %dma_start3A_15 = arith.constant 0 : i32
    %dma_start3A_16 = tpu.memref_slice %arg6[%dma_start3A_14, %dma_start3A_15] : memref<1000001x32xf32, #tpu.memory_space<hbm>> -> memref<1000001x32xf32, #tpu.memory_space<hbm>>
    tpu.enqueue_indirect_dma source(%dma_start3A_16 : memref<1000001x32xf32, #tpu.memory_space<hbm>>) target(%dma_start3A_10 : memref<128x32xf32, #tpu.memory_space<vmem>>) offsets(%dma_start3A_13 : memref<128xi32, #tpu.memory_space<vmem>>) semaphore(%arg16 : memref<!tpu.dma_semaphore, #tpu.memory_space<semaphore_mem>>)
    %dma_start3A_17 = arith.constant 1 : i32
    %dma_start3A_18 = arith.constant 128 : i32
    %dma_start3A_19 = arith.constant 0 : i32
    %dma_start3A_20 = tpu.memref_slice %arg12[%dma_start3A_18, %dma_start3A_19] : memref<512x32xf32, #tpu.memory_space<vmem>> -> memref<128x32xf32, #tpu.memory_space<vmem>>
    %dma_start3A_21 = arith.constant 0 : i32
    %dma_start3A_22 = tpu.memref_slice %arg9[%dma_start3A_17, %dma_start3A_21] : memref<4x128xi32, #tpu.memory_space<vmem>> -> memref<1x128xi32, #tpu.memory_space<vmem>>
    %dma_start3A_23 = tpu.memref_squeeze %dma_start3A_22 : memref<1x128xi32, #tpu.memory_space<vmem>> -> memref<128xi32, #tpu.memory_space<vmem>>
    %dma_start3A_24 = arith.constant 0 : i32
    %dma_start3A_25 = arith.constant 0 : i32
    %dma_start3A_26 = tpu.memref_slice %arg6[%dma_start3A_24, %dma_start3A_25] : memref<1000001x32xf32, #tpu.memory_space<hbm>> -> memref<1000001x32xf32, #tpu.memory_space<hbm>>
    tpu.enqueue_indirect_dma source(%dma_start3A_26 : memref<1000001x32xf32, #tpu.memory_space<hbm>>) target(%dma_start3A_20 : memref<128x32xf32, #tpu.memory_space<vmem>>) offsets(%dma_start3A_23 : memref<128xi32, #tpu.memory_space<vmem>>) semaphore(%arg16 : memref<!tpu.dma_semaphore, #tpu.memory_space<semaphore_mem>>)
    %dma_start3A_27 = arith.constant 2 : i32
    %dma_start3A_28 = arith.constant 256 : i32
    %dma_start3A_29 = arith.constant 0 : i32
    %dma_start3A_30 = tpu.memref_slice %arg12[%dma_start3A_28, %dma_start3A_29] : memref<512x32xf32, #tpu.memory_space<vmem>> -> memref<128x32xf32, #tpu.memory_space<vmem>>
    %dma_start3A_31 = arith.constant 0 : i32
    %dma_start3A_32 = tpu.memref_slice %arg9[%dma_start3A_27, %dma_start3A_31] : memref<4x128xi32, #tpu.memory_space<vmem>> -> memref<1x128xi32, #tpu.memory_space<vmem>>
    %dma_start3A_33 = tpu.memref_squeeze %dma_start3A_32 : memref<1x128xi32, #tpu.memory_space<vmem>> -> memref<128xi32, #tpu.memory_space<vmem>>
    %dma_start3A_34 = arith.constant 0 : i32
    %dma_start3A_35 = arith.constant 0 : i32
    %dma_start3A_36 = tpu.memref_slice %arg6[%dma_start3A_34, %dma_start3A_35] : memref<1000001x32xf32, #tpu.memory_space<hbm>> -> memref<1000001x32xf32, #tpu.memory_space<hbm>>
    tpu.enqueue_indirect_dma source(%dma_start3A_36 : memref<1000001x32xf32, #tpu.memory_space<hbm>>) target(%dma_start3A_30 : memref<128x32xf32, #tpu.memory_space<vmem>>) offsets(%dma_start3A_33 : memref<128xi32, #tpu.memory_space<vmem>>) semaphore(%arg16 : memref<!tpu.dma_semaphore, #tpu.memory_space<semaphore_mem>>)
    %dma_start3A_37 = arith.constant 3 : i32
    %dma_start3A_38 = arith.constant 384 : i32
    %dma_start3A_39 = arith.constant 0 : i32
    %dma_start3A_40 = tpu.memref_slice %arg12[%dma_start3A_38, %dma_start3A_39] : memref<512x32xf32, #tpu.memory_space<vmem>> -> memref<128x32xf32, #tpu.memory_space<vmem>>
    %dma_start3A_41 = arith.constant 0 : i32
    %dma_start3A_42 = tpu.memref_slice %arg9[%dma_start3A_37, %dma_start3A_41] : memref<4x128xi32, #tpu.memory_space<vmem>> -> memref<1x128xi32, #tpu.memory_space<vmem>>
    %dma_start3A_43 = tpu.memref_squeeze %dma_start3A_42 : memref<1x128xi32, #tpu.memory_space<vmem>> -> memref<128xi32, #tpu.memory_space<vmem>>
    %dma_start3A_44 = arith.constant 0 : i32
    %dma_start3A_45 = arith.constant 0 : i32
    %dma_start3A_46 = tpu.memref_slice %arg6[%dma_start3A_44, %dma_start3A_45] : memref<1000001x32xf32, #tpu.memory_space<hbm>> -> memref<1000001x32xf32, #tpu.memory_space<hbm>>
    tpu.enqueue_indirect_dma source(%dma_start3A_46 : memref<1000001x32xf32, #tpu.memory_space<hbm>>) target(%dma_start3A_40 : memref<128x32xf32, #tpu.memory_space<vmem>>) offsets(%dma_start3A_43 : memref<128xi32, #tpu.memory_space<vmem>>) semaphore(%arg16 : memref<!tpu.dma_semaphore, #tpu.memory_space<semaphore_mem>>)
    %dma_start3A_47 = arith.constant 0 : i32
    %dma_start3A_48 = arith.constant 0 : i32
    %dma_start3A_49 = arith.constant 0 : i32
    %dma_start3A_50 = tpu.memref_slice %arg13[%dma_start3A_48, %dma_start3A_49] : memref<2560x32xf32, #tpu.memory_space<vmem>> -> memref<128x32xf32, #tpu.memory_space<vmem>>
    %dma_start3A_51 = arith.constant 0 : i32
    %dma_start3A_52 = tpu.memref_slice %arg10[%dma_start3A_47, %dma_start3A_51] : memref<20x128xi32, #tpu.memory_space<vmem>> -> memref<1x128xi32, #tpu.memory_space<vmem>>
    %dma_start3A_53 = tpu.memref_squeeze %dma_start3A_52 : memref<1x128xi32, #tpu.memory_space<vmem>> -> memref<128xi32, #tpu.memory_space<vmem>>
    %dma_start3A_54 = arith.constant 0 : i32
    %dma_start3A_55 = arith.constant 0 : i32
    %dma_start3A_56 = tpu.memref_slice %arg6[%dma_start3A_54, %dma_start3A_55] : memref<1000001x32xf32, #tpu.memory_space<hbm>> -> memref<1000001x32xf32, #tpu.memory_space<hbm>>
    tpu.enqueue_indirect_dma source(%dma_start3A_56 : memref<1000001x32xf32, #tpu.memory_space<hbm>>) target(%dma_start3A_50 : memref<128x32xf32, #tpu.memory_space<vmem>>) offsets(%dma_start3A_53 : memref<128xi32, #tpu.memory_space<vmem>>) semaphore(%arg16 : memref<!tpu.dma_semaphore, #tpu.memory_space<semaphore_mem>>)
    %dma_start3A_57 = arith.constant 1 : i32
    %dma_start3A_58 = arith.constant 128 : i32
    %dma_start3A_59 = arith.constant 0 : i32
    %dma_start3A_60 = tpu.memref_slice %arg13[%dma_start3A_58, %dma_start3A_59] : memref<2560x32xf32, #tpu.memory_space<vmem>> -> memref<128x32xf32, #tpu.memory_space<vmem>>
    %dma_start3A_61 = arith.constant 0 : i32
    %dma_start3A_62 = tpu.memref_slice %arg10[%dma_start3A_57, %dma_start3A_61] : memref<20x128xi32, #tpu.memory_space<vmem>> -> memref<1x128xi32, #tpu.memory_space<vmem>>
    %dma_start3A_63 = tpu.memref_squeeze %dma_start3A_62 : memref<1x128xi32, #tpu.memory_space<vmem>> -> memref<128xi32, #tpu.memory_space<vmem>>
    %dma_start3A_64 = arith.constant 0 : i32
    %dma_start3A_65 = arith.constant 0 : i32
    %dma_start3A_66 = tpu.memref_slice %arg6[%dma_start3A_64, %dma_start3A_65] : memref<1000001x32xf32, #tpu.memory_space<hbm>> -> memref<1000001x32xf32, #tpu.memory_space<hbm>>
    tpu.enqueue_indirect_dma source(%dma_start3A_66 : memref<1000001x32xf32, #tpu.memory_space<hbm>>) target(%dma_start3A_60 : memref<128x32xf32, #tpu.memory_space<vmem>>) offsets(%dma_start3A_63 : memref<128xi32, #tpu.memory_space<vmem>>) semaphore(%arg16 : memref<!tpu.dma_semaphore, #tpu.memory_space<semaphore_mem>>)
    %dma_start3A_67 = arith.constant 2 : i32
    %dma_start3A_68 = arith.constant 256 : i32
    %dma_start3A_69 = arith.constant 0 : i32
    %dma_start3A_70 = tpu.memref_slice %arg13[%dma_start3A_68, %dma_start3A_69] : memref<2560x32xf32, #tpu.memory_space<vmem>> -> memref<128x32xf32, #tpu.memory_space<vmem>>
    %dma_start3A_71 = arith.constant 0 : i32
    %dma_start3A_72 = tpu.memref_slice %arg10[%dma_start3A_67, %dma_start3A_71] : memref<20x128xi32, #tpu.memory_space<vmem>> -> memref<1x128xi32, #tpu.memory_space<vmem>>
    %dma_start3A_73 = tpu.memref_squeeze %dma_start3A_72 : memref<1x128xi32, #tpu.memory_space<vmem>> -> memref<128xi32, #tpu.memory_space<vmem>>
    %dma_start3A_74 = arith.constant 0 : i32
    %dma_start3A_75 = arith.constant 0 : i32
    %dma_start3A_76 = tpu.memref_slice %arg6[%dma_start3A_74, %dma_start3A_75] : memref<1000001x32xf32, #tpu.memory_space<hbm>> -> memref<1000001x32xf32, #tpu.memory_space<hbm>>
    tpu.enqueue_indirect_dma source(%dma_start3A_76 : memref<1000001x32xf32, #tpu.memory_space<hbm>>) target(%dma_start3A_70 : memref<128x32xf32, #tpu.memory_space<vmem>>) offsets(%dma_start3A_73 : memref<128xi32, #tpu.memory_space<vmem>>) semaphore(%arg16 : memref<!tpu.dma_semaphore, #tpu.memory_space<semaphore_mem>>)
    %dma_start3A_77 = arith.constant 3 : i32
    %dma_start3A_78 = arith.constant 384 : i32
    %dma_start3A_79 = arith.constant 0 : i32
    %dma_start3A_80 = tpu.memref_slice %arg13[%dma_start3A_78, %dma_start3A_79] : memref<2560x32xf32, #tpu.memory_space<vmem>> -> memref<128x32xf32, #tpu.memory_space<vmem>>
    %dma_start3A_81 = arith.constant 0 : i32
    %dma_start3A_82 = tpu.memref_slice %arg10[%dma_start3A_77, %dma_start3A_81] : memref<20x128xi32, #tpu.memory_space<vmem>> -> memref<1x128xi32, #tpu.memory_space<vmem>>
    %dma_start3A_83 = tpu.memref_squeeze %dma_start3A_82 : memref<1x128xi32, #tpu.memory_space<vmem>> -> memref<128xi32, #tpu.memory_space<vmem>>
    %dma_start3A_84 = arith.constant 0 : i32
    %dma_start3A_85 = arith.constant 0 : i32
    %dma_start3A_86 = tpu.memref_slice %arg6[%dma_start3A_84, %dma_start3A_85] : memref<1000001x32xf32, #tpu.memory_space<hbm>> -> memref<1000001x32xf32, #tpu.memory_space<hbm>>
    tpu.enqueue_indirect_dma source(%dma_start3A_86 : memref<1000001x32xf32, #tpu.memory_space<hbm>>) target(%dma_start3A_80 : memref<128x32xf32, #tpu.memory_space<vmem>>) offsets(%dma_start3A_83 : memref<128xi32, #tpu.memory_space<vmem>>) semaphore(%arg16 : memref<!tpu.dma_semaphore, #tpu.memory_space<semaphore_mem>>)
    %dma_start3A_87 = arith.constant 4 : i32
    %dma_start3A_88 = arith.constant 512 : i32
    %dma_start3A_89 = arith.constant 0 : i32
    %dma_start3A_90 = tpu.memref_slice %arg13[%dma_start3A_88, %dma_start3A_89] : memref<2560x32xf32, #tpu.memory_space<vmem>> -> memref<128x32xf32, #tpu.memory_space<vmem>>
    %dma_start3A_91 = arith.constant 0 : i32
    %dma_start3A_92 = tpu.memref_slice %arg10[%dma_start3A_87, %dma_start3A_91] : memref<20x128xi32, #tpu.memory_space<vmem>> -> memref<1x128xi32, #tpu.memory_space<vmem>>
    %dma_start3A_93 = tpu.memref_squeeze %dma_start3A_92 : memref<1x128xi32, #tpu.memory_space<vmem>> -> memref<128xi32, #tpu.memory_space<vmem>>
    %dma_start3A_94 = arith.constant 0 : i32
    %dma_start3A_95 = arith.constant 0 : i32
    %dma_start3A_96 = tpu.memref_slice %arg6[%dma_start3A_94, %dma_start3A_95] : memref<1000001x32xf32, #tpu.memory_space<hbm>> -> memref<1000001x32xf32, #tpu.memory_space<hbm>>
    tpu.enqueue_indirect_dma source(%dma_start3A_96 : memref<1000001x32xf32, #tpu.memory_space<hbm>>) target(%dma_start3A_90 : memref<128x32xf32, #tpu.memory_space<vmem>>) offsets(%dma_start3A_93 : memref<128xi32, #tpu.memory_space<vmem>>) semaphore(%arg16 : memref<!tpu.dma_semaphore, #tpu.memory_space<semaphore_mem>>)
    %dma_start3A_97 = arith.constant 5 : i32
    %dma_start3A_98 = arith.constant 640 : i32
    %dma_start3A_99 = arith.constant 0 : i32
    %dma_start3A_100 = tpu.memref_slice %arg13[%dma_start3A_98, %dma_start3A_99] : memref<2560x32xf32, #tpu.memory_space<vmem>> -> memref<128x32xf32, #tpu.memory_space<vmem>>
    %dma_start3A_101 = arith.constant 0 : i32
    %dma_start3A_102 = tpu.memref_slice %arg10[%dma_start3A_97, %dma_start3A_101] : memref<20x128xi32, #tpu.memory_space<vmem>> -> memref<1x128xi32, #tpu.memory_space<vmem>>
    %dma_start3A_103 = tpu.memref_squeeze %dma_start3A_102 : memref<1x128xi32, #tpu.memory_space<vmem>> -> memref<128xi32, #tpu.memory_space<vmem>>
    %dma_start3A_104 = arith.constant 0 : i32
    %dma_start3A_105 = arith.constant 0 : i32
    %dma_start3A_106 = tpu.memref_slice %arg6[%dma_start3A_104, %dma_start3A_105] : memref<1000001x32xf32, #tpu.memory_space<hbm>> -> memref<1000001x32xf32, #tpu.memory_space<hbm>>
    tpu.enqueue_indirect_dma source(%dma_start3A_106 : memref<1000001x32xf32, #tpu.memory_space<hbm>>) target(%dma_start3A_100 : memref<128x32xf32, #tpu.memory_space<vmem>>) offsets(%dma_start3A_103 : memref<128xi32, #tpu.memory_space<vmem>>) semaphore(%arg16 : memref<!tpu.dma_semaphore, #tpu.memory_space<semaphore_mem>>)
    %dma_start3A_107 = arith.constant 6 : i32
    %dma_start3A_108 = arith.constant 768 : i32
    %dma_start3A_109 = arith.constant 0 : i32
    %dma_start3A_110 = tpu.memref_slice %arg13[%dma_start3A_108, %dma_start3A_109] : memref<2560x32xf32, #tpu.memory_space<vmem>> -> memref<128x32xf32, #tpu.memory_space<vmem>>
    %dma_start3A_111 = arith.constant 0 : i32
    %dma_start3A_112 = tpu.memref_slice %arg10[%dma_start3A_107, %dma_start3A_111] : memref<20x128xi32, #tpu.memory_space<vmem>> -> memref<1x128xi32, #tpu.memory_space<vmem>>
    %dma_start3A_113 = tpu.memref_squeeze %dma_start3A_112 : memref<1x128xi32, #tpu.memory_space<vmem>> -> memref<128xi32, #tpu.memory_space<vmem>>
    %dma_start3A_114 = arith.constant 0 : i32
    %dma_start3A_115 = arith.constant 0 : i32
    %dma_start3A_116 = tpu.memref_slice %arg6[%dma_start3A_114, %dma_start3A_115] : memref<1000001x32xf32, #tpu.memory_space<hbm>> -> memref<1000001x32xf32, #tpu.memory_space<hbm>>
    tpu.enqueue_indirect_dma source(%dma_start3A_116 : memref<1000001x32xf32, #tpu.memory_space<hbm>>) target(%dma_start3A_110 : memref<128x32xf32, #tpu.memory_space<vmem>>) offsets(%dma_start3A_113 : memref<128xi32, #tpu.memory_space<vmem>>) semaphore(%arg16 : memref<!tpu.dma_semaphore, #tpu.memory_space<semaphore_mem>>)
    %dma_start3A_117 = arith.constant 7 : i32
    %dma_start3A_118 = arith.constant 896 : i32
    %dma_start3A_119 = arith.constant 0 : i32
    %dma_start3A_120 = tpu.memref_slice %arg13[%dma_start3A_118, %dma_start3A_119] : memref<2560x32xf32, #tpu.memory_space<vmem>> -> memref<128x32xf32, #tpu.memory_space<vmem>>
    %dma_start3A_121 = arith.constant 0 : i32
    %dma_start3A_122 = tpu.memref_slice %arg10[%dma_start3A_117, %dma_start3A_121] : memref<20x128xi32, #tpu.memory_space<vmem>> -> memref<1x128xi32, #tpu.memory_space<vmem>>
    %dma_start3A_123 = tpu.memref_squeeze %dma_start3A_122 : memref<1x128xi32, #tpu.memory_space<vmem>> -> memref<128xi32, #tpu.memory_space<vmem>>
    %dma_start3A_124 = arith.constant 0 : i32
    %dma_start3A_125 = arith.constant 0 : i32
    %dma_start3A_126 = tpu.memref_slice %arg6[%dma_start3A_124, %dma_start3A_125] : memref<1000001x32xf32, #tpu.memory_space<hbm>> -> memref<1000001x32xf32, #tpu.memory_space<hbm>>
    tpu.enqueue_indirect_dma source(%dma_start3A_126 : memref<1000001x32xf32, #tpu.memory_space<hbm>>) target(%dma_start3A_120 : memref<128x32xf32, #tpu.memory_space<vmem>>) offsets(%dma_start3A_123 : memref<128xi32, #tpu.memory_space<vmem>>) semaphore(%arg16 : memref<!tpu.dma_semaphore, #tpu.memory_space<semaphore_mem>>)
    %dma_start3A_127 = arith.constant 8 : i32
    %dma_start3A_128 = arith.constant 1024 : i32
    %dma_start3A_129 = arith.constant 0 : i32
    %dma_start3A_130 = tpu.memref_slice %arg13[%dma_start3A_128, %dma_start3A_129] : memref<2560x32xf32, #tpu.memory_space<vmem>> -> memref<128x32xf32, #tpu.memory_space<vmem>>
    %dma_start3A_131 = arith.constant 0 : i32
    %dma_start3A_132 = tpu.memref_slice %arg10[%dma_start3A_127, %dma_start3A_131] : memref<20x128xi32, #tpu.memory_space<vmem>> -> memref<1x128xi32, #tpu.memory_space<vmem>>
    %dma_start3A_133 = tpu.memref_squeeze %dma_start3A_132 : memref<1x128xi32, #tpu.memory_space<vmem>> -> memref<128xi32, #tpu.memory_space<vmem>>
    %dma_start3A_134 = arith.constant 0 : i32
    %dma_start3A_135 = arith.constant 0 : i32
    %dma_start3A_136 = tpu.memref_slice %arg6[%dma_start3A_134, %dma_start3A_135] : memref<1000001x32xf32, #tpu.memory_space<hbm>> -> memref<1000001x32xf32, #tpu.memory_space<hbm>>
    tpu.enqueue_indirect_dma source(%dma_start3A_136 : memref<1000001x32xf32, #tpu.memory_space<hbm>>) target(%dma_start3A_130 : memref<128x32xf32, #tpu.memory_space<vmem>>) offsets(%dma_start3A_133 : memref<128xi32, #tpu.memory_space<vmem>>) semaphore(%arg16 : memref<!tpu.dma_semaphore, #tpu.memory_space<semaphore_mem>>)
    %dma_start3A_137 = arith.constant 9 : i32
    %dma_start3A_138 = arith.constant 1152 : i32
    %dma_start3A_139 = arith.constant 0 : i32
    %dma_start3A_140 = tpu.memref_slice %arg13[%dma_start3A_138, %dma_start3A_139] : memref<2560x32xf32, #tpu.memory_space<vmem>> -> memref<128x32xf32, #tpu.memory_space<vmem>>
    %dma_start3A_141 = arith.constant 0 : i32
    %dma_start3A_142 = tpu.memref_slice %arg10[%dma_start3A_137, %dma_start3A_141] : memref<20x128xi32, #tpu.memory_space<vmem>> -> memref<1x128xi32, #tpu.memory_space<vmem>>
    %dma_start3A_143 = tpu.memref_squeeze %dma_start3A_142 : memref<1x128xi32, #tpu.memory_space<vmem>> -> memref<128xi32, #tpu.memory_space<vmem>>
    %dma_start3A_144 = arith.constant 0 : i32
    %dma_start3A_145 = arith.constant 0 : i32
    %dma_start3A_146 = tpu.memref_slice %arg6[%dma_start3A_144, %dma_start3A_145] : memref<1000001x32xf32, #tpu.memory_space<hbm>> -> memref<1000001x32xf32, #tpu.memory_space<hbm>>
    tpu.enqueue_indirect_dma source(%dma_start3A_146 : memref<1000001x32xf32, #tpu.memory_space<hbm>>) target(%dma_start3A_140 : memref<128x32xf32, #tpu.memory_space<vmem>>) offsets(%dma_start3A_143 : memref<128xi32, #tpu.memory_space<vmem>>) semaphore(%arg16 : memref<!tpu.dma_semaphore, #tpu.memory_space<semaphore_mem>>)
    %dma_start3A_147 = arith.constant 10 : i32
    %dma_start3A_148 = arith.constant 1280 : i32
    %dma_start3A_149 = arith.constant 0 : i32
    %dma_start3A_150 = tpu.memref_slice %arg13[%dma_start3A_148, %dma_start3A_149] : memref<2560x32xf32, #tpu.memory_space<vmem>> -> memref<128x32xf32, #tpu.memory_space<vmem>>
    %dma_start3A_151 = arith.constant 0 : i32
    %dma_start3A_152 = tpu.memref_slice %arg10[%dma_start3A_147, %dma_start3A_151] : memref<20x128xi32, #tpu.memory_space<vmem>> -> memref<1x128xi32, #tpu.memory_space<vmem>>
    %dma_start3A_153 = tpu.memref_squeeze %dma_start3A_152 : memref<1x128xi32, #tpu.memory_space<vmem>> -> memref<128xi32, #tpu.memory_space<vmem>>
    %dma_start3A_154 = arith.constant 0 : i32
    %dma_start3A_155 = arith.constant 0 : i32
    %dma_start3A_156 = tpu.memref_slice %arg6[%dma_start3A_154, %dma_start3A_155] : memref<1000001x32xf32, #tpu.memory_space<hbm>> -> memref<1000001x32xf32, #tpu.memory_space<hbm>>
    tpu.enqueue_indirect_dma source(%dma_start3A_156 : memref<1000001x32xf32, #tpu.memory_space<hbm>>) target(%dma_start3A_150 : memref<128x32xf32, #tpu.memory_space<vmem>>) offsets(%dma_start3A_153 : memref<128xi32, #tpu.memory_space<vmem>>) semaphore(%arg16 : memref<!tpu.dma_semaphore, #tpu.memory_space<semaphore_mem>>)
    %dma_start3A_157 = arith.constant 11 : i32
    %dma_start3A_158 = arith.constant 1408 : i32
    %dma_start3A_159 = arith.constant 0 : i32
    %dma_start3A_160 = tpu.memref_slice %arg13[%dma_start3A_158, %dma_start3A_159] : memref<2560x32xf32, #tpu.memory_space<vmem>> -> memref<128x32xf32, #tpu.memory_space<vmem>>
    %dma_start3A_161 = arith.constant 0 : i32
    %dma_start3A_162 = tpu.memref_slice %arg10[%dma_start3A_157, %dma_start3A_161] : memref<20x128xi32, #tpu.memory_space<vmem>> -> memref<1x128xi32, #tpu.memory_space<vmem>>
    %dma_start3A_163 = tpu.memref_squeeze %dma_start3A_162 : memref<1x128xi32, #tpu.memory_space<vmem>> -> memref<128xi32, #tpu.memory_space<vmem>>
    %dma_start3A_164 = arith.constant 0 : i32
    %dma_start3A_165 = arith.constant 0 : i32
    %dma_start3A_166 = tpu.memref_slice %arg6[%dma_start3A_164, %dma_start3A_165] : memref<1000001x32xf32, #tpu.memory_space<hbm>> -> memref<1000001x32xf32, #tpu.memory_space<hbm>>
    tpu.enqueue_indirect_dma source(%dma_start3A_166 : memref<1000001x32xf32, #tpu.memory_space<hbm>>) target(%dma_start3A_160 : memref<128x32xf32, #tpu.memory_space<vmem>>) offsets(%dma_start3A_163 : memref<128xi32, #tpu.memory_space<vmem>>) semaphore(%arg16 : memref<!tpu.dma_semaphore, #tpu.memory_space<semaphore_mem>>)
    %dma_start3A_167 = arith.constant 12 : i32
    %dma_start3A_168 = arith.constant 1536 : i32
    %dma_start3A_169 = arith.constant 0 : i32
    %dma_start3A_170 = tpu.memref_slice %arg13[%dma_start3A_168, %dma_start3A_169] : memref<2560x32xf32, #tpu.memory_space<vmem>> -> memref<128x32xf32, #tpu.memory_space<vmem>>
    %dma_start3A_171 = arith.constant 0 : i32
    %dma_start3A_172 = tpu.memref_slice %arg10[%dma_start3A_167, %dma_start3A_171] : memref<20x128xi32, #tpu.memory_space<vmem>> -> memref<1x128xi32, #tpu.memory_space<vmem>>
    %dma_start3A_173 = tpu.memref_squeeze %dma_start3A_172 : memref<1x128xi32, #tpu.memory_space<vmem>> -> memref<128xi32, #tpu.memory_space<vmem>>
    %dma_start3A_174 = arith.constant 0 : i32
    %dma_start3A_175 = arith.constant 0 : i32
    %dma_start3A_176 = tpu.memref_slice %arg6[%dma_start3A_174, %dma_start3A_175] : memref<1000001x32xf32, #tpu.memory_space<hbm>> -> memref<1000001x32xf32, #tpu.memory_space<hbm>>
    tpu.enqueue_indirect_dma source(%dma_start3A_176 : memref<1000001x32xf32, #tpu.memory_space<hbm>>) target(%dma_start3A_170 : memref<128x32xf32, #tpu.memory_space<vmem>>) offsets(%dma_start3A_173 : memref<128xi32, #tpu.memory_space<vmem>>) semaphore(%arg16 : memref<!tpu.dma_semaphore, #tpu.memory_space<semaphore_mem>>)
    %dma_start3A_177 = arith.constant 13 : i32
    %dma_start3A_178 = arith.constant 1664 : i32
    %dma_start3A_179 = arith.constant 0 : i32
    %dma_start3A_180 = tpu.memref_slice %arg13[%dma_start3A_178, %dma_start3A_179] : memref<2560x32xf32, #tpu.memory_space<vmem>> -> memref<128x32xf32, #tpu.memory_space<vmem>>
    %dma_start3A_181 = arith.constant 0 : i32
    %dma_start3A_182 = tpu.memref_slice %arg10[%dma_start3A_177, %dma_start3A_181] : memref<20x128xi32, #tpu.memory_space<vmem>> -> memref<1x128xi32, #tpu.memory_space<vmem>>
    %dma_start3A_183 = tpu.memref_squeeze %dma_start3A_182 : memref<1x128xi32, #tpu.memory_space<vmem>> -> memref<128xi32, #tpu.memory_space<vmem>>
    %dma_start3A_184 = arith.constant 0 : i32
    %dma_start3A_185 = arith.constant 0 : i32
    %dma_start3A_186 = tpu.memref_slice %arg6[%dma_start3A_184, %dma_start3A_185] : memref<1000001x32xf32, #tpu.memory_space<hbm>> -> memref<1000001x32xf32, #tpu.memory_space<hbm>>
    tpu.enqueue_indirect_dma source(%dma_start3A_186 : memref<1000001x32xf32, #tpu.memory_space<hbm>>) target(%dma_start3A_180 : memref<128x32xf32, #tpu.memory_space<vmem>>) offsets(%dma_start3A_183 : memref<128xi32, #tpu.memory_space<vmem>>) semaphore(%arg16 : memref<!tpu.dma_semaphore, #tpu.memory_space<semaphore_mem>>)
    %dma_start3A_187 = arith.constant 14 : i32
    %dma_start3A_188 = arith.constant 1792 : i32
    %dma_start3A_189 = arith.constant 0 : i32
    %dma_start3A_190 = tpu.memref_slice %arg13[%dma_start3A_188, %dma_start3A_189] : memref<2560x32xf32, #tpu.memory_space<vmem>> -> memref<128x32xf32, #tpu.memory_space<vmem>>
    %dma_start3A_191 = arith.constant 0 : i32
    %dma_start3A_192 = tpu.memref_slice %arg10[%dma_start3A_187, %dma_start3A_191] : memref<20x128xi32, #tpu.memory_space<vmem>> -> memref<1x128xi32, #tpu.memory_space<vmem>>
    %dma_start3A_193 = tpu.memref_squeeze %dma_start3A_192 : memref<1x128xi32, #tpu.memory_space<vmem>> -> memref<128xi32, #tpu.memory_space<vmem>>
    %dma_start3A_194 = arith.constant 0 : i32
    %dma_start3A_195 = arith.constant 0 : i32
    %dma_start3A_196 = tpu.memref_slice %arg6[%dma_start3A_194, %dma_start3A_195] : memref<1000001x32xf32, #tpu.memory_space<hbm>> -> memref<1000001x32xf32, #tpu.memory_space<hbm>>
    tpu.enqueue_indirect_dma source(%dma_start3A_196 : memref<1000001x32xf32, #tpu.memory_space<hbm>>) target(%dma_start3A_190 : memref<128x32xf32, #tpu.memory_space<vmem>>) offsets(%dma_start3A_193 : memref<128xi32, #tpu.memory_space<vmem>>) semaphore(%arg16 : memref<!tpu.dma_semaphore, #tpu.memory_space<semaphore_mem>>)
    %dma_start3A_197 = arith.constant 15 : i32
    %dma_start3A_198 = arith.constant 1920 : i32
    %dma_start3A_199 = arith.constant 0 : i32
    %dma_start3A_200 = tpu.memref_slice %arg13[%dma_start3A_198, %dma_start3A_199] : memref<2560x32xf32, #tpu.memory_space<vmem>> -> memref<128x32xf32, #tpu.memory_space<vmem>>
    %dma_start3A_201 = arith.constant 0 : i32
    %dma_start3A_202 = tpu.memref_slice %arg10[%dma_start3A_197, %dma_start3A_201] : memref<20x128xi32, #tpu.memory_space<vmem>> -> memref<1x128xi32, #tpu.memory_space<vmem>>
    %dma_start3A_203 = tpu.memref_squeeze %dma_start3A_202 : memref<1x128xi32, #tpu.memory_space<vmem>> -> memref<128xi32, #tpu.memory_space<vmem>>
    %dma_start3A_204 = arith.constant 0 : i32
    %dma_start3A_205 = arith.constant 0 : i32
    %dma_start3A_206 = tpu.memref_slice %arg6[%dma_start3A_204, %dma_start3A_205] : memref<1000001x32xf32, #tpu.memory_space<hbm>> -> memref<1000001x32xf32, #tpu.memory_space<hbm>>
    tpu.enqueue_indirect_dma source(%dma_start3A_206 : memref<1000001x32xf32, #tpu.memory_space<hbm>>) target(%dma_start3A_200 : memref<128x32xf32, #tpu.memory_space<vmem>>) offsets(%dma_start3A_203 : memref<128xi32, #tpu.memory_space<vmem>>) semaphore(%arg16 : memref<!tpu.dma_semaphore, #tpu.memory_space<semaphore_mem>>)
    %dma_start3A_207 = arith.constant 16 : i32
    %dma_start3A_208 = arith.constant 2048 : i32
    %dma_start3A_209 = arith.constant 0 : i32
    %dma_start3A_210 = tpu.memref_slice %arg13[%dma_start3A_208, %dma_start3A_209] : memref<2560x32xf32, #tpu.memory_space<vmem>> -> memref<128x32xf32, #tpu.memory_space<vmem>>
    %dma_start3A_211 = arith.constant 0 : i32
    %dma_start3A_212 = tpu.memref_slice %arg10[%dma_start3A_207, %dma_start3A_211] : memref<20x128xi32, #tpu.memory_space<vmem>> -> memref<1x128xi32, #tpu.memory_space<vmem>>
    %dma_start3A_213 = tpu.memref_squeeze %dma_start3A_212 : memref<1x128xi32, #tpu.memory_space<vmem>> -> memref<128xi32, #tpu.memory_space<vmem>>
    %dma_start3A_214 = arith.constant 0 : i32
    %dma_start3A_215 = arith.constant 0 : i32
    %dma_start3A_216 = tpu.memref_slice %arg6[%dma_start3A_214, %dma_start3A_215] : memref<1000001x32xf32, #tpu.memory_space<hbm>> -> memref<1000001x32xf32, #tpu.memory_space<hbm>>
    tpu.enqueue_indirect_dma source(%dma_start3A_216 : memref<1000001x32xf32, #tpu.memory_space<hbm>>) target(%dma_start3A_210 : memref<128x32xf32, #tpu.memory_space<vmem>>) offsets(%dma_start3A_213 : memref<128xi32, #tpu.memory_space<vmem>>) semaphore(%arg16 : memref<!tpu.dma_semaphore, #tpu.memory_space<semaphore_mem>>)
    %dma_start3A_217 = arith.constant 17 : i32
    %dma_start3A_218 = arith.constant 2176 : i32
    %dma_start3A_219 = arith.constant 0 : i32
    %dma_start3A_220 = tpu.memref_slice %arg13[%dma_start3A_218, %dma_start3A_219] : memref<2560x32xf32, #tpu.memory_space<vmem>> -> memref<128x32xf32, #tpu.memory_space<vmem>>
    %dma_start3A_221 = arith.constant 0 : i32
    %dma_start3A_222 = tpu.memref_slice %arg10[%dma_start3A_217, %dma_start3A_221] : memref<20x128xi32, #tpu.memory_space<vmem>> -> memref<1x128xi32, #tpu.memory_space<vmem>>
    %dma_start3A_223 = tpu.memref_squeeze %dma_start3A_222 : memref<1x128xi32, #tpu.memory_space<vmem>> -> memref<128xi32, #tpu.memory_space<vmem>>
    %dma_start3A_224 = arith.constant 0 : i32
    %dma_start3A_225 = arith.constant 0 : i32
    %dma_start3A_226 = tpu.memref_slice %arg6[%dma_start3A_224, %dma_start3A_225] : memref<1000001x32xf32, #tpu.memory_space<hbm>> -> memref<1000001x32xf32, #tpu.memory_space<hbm>>
    tpu.enqueue_indirect_dma source(%dma_start3A_226 : memref<1000001x32xf32, #tpu.memory_space<hbm>>) target(%dma_start3A_220 : memref<128x32xf32, #tpu.memory_space<vmem>>) offsets(%dma_start3A_223 : memref<128xi32, #tpu.memory_space<vmem>>) semaphore(%arg16 : memref<!tpu.dma_semaphore, #tpu.memory_space<semaphore_mem>>)
    %dma_start3A_227 = arith.constant 18 : i32
    %dma_start3A_228 = arith.constant 2304 : i32
    %dma_start3A_229 = arith.constant 0 : i32
    %dma_start3A_230 = tpu.memref_slice %arg13[%dma_start3A_228, %dma_start3A_229] : memref<2560x32xf32, #tpu.memory_space<vmem>> -> memref<128x32xf32, #tpu.memory_space<vmem>>
    %dma_start3A_231 = arith.constant 0 : i32
    %dma_start3A_232 = tpu.memref_slice %arg10[%dma_start3A_227, %dma_start3A_231] : memref<20x128xi32, #tpu.memory_space<vmem>> -> memref<1x128xi32, #tpu.memory_space<vmem>>
    %dma_start3A_233 = tpu.memref_squeeze %dma_start3A_232 : memref<1x128xi32, #tpu.memory_space<vmem>> -> memref<128xi32, #tpu.memory_space<vmem>>
    %dma_start3A_234 = arith.constant 0 : i32
    %dma_start3A_235 = arith.constant 0 : i32
    %dma_start3A_236 = tpu.memref_slice %arg6[%dma_start3A_234, %dma_start3A_235] : memref<1000001x32xf32, #tpu.memory_space<hbm>> -> memref<1000001x32xf32, #tpu.memory_space<hbm>>
    tpu.enqueue_indirect_dma source(%dma_start3A_236 : memref<1000001x32xf32, #tpu.memory_space<hbm>>) target(%dma_start3A_230 : memref<128x32xf32, #tpu.memory_space<vmem>>) offsets(%dma_start3A_233 : memref<128xi32, #tpu.memory_space<vmem>>) semaphore(%arg16 : memref<!tpu.dma_semaphore, #tpu.memory_space<semaphore_mem>>)
    %dma_start3A_237 = arith.constant 19 : i32
    %dma_start3A_238 = arith.constant 2432 : i32
    %dma_start3A_239 = arith.constant 0 : i32
    %dma_start3A_240 = tpu.memref_slice %arg13[%dma_start3A_238, %dma_start3A_239] : memref<2560x32xf32, #tpu.memory_space<vmem>> -> memref<128x32xf32, #tpu.memory_space<vmem>>
    %dma_start3A_241 = arith.constant 0 : i32
    %dma_start3A_242 = tpu.memref_slice %arg10[%dma_start3A_237, %dma_start3A_241] : memref<20x128xi32, #tpu.memory_space<vmem>> -> memref<1x128xi32, #tpu.memory_space<vmem>>
    %dma_start3A_243 = tpu.memref_squeeze %dma_start3A_242 : memref<1x128xi32, #tpu.memory_space<vmem>> -> memref<128xi32, #tpu.memory_space<vmem>>
    %dma_start3A_244 = arith.constant 0 : i32
    %dma_start3A_245 = arith.constant 0 : i32
    %dma_start3A_246 = tpu.memref_slice %arg6[%dma_start3A_244, %dma_start3A_245] : memref<1000001x32xf32, #tpu.memory_space<hbm>> -> memref<1000001x32xf32, #tpu.memory_space<hbm>>
    tpu.enqueue_indirect_dma source(%dma_start3A_246 : memref<1000001x32xf32, #tpu.memory_space<hbm>>) target(%dma_start3A_240 : memref<128x32xf32, #tpu.memory_space<vmem>>) offsets(%dma_start3A_243 : memref<128xi32, #tpu.memory_space<vmem>>) semaphore(%arg16 : memref<!tpu.dma_semaphore, #tpu.memory_space<semaphore_mem>>)
    %dma_wait3A = arith.constant 0 : i32
    %dma_wait3A_247 = arith.constant 0 : i32
    %dma_wait3A_248 = tpu.memref_slice %arg8[%dma_wait3A, %dma_wait3A_247] : memref<1x128xi32, #tpu.memory_space<vmem>> -> memref<1x128xi32, #tpu.memory_space<vmem>>
    %dma_wait3A_249 = tpu.memref_squeeze %dma_wait3A_248 : memref<1x128xi32, #tpu.memory_space<vmem>> -> memref<128xi32, #tpu.memory_space<vmem>>
    %dma_wait3A_250 = arith.constant 0 : i32
    %dma_wait3A_251 = arith.constant 0 : i32
    %dma_wait3A_252 = tpu.memref_slice %arg5[%dma_wait3A_250, %dma_wait3A_251] : memref<1000001x32xf32, #tpu.memory_space<hbm>> -> memref<1000001x32xf32, #tpu.memory_space<hbm>>
    tpu.wait_indirect_dma semaphore(%arg16 : memref<!tpu.dma_semaphore, #tpu.memory_space<semaphore_mem>>) src(%dma_wait3A_252 : memref<1000001x32xf32, #tpu.memory_space<hbm>>) dst(%arg11 : memref<128x32xf32, #tpu.memory_space<vmem>>)
    %dma_wait3A_253 = arith.constant 0 : i32
    %dma_wait3A_254 = arith.constant 0 : i32
    %dma_wait3A_255 = arith.constant 0 : i32
    %dma_wait3A_256 = tpu.memref_slice %arg12[%dma_wait3A_254, %dma_wait3A_255] : memref<512x32xf32, #tpu.memory_space<vmem>> -> memref<128x32xf32, #tpu.memory_space<vmem>>
    %dma_wait3A_257 = arith.constant 0 : i32
    %dma_wait3A_258 = tpu.memref_slice %arg9[%dma_wait3A_253, %dma_wait3A_257] : memref<4x128xi32, #tpu.memory_space<vmem>> -> memref<1x128xi32, #tpu.memory_space<vmem>>
    %dma_wait3A_259 = tpu.memref_squeeze %dma_wait3A_258 : memref<1x128xi32, #tpu.memory_space<vmem>> -> memref<128xi32, #tpu.memory_space<vmem>>
    %dma_wait3A_260 = arith.constant 0 : i32
    %dma_wait3A_261 = arith.constant 0 : i32
    %dma_wait3A_262 = tpu.memref_slice %arg6[%dma_wait3A_260, %dma_wait3A_261] : memref<1000001x32xf32, #tpu.memory_space<hbm>> -> memref<1000001x32xf32, #tpu.memory_space<hbm>>
    tpu.wait_indirect_dma semaphore(%arg16 : memref<!tpu.dma_semaphore, #tpu.memory_space<semaphore_mem>>) src(%dma_wait3A_262 : memref<1000001x32xf32, #tpu.memory_space<hbm>>) dst(%dma_wait3A_256 : memref<128x32xf32, #tpu.memory_space<vmem>>)
    %dma_wait3A_263 = arith.constant 1 : i32
    %dma_wait3A_264 = arith.constant 128 : i32
    %dma_wait3A_265 = arith.constant 0 : i32
    %dma_wait3A_266 = tpu.memref_slice %arg12[%dma_wait3A_264, %dma_wait3A_265] : memref<512x32xf32, #tpu.memory_space<vmem>> -> memref<128x32xf32, #tpu.memory_space<vmem>>
    %dma_wait3A_267 = arith.constant 0 : i32
    %dma_wait3A_268 = tpu.memref_slice %arg9[%dma_wait3A_263, %dma_wait3A_267] : memref<4x128xi32, #tpu.memory_space<vmem>> -> memref<1x128xi32, #tpu.memory_space<vmem>>
    %dma_wait3A_269 = tpu.memref_squeeze %dma_wait3A_268 : memref<1x128xi32, #tpu.memory_space<vmem>> -> memref<128xi32, #tpu.memory_space<vmem>>
    %dma_wait3A_270 = arith.constant 0 : i32
    %dma_wait3A_271 = arith.constant 0 : i32
    %dma_wait3A_272 = tpu.memref_slice %arg6[%dma_wait3A_270, %dma_wait3A_271] : memref<1000001x32xf32, #tpu.memory_space<hbm>> -> memref<1000001x32xf32, #tpu.memory_space<hbm>>
    tpu.wait_indirect_dma semaphore(%arg16 : memref<!tpu.dma_semaphore, #tpu.memory_space<semaphore_mem>>) src(%dma_wait3A_272 : memref<1000001x32xf32, #tpu.memory_space<hbm>>) dst(%dma_wait3A_266 : memref<128x32xf32, #tpu.memory_space<vmem>>)
    %dma_wait3A_273 = arith.constant 2 : i32
    %dma_wait3A_274 = arith.constant 256 : i32
    %dma_wait3A_275 = arith.constant 0 : i32
    %dma_wait3A_276 = tpu.memref_slice %arg12[%dma_wait3A_274, %dma_wait3A_275] : memref<512x32xf32, #tpu.memory_space<vmem>> -> memref<128x32xf32, #tpu.memory_space<vmem>>
    %dma_wait3A_277 = arith.constant 0 : i32
    %dma_wait3A_278 = tpu.memref_slice %arg9[%dma_wait3A_273, %dma_wait3A_277] : memref<4x128xi32, #tpu.memory_space<vmem>> -> memref<1x128xi32, #tpu.memory_space<vmem>>
    %dma_wait3A_279 = tpu.memref_squeeze %dma_wait3A_278 : memref<1x128xi32, #tpu.memory_space<vmem>> -> memref<128xi32, #tpu.memory_space<vmem>>
    %dma_wait3A_280 = arith.constant 0 : i32
    %dma_wait3A_281 = arith.constant 0 : i32
    %dma_wait3A_282 = tpu.memref_slice %arg6[%dma_wait3A_280, %dma_wait3A_281] : memref<1000001x32xf32, #tpu.memory_space<hbm>> -> memref<1000001x32xf32, #tpu.memory_space<hbm>>
    tpu.wait_indirect_dma semaphore(%arg16 : memref<!tpu.dma_semaphore, #tpu.memory_space<semaphore_mem>>) src(%dma_wait3A_282 : memref<1000001x32xf32, #tpu.memory_space<hbm>>) dst(%dma_wait3A_276 : memref<128x32xf32, #tpu.memory_space<vmem>>)
    %dma_wait3A_283 = arith.constant 3 : i32
    %dma_wait3A_284 = arith.constant 384 : i32
    %dma_wait3A_285 = arith.constant 0 : i32
    %dma_wait3A_286 = tpu.memref_slice %arg12[%dma_wait3A_284, %dma_wait3A_285] : memref<512x32xf32, #tpu.memory_space<vmem>> -> memref<128x32xf32, #tpu.memory_space<vmem>>
    %dma_wait3A_287 = arith.constant 0 : i32
    %dma_wait3A_288 = tpu.memref_slice %arg9[%dma_wait3A_283, %dma_wait3A_287] : memref<4x128xi32, #tpu.memory_space<vmem>> -> memref<1x128xi32, #tpu.memory_space<vmem>>
    %dma_wait3A_289 = tpu.memref_squeeze %dma_wait3A_288 : memref<1x128xi32, #tpu.memory_space<vmem>> -> memref<128xi32, #tpu.memory_space<vmem>>
    %dma_wait3A_290 = arith.constant 0 : i32
    %dma_wait3A_291 = arith.constant 0 : i32
    %dma_wait3A_292 = tpu.memref_slice %arg6[%dma_wait3A_290, %dma_wait3A_291] : memref<1000001x32xf32, #tpu.memory_space<hbm>> -> memref<1000001x32xf32, #tpu.memory_space<hbm>>
    tpu.wait_indirect_dma semaphore(%arg16 : memref<!tpu.dma_semaphore, #tpu.memory_space<semaphore_mem>>) src(%dma_wait3A_292 : memref<1000001x32xf32, #tpu.memory_space<hbm>>) dst(%dma_wait3A_286 : memref<128x32xf32, #tpu.memory_space<vmem>>)
    %dma_wait3A_293 = arith.constant 0 : i32
    %dma_wait3A_294 = arith.constant 0 : i32
    %dma_wait3A_295 = arith.constant 0 : i32
    %dma_wait3A_296 = tpu.memref_slice %arg13[%dma_wait3A_294, %dma_wait3A_295] : memref<2560x32xf32, #tpu.memory_space<vmem>> -> memref<128x32xf32, #tpu.memory_space<vmem>>
    %dma_wait3A_297 = arith.constant 0 : i32
    %dma_wait3A_298 = tpu.memref_slice %arg10[%dma_wait3A_293, %dma_wait3A_297] : memref<20x128xi32, #tpu.memory_space<vmem>> -> memref<1x128xi32, #tpu.memory_space<vmem>>
    %dma_wait3A_299 = tpu.memref_squeeze %dma_wait3A_298 : memref<1x128xi32, #tpu.memory_space<vmem>> -> memref<128xi32, #tpu.memory_space<vmem>>
    %dma_wait3A_300 = arith.constant 0 : i32
    %dma_wait3A_301 = arith.constant 0 : i32
    %dma_wait3A_302 = tpu.memref_slice %arg6[%dma_wait3A_300, %dma_wait3A_301] : memref<1000001x32xf32, #tpu.memory_space<hbm>> -> memref<1000001x32xf32, #tpu.memory_space<hbm>>
    tpu.wait_indirect_dma semaphore(%arg16 : memref<!tpu.dma_semaphore, #tpu.memory_space<semaphore_mem>>) src(%dma_wait3A_302 : memref<1000001x32xf32, #tpu.memory_space<hbm>>) dst(%dma_wait3A_296 : memref<128x32xf32, #tpu.memory_space<vmem>>)
    %dma_wait3A_303 = arith.constant 1 : i32
    %dma_wait3A_304 = arith.constant 128 : i32
    %dma_wait3A_305 = arith.constant 0 : i32
    %dma_wait3A_306 = tpu.memref_slice %arg13[%dma_wait3A_304, %dma_wait3A_305] : memref<2560x32xf32, #tpu.memory_space<vmem>> -> memref<128x32xf32, #tpu.memory_space<vmem>>
    %dma_wait3A_307 = arith.constant 0 : i32
    %dma_wait3A_308 = tpu.memref_slice %arg10[%dma_wait3A_303, %dma_wait3A_307] : memref<20x128xi32, #tpu.memory_space<vmem>> -> memref<1x128xi32, #tpu.memory_space<vmem>>
    %dma_wait3A_309 = tpu.memref_squeeze %dma_wait3A_308 : memref<1x128xi32, #tpu.memory_space<vmem>> -> memref<128xi32, #tpu.memory_space<vmem>>
    %dma_wait3A_310 = arith.constant 0 : i32
    %dma_wait3A_311 = arith.constant 0 : i32
    %dma_wait3A_312 = tpu.memref_slice %arg6[%dma_wait3A_310, %dma_wait3A_311] : memref<1000001x32xf32, #tpu.memory_space<hbm>> -> memref<1000001x32xf32, #tpu.memory_space<hbm>>
    tpu.wait_indirect_dma semaphore(%arg16 : memref<!tpu.dma_semaphore, #tpu.memory_space<semaphore_mem>>) src(%dma_wait3A_312 : memref<1000001x32xf32, #tpu.memory_space<hbm>>) dst(%dma_wait3A_306 : memref<128x32xf32, #tpu.memory_space<vmem>>)
    %dma_wait3A_313 = arith.constant 2 : i32
    %dma_wait3A_314 = arith.constant 256 : i32
    %dma_wait3A_315 = arith.constant 0 : i32
    %dma_wait3A_316 = tpu.memref_slice %arg13[%dma_wait3A_314, %dma_wait3A_315] : memref<2560x32xf32, #tpu.memory_space<vmem>> -> memref<128x32xf32, #tpu.memory_space<vmem>>
    %dma_wait3A_317 = arith.constant 0 : i32
    %dma_wait3A_318 = tpu.memref_slice %arg10[%dma_wait3A_313, %dma_wait3A_317] : memref<20x128xi32, #tpu.memory_space<vmem>> -> memref<1x128xi32, #tpu.memory_space<vmem>>
    %dma_wait3A_319 = tpu.memref_squeeze %dma_wait3A_318 : memref<1x128xi32, #tpu.memory_space<vmem>> -> memref<128xi32, #tpu.memory_space<vmem>>
    %dma_wait3A_320 = arith.constant 0 : i32
    %dma_wait3A_321 = arith.constant 0 : i32
    %dma_wait3A_322 = tpu.memref_slice %arg6[%dma_wait3A_320, %dma_wait3A_321] : memref<1000001x32xf32, #tpu.memory_space<hbm>> -> memref<1000001x32xf32, #tpu.memory_space<hbm>>
    tpu.wait_indirect_dma semaphore(%arg16 : memref<!tpu.dma_semaphore, #tpu.memory_space<semaphore_mem>>) src(%dma_wait3A_322 : memref<1000001x32xf32, #tpu.memory_space<hbm>>) dst(%dma_wait3A_316 : memref<128x32xf32, #tpu.memory_space<vmem>>)
    %dma_wait3A_323 = arith.constant 3 : i32
    %dma_wait3A_324 = arith.constant 384 : i32
    %dma_wait3A_325 = arith.constant 0 : i32
    %dma_wait3A_326 = tpu.memref_slice %arg13[%dma_wait3A_324, %dma_wait3A_325] : memref<2560x32xf32, #tpu.memory_space<vmem>> -> memref<128x32xf32, #tpu.memory_space<vmem>>
    %dma_wait3A_327 = arith.constant 0 : i32
    %dma_wait3A_328 = tpu.memref_slice %arg10[%dma_wait3A_323, %dma_wait3A_327] : memref<20x128xi32, #tpu.memory_space<vmem>> -> memref<1x128xi32, #tpu.memory_space<vmem>>
    %dma_wait3A_329 = tpu.memref_squeeze %dma_wait3A_328 : memref<1x128xi32, #tpu.memory_space<vmem>> -> memref<128xi32, #tpu.memory_space<vmem>>
    %dma_wait3A_330 = arith.constant 0 : i32
    %dma_wait3A_331 = arith.constant 0 : i32
    %dma_wait3A_332 = tpu.memref_slice %arg6[%dma_wait3A_330, %dma_wait3A_331] : memref<1000001x32xf32, #tpu.memory_space<hbm>> -> memref<1000001x32xf32, #tpu.memory_space<hbm>>
    tpu.wait_indirect_dma semaphore(%arg16 : memref<!tpu.dma_semaphore, #tpu.memory_space<semaphore_mem>>) src(%dma_wait3A_332 : memref<1000001x32xf32, #tpu.memory_space<hbm>>) dst(%dma_wait3A_326 : memref<128x32xf32, #tpu.memory_space<vmem>>)
    %dma_wait3A_333 = arith.constant 4 : i32
    %dma_wait3A_334 = arith.constant 512 : i32
    %dma_wait3A_335 = arith.constant 0 : i32
    %dma_wait3A_336 = tpu.memref_slice %arg13[%dma_wait3A_334, %dma_wait3A_335] : memref<2560x32xf32, #tpu.memory_space<vmem>> -> memref<128x32xf32, #tpu.memory_space<vmem>>
    %dma_wait3A_337 = arith.constant 0 : i32
    %dma_wait3A_338 = tpu.memref_slice %arg10[%dma_wait3A_333, %dma_wait3A_337] : memref<20x128xi32, #tpu.memory_space<vmem>> -> memref<1x128xi32, #tpu.memory_space<vmem>>
    %dma_wait3A_339 = tpu.memref_squeeze %dma_wait3A_338 : memref<1x128xi32, #tpu.memory_space<vmem>> -> memref<128xi32, #tpu.memory_space<vmem>>
    %dma_wait3A_340 = arith.constant 0 : i32
    %dma_wait3A_341 = arith.constant 0 : i32
    %dma_wait3A_342 = tpu.memref_slice %arg6[%dma_wait3A_340, %dma_wait3A_341] : memref<1000001x32xf32, #tpu.memory_space<hbm>> -> memref<1000001x32xf32, #tpu.memory_space<hbm>>
    tpu.wait_indirect_dma semaphore(%arg16 : memref<!tpu.dma_semaphore, #tpu.memory_space<semaphore_mem>>) src(%dma_wait3A_342 : memref<1000001x32xf32, #tpu.memory_space<hbm>>) dst(%dma_wait3A_336 : memref<128x32xf32, #tpu.memory_space<vmem>>)
    %dma_wait3A_343 = arith.constant 5 : i32
    %dma_wait3A_344 = arith.constant 640 : i32
    %dma_wait3A_345 = arith.constant 0 : i32
    %dma_wait3A_346 = tpu.memref_slice %arg13[%dma_wait3A_344, %dma_wait3A_345] : memref<2560x32xf32, #tpu.memory_space<vmem>> -> memref<128x32xf32, #tpu.memory_space<vmem>>
    %dma_wait3A_347 = arith.constant 0 : i32
    %dma_wait3A_348 = tpu.memref_slice %arg10[%dma_wait3A_343, %dma_wait3A_347] : memref<20x128xi32, #tpu.memory_space<vmem>> -> memref<1x128xi32, #tpu.memory_space<vmem>>
    %dma_wait3A_349 = tpu.memref_squeeze %dma_wait3A_348 : memref<1x128xi32, #tpu.memory_space<vmem>> -> memref<128xi32, #tpu.memory_space<vmem>>
    %dma_wait3A_350 = arith.constant 0 : i32
    %dma_wait3A_351 = arith.constant 0 : i32
    %dma_wait3A_352 = tpu.memref_slice %arg6[%dma_wait3A_350, %dma_wait3A_351] : memref<1000001x32xf32, #tpu.memory_space<hbm>> -> memref<1000001x32xf32, #tpu.memory_space<hbm>>
    tpu.wait_indirect_dma semaphore(%arg16 : memref<!tpu.dma_semaphore, #tpu.memory_space<semaphore_mem>>) src(%dma_wait3A_352 : memref<1000001x32xf32, #tpu.memory_space<hbm>>) dst(%dma_wait3A_346 : memref<128x32xf32, #tpu.memory_space<vmem>>)
    %dma_wait3A_353 = arith.constant 6 : i32
    %dma_wait3A_354 = arith.constant 768 : i32
    %dma_wait3A_355 = arith.constant 0 : i32
    %dma_wait3A_356 = tpu.memref_slice %arg13[%dma_wait3A_354, %dma_wait3A_355] : memref<2560x32xf32, #tpu.memory_space<vmem>> -> memref<128x32xf32, #tpu.memory_space<vmem>>
    %dma_wait3A_357 = arith.constant 0 : i32
    %dma_wait3A_358 = tpu.memref_slice %arg10[%dma_wait3A_353, %dma_wait3A_357] : memref<20x128xi32, #tpu.memory_space<vmem>> -> memref<1x128xi32, #tpu.memory_space<vmem>>
    %dma_wait3A_359 = tpu.memref_squeeze %dma_wait3A_358 : memref<1x128xi32, #tpu.memory_space<vmem>> -> memref<128xi32, #tpu.memory_space<vmem>>
    %dma_wait3A_360 = arith.constant 0 : i32
    %dma_wait3A_361 = arith.constant 0 : i32
    %dma_wait3A_362 = tpu.memref_slice %arg6[%dma_wait3A_360, %dma_wait3A_361] : memref<1000001x32xf32, #tpu.memory_space<hbm>> -> memref<1000001x32xf32, #tpu.memory_space<hbm>>
    tpu.wait_indirect_dma semaphore(%arg16 : memref<!tpu.dma_semaphore, #tpu.memory_space<semaphore_mem>>) src(%dma_wait3A_362 : memref<1000001x32xf32, #tpu.memory_space<hbm>>) dst(%dma_wait3A_356 : memref<128x32xf32, #tpu.memory_space<vmem>>)
    %dma_wait3A_363 = arith.constant 7 : i32
    %dma_wait3A_364 = arith.constant 896 : i32
    %dma_wait3A_365 = arith.constant 0 : i32
    %dma_wait3A_366 = tpu.memref_slice %arg13[%dma_wait3A_364, %dma_wait3A_365] : memref<2560x32xf32, #tpu.memory_space<vmem>> -> memref<128x32xf32, #tpu.memory_space<vmem>>
    %dma_wait3A_367 = arith.constant 0 : i32
    %dma_wait3A_368 = tpu.memref_slice %arg10[%dma_wait3A_363, %dma_wait3A_367] : memref<20x128xi32, #tpu.memory_space<vmem>> -> memref<1x128xi32, #tpu.memory_space<vmem>>
    %dma_wait3A_369 = tpu.memref_squeeze %dma_wait3A_368 : memref<1x128xi32, #tpu.memory_space<vmem>> -> memref<128xi32, #tpu.memory_space<vmem>>
    %dma_wait3A_370 = arith.constant 0 : i32
    %dma_wait3A_371 = arith.constant 0 : i32
    %dma_wait3A_372 = tpu.memref_slice %arg6[%dma_wait3A_370, %dma_wait3A_371] : memref<1000001x32xf32, #tpu.memory_space<hbm>> -> memref<1000001x32xf32, #tpu.memory_space<hbm>>
    tpu.wait_indirect_dma semaphore(%arg16 : memref<!tpu.dma_semaphore, #tpu.memory_space<semaphore_mem>>) src(%dma_wait3A_372 : memref<1000001x32xf32, #tpu.memory_space<hbm>>) dst(%dma_wait3A_366 : memref<128x32xf32, #tpu.memory_space<vmem>>)
    %dma_wait3A_373 = arith.constant 8 : i32
    %dma_wait3A_374 = arith.constant 1024 : i32
    %dma_wait3A_375 = arith.constant 0 : i32
    %dma_wait3A_376 = tpu.memref_slice %arg13[%dma_wait3A_374, %dma_wait3A_375] : memref<2560x32xf32, #tpu.memory_space<vmem>> -> memref<128x32xf32, #tpu.memory_space<vmem>>
    %dma_wait3A_377 = arith.constant 0 : i32
    %dma_wait3A_378 = tpu.memref_slice %arg10[%dma_wait3A_373, %dma_wait3A_377] : memref<20x128xi32, #tpu.memory_space<vmem>> -> memref<1x128xi32, #tpu.memory_space<vmem>>
    %dma_wait3A_379 = tpu.memref_squeeze %dma_wait3A_378 : memref<1x128xi32, #tpu.memory_space<vmem>> -> memref<128xi32, #tpu.memory_space<vmem>>
    %dma_wait3A_380 = arith.constant 0 : i32
    %dma_wait3A_381 = arith.constant 0 : i32
    %dma_wait3A_382 = tpu.memref_slice %arg6[%dma_wait3A_380, %dma_wait3A_381] : memref<1000001x32xf32, #tpu.memory_space<hbm>> -> memref<1000001x32xf32, #tpu.memory_space<hbm>>
    tpu.wait_indirect_dma semaphore(%arg16 : memref<!tpu.dma_semaphore, #tpu.memory_space<semaphore_mem>>) src(%dma_wait3A_382 : memref<1000001x32xf32, #tpu.memory_space<hbm>>) dst(%dma_wait3A_376 : memref<128x32xf32, #tpu.memory_space<vmem>>)
    %dma_wait3A_383 = arith.constant 9 : i32
    %dma_wait3A_384 = arith.constant 1152 : i32
    %dma_wait3A_385 = arith.constant 0 : i32
    %dma_wait3A_386 = tpu.memref_slice %arg13[%dma_wait3A_384, %dma_wait3A_385] : memref<2560x32xf32, #tpu.memory_space<vmem>> -> memref<128x32xf32, #tpu.memory_space<vmem>>
    %dma_wait3A_387 = arith.constant 0 : i32
    %dma_wait3A_388 = tpu.memref_slice %arg10[%dma_wait3A_383, %dma_wait3A_387] : memref<20x128xi32, #tpu.memory_space<vmem>> -> memref<1x128xi32, #tpu.memory_space<vmem>>
    %dma_wait3A_389 = tpu.memref_squeeze %dma_wait3A_388 : memref<1x128xi32, #tpu.memory_space<vmem>> -> memref<128xi32, #tpu.memory_space<vmem>>
    %dma_wait3A_390 = arith.constant 0 : i32
    %dma_wait3A_391 = arith.constant 0 : i32
    %dma_wait3A_392 = tpu.memref_slice %arg6[%dma_wait3A_390, %dma_wait3A_391] : memref<1000001x32xf32, #tpu.memory_space<hbm>> -> memref<1000001x32xf32, #tpu.memory_space<hbm>>
    tpu.wait_indirect_dma semaphore(%arg16 : memref<!tpu.dma_semaphore, #tpu.memory_space<semaphore_mem>>) src(%dma_wait3A_392 : memref<1000001x32xf32, #tpu.memory_space<hbm>>) dst(%dma_wait3A_386 : memref<128x32xf32, #tpu.memory_space<vmem>>)
    %dma_wait3A_393 = arith.constant 10 : i32
    %dma_wait3A_394 = arith.constant 1280 : i32
    %dma_wait3A_395 = arith.constant 0 : i32
    %dma_wait3A_396 = tpu.memref_slice %arg13[%dma_wait3A_394, %dma_wait3A_395] : memref<2560x32xf32, #tpu.memory_space<vmem>> -> memref<128x32xf32, #tpu.memory_space<vmem>>
    %dma_wait3A_397 = arith.constant 0 : i32
    %dma_wait3A_398 = tpu.memref_slice %arg10[%dma_wait3A_393, %dma_wait3A_397] : memref<20x128xi32, #tpu.memory_space<vmem>> -> memref<1x128xi32, #tpu.memory_space<vmem>>
    %dma_wait3A_399 = tpu.memref_squeeze %dma_wait3A_398 : memref<1x128xi32, #tpu.memory_space<vmem>> -> memref<128xi32, #tpu.memory_space<vmem>>
    %dma_wait3A_400 = arith.constant 0 : i32
    %dma_wait3A_401 = arith.constant 0 : i32
    %dma_wait3A_402 = tpu.memref_slice %arg6[%dma_wait3A_400, %dma_wait3A_401] : memref<1000001x32xf32, #tpu.memory_space<hbm>> -> memref<1000001x32xf32, #tpu.memory_space<hbm>>
    tpu.wait_indirect_dma semaphore(%arg16 : memref<!tpu.dma_semaphore, #tpu.memory_space<semaphore_mem>>) src(%dma_wait3A_402 : memref<1000001x32xf32, #tpu.memory_space<hbm>>) dst(%dma_wait3A_396 : memref<128x32xf32, #tpu.memory_space<vmem>>)
    %dma_wait3A_403 = arith.constant 11 : i32
    %dma_wait3A_404 = arith.constant 1408 : i32
    %dma_wait3A_405 = arith.constant 0 : i32
    %dma_wait3A_406 = tpu.memref_slice %arg13[%dma_wait3A_404, %dma_wait3A_405] : memref<2560x32xf32, #tpu.memory_space<vmem>> -> memref<128x32xf32, #tpu.memory_space<vmem>>
    %dma_wait3A_407 = arith.constant 0 : i32
    %dma_wait3A_408 = tpu.memref_slice %arg10[%dma_wait3A_403, %dma_wait3A_407] : memref<20x128xi32, #tpu.memory_space<vmem>> -> memref<1x128xi32, #tpu.memory_space<vmem>>
    %dma_wait3A_409 = tpu.memref_squeeze %dma_wait3A_408 : memref<1x128xi32, #tpu.memory_space<vmem>> -> memref<128xi32, #tpu.memory_space<vmem>>
    %dma_wait3A_410 = arith.constant 0 : i32
    %dma_wait3A_411 = arith.constant 0 : i32
    %dma_wait3A_412 = tpu.memref_slice %arg6[%dma_wait3A_410, %dma_wait3A_411] : memref<1000001x32xf32, #tpu.memory_space<hbm>> -> memref<1000001x32xf32, #tpu.memory_space<hbm>>
    tpu.wait_indirect_dma semaphore(%arg16 : memref<!tpu.dma_semaphore, #tpu.memory_space<semaphore_mem>>) src(%dma_wait3A_412 : memref<1000001x32xf32, #tpu.memory_space<hbm>>) dst(%dma_wait3A_406 : memref<128x32xf32, #tpu.memory_space<vmem>>)
    %dma_wait3A_413 = arith.constant 12 : i32
    %dma_wait3A_414 = arith.constant 1536 : i32
    %dma_wait3A_415 = arith.constant 0 : i32
    %dma_wait3A_416 = tpu.memref_slice %arg13[%dma_wait3A_414, %dma_wait3A_415] : memref<2560x32xf32, #tpu.memory_space<vmem>> -> memref<128x32xf32, #tpu.memory_space<vmem>>
    %dma_wait3A_417 = arith.constant 0 : i32
    %dma_wait3A_418 = tpu.memref_slice %arg10[%dma_wait3A_413, %dma_wait3A_417] : memref<20x128xi32, #tpu.memory_space<vmem>> -> memref<1x128xi32, #tpu.memory_space<vmem>>
    %dma_wait3A_419 = tpu.memref_squeeze %dma_wait3A_418 : memref<1x128xi32, #tpu.memory_space<vmem>> -> memref<128xi32, #tpu.memory_space<vmem>>
    %dma_wait3A_420 = arith.constant 0 : i32
    %dma_wait3A_421 = arith.constant 0 : i32
    %dma_wait3A_422 = tpu.memref_slice %arg6[%dma_wait3A_420, %dma_wait3A_421] : memref<1000001x32xf32, #tpu.memory_space<hbm>> -> memref<1000001x32xf32, #tpu.memory_space<hbm>>
    tpu.wait_indirect_dma semaphore(%arg16 : memref<!tpu.dma_semaphore, #tpu.memory_space<semaphore_mem>>) src(%dma_wait3A_422 : memref<1000001x32xf32, #tpu.memory_space<hbm>>) dst(%dma_wait3A_416 : memref<128x32xf32, #tpu.memory_space<vmem>>)
    %dma_wait3A_423 = arith.constant 13 : i32
    %dma_wait3A_424 = arith.constant 1664 : i32
    %dma_wait3A_425 = arith.constant 0 : i32
    %dma_wait3A_426 = tpu.memref_slice %arg13[%dma_wait3A_424, %dma_wait3A_425] : memref<2560x32xf32, #tpu.memory_space<vmem>> -> memref<128x32xf32, #tpu.memory_space<vmem>>
    %dma_wait3A_427 = arith.constant 0 : i32
    %dma_wait3A_428 = tpu.memref_slice %arg10[%dma_wait3A_423, %dma_wait3A_427] : memref<20x128xi32, #tpu.memory_space<vmem>> -> memref<1x128xi32, #tpu.memory_space<vmem>>
    %dma_wait3A_429 = tpu.memref_squeeze %dma_wait3A_428 : memref<1x128xi32, #tpu.memory_space<vmem>> -> memref<128xi32, #tpu.memory_space<vmem>>
    %dma_wait3A_430 = arith.constant 0 : i32
    %dma_wait3A_431 = arith.constant 0 : i32
    %dma_wait3A_432 = tpu.memref_slice %arg6[%dma_wait3A_430, %dma_wait3A_431] : memref<1000001x32xf32, #tpu.memory_space<hbm>> -> memref<1000001x32xf32, #tpu.memory_space<hbm>>
    tpu.wait_indirect_dma semaphore(%arg16 : memref<!tpu.dma_semaphore, #tpu.memory_space<semaphore_mem>>) src(%dma_wait3A_432 : memref<1000001x32xf32, #tpu.memory_space<hbm>>) dst(%dma_wait3A_426 : memref<128x32xf32, #tpu.memory_space<vmem>>)
    %dma_wait3A_433 = arith.constant 14 : i32
    %dma_wait3A_434 = arith.constant 1792 : i32
    %dma_wait3A_435 = arith.constant 0 : i32
    %dma_wait3A_436 = tpu.memref_slice %arg13[%dma_wait3A_434, %dma_wait3A_435] : memref<2560x32xf32, #tpu.memory_space<vmem>> -> memref<128x32xf32, #tpu.memory_space<vmem>>
    %dma_wait3A_437 = arith.constant 0 : i32
    %dma_wait3A_438 = tpu.memref_slice %arg10[%dma_wait3A_433, %dma_wait3A_437] : memref<20x128xi32, #tpu.memory_space<vmem>> -> memref<1x128xi32, #tpu.memory_space<vmem>>
    %dma_wait3A_439 = tpu.memref_squeeze %dma_wait3A_438 : memref<1x128xi32, #tpu.memory_space<vmem>> -> memref<128xi32, #tpu.memory_space<vmem>>
    %dma_wait3A_440 = arith.constant 0 : i32
    %dma_wait3A_441 = arith.constant 0 : i32
    %dma_wait3A_442 = tpu.memref_slice %arg6[%dma_wait3A_440, %dma_wait3A_441] : memref<1000001x32xf32, #tpu.memory_space<hbm>> -> memref<1000001x32xf32, #tpu.memory_space<hbm>>
    tpu.wait_indirect_dma semaphore(%arg16 : memref<!tpu.dma_semaphore, #tpu.memory_space<semaphore_mem>>) src(%dma_wait3A_442 : memref<1000001x32xf32, #tpu.memory_space<hbm>>) dst(%dma_wait3A_436 : memref<128x32xf32, #tpu.memory_space<vmem>>)
    %dma_wait3A_443 = arith.constant 15 : i32
    %dma_wait3A_444 = arith.constant 1920 : i32
    %dma_wait3A_445 = arith.constant 0 : i32
    %dma_wait3A_446 = tpu.memref_slice %arg13[%dma_wait3A_444, %dma_wait3A_445] : memref<2560x32xf32, #tpu.memory_space<vmem>> -> memref<128x32xf32, #tpu.memory_space<vmem>>
    %dma_wait3A_447 = arith.constant 0 : i32
    %dma_wait3A_448 = tpu.memref_slice %arg10[%dma_wait3A_443, %dma_wait3A_447] : memref<20x128xi32, #tpu.memory_space<vmem>> -> memref<1x128xi32, #tpu.memory_space<vmem>>
    %dma_wait3A_449 = tpu.memref_squeeze %dma_wait3A_448 : memref<1x128xi32, #tpu.memory_space<vmem>> -> memref<128xi32, #tpu.memory_space<vmem>>
    %dma_wait3A_450 = arith.constant 0 : i32
    %dma_wait3A_451 = arith.constant 0 : i32
    %dma_wait3A_452 = tpu.memref_slice %arg6[%dma_wait3A_450, %dma_wait3A_451] : memref<1000001x32xf32, #tpu.memory_space<hbm>> -> memref<1000001x32xf32, #tpu.memory_space<hbm>>
    tpu.wait_indirect_dma semaphore(%arg16 : memref<!tpu.dma_semaphore, #tpu.memory_space<semaphore_mem>>) src(%dma_wait3A_452 : memref<1000001x32xf32, #tpu.memory_space<hbm>>) dst(%dma_wait3A_446 : memref<128x32xf32, #tpu.memory_space<vmem>>)
    %dma_wait3A_453 = arith.constant 16 : i32
    %dma_wait3A_454 = arith.constant 2048 : i32
    %dma_wait3A_455 = arith.constant 0 : i32
    %dma_wait3A_456 = tpu.memref_slice %arg13[%dma_wait3A_454, %dma_wait3A_455] : memref<2560x32xf32, #tpu.memory_space<vmem>> -> memref<128x32xf32, #tpu.memory_space<vmem>>
    %dma_wait3A_457 = arith.constant 0 : i32
    %dma_wait3A_458 = tpu.memref_slice %arg10[%dma_wait3A_453, %dma_wait3A_457] : memref<20x128xi32, #tpu.memory_space<vmem>> -> memref<1x128xi32, #tpu.memory_space<vmem>>
    %dma_wait3A_459 = tpu.memref_squeeze %dma_wait3A_458 : memref<1x128xi32, #tpu.memory_space<vmem>> -> memref<128xi32, #tpu.memory_space<vmem>>
    %dma_wait3A_460 = arith.constant 0 : i32
    %dma_wait3A_461 = arith.constant 0 : i32
    %dma_wait3A_462 = tpu.memref_slice %arg6[%dma_wait3A_460, %dma_wait3A_461] : memref<1000001x32xf32, #tpu.memory_space<hbm>> -> memref<1000001x32xf32, #tpu.memory_space<hbm>>
    tpu.wait_indirect_dma semaphore(%arg16 : memref<!tpu.dma_semaphore, #tpu.memory_space<semaphore_mem>>) src(%dma_wait3A_462 : memref<1000001x32xf32, #tpu.memory_space<hbm>>) dst(%dma_wait3A_456 : memref<128x32xf32, #tpu.memory_space<vmem>>)
    %dma_wait3A_463 = arith.constant 17 : i32
    %dma_wait3A_464 = arith.constant 2176 : i32
    %dma_wait3A_465 = arith.constant 0 : i32
    %dma_wait3A_466 = tpu.memref_slice %arg13[%dma_wait3A_464, %dma_wait3A_465] : memref<2560x32xf32, #tpu.memory_space<vmem>> -> memref<128x32xf32, #tpu.memory_space<vmem>>
    %dma_wait3A_467 = arith.constant 0 : i32
    %dma_wait3A_468 = tpu.memref_slice %arg10[%dma_wait3A_463, %dma_wait3A_467] : memref<20x128xi32, #tpu.memory_space<vmem>> -> memref<1x128xi32, #tpu.memory_space<vmem>>
    %dma_wait3A_469 = tpu.memref_squeeze %dma_wait3A_468 : memref<1x128xi32, #tpu.memory_space<vmem>> -> memref<128xi32, #tpu.memory_space<vmem>>
    %dma_wait3A_470 = arith.constant 0 : i32
    %dma_wait3A_471 = arith.constant 0 : i32
    %dma_wait3A_472 = tpu.memref_slice %arg6[%dma_wait3A_470, %dma_wait3A_471] : memref<1000001x32xf32, #tpu.memory_space<hbm>> -> memref<1000001x32xf32, #tpu.memory_space<hbm>>
    tpu.wait_indirect_dma semaphore(%arg16 : memref<!tpu.dma_semaphore, #tpu.memory_space<semaphore_mem>>) src(%dma_wait3A_472 : memref<1000001x32xf32, #tpu.memory_space<hbm>>) dst(%dma_wait3A_466 : memref<128x32xf32, #tpu.memory_space<vmem>>)
    %dma_wait3A_473 = arith.constant 18 : i32
    %dma_wait3A_474 = arith.constant 2304 : i32
    %dma_wait3A_475 = arith.constant 0 : i32
    %dma_wait3A_476 = tpu.memref_slice %arg13[%dma_wait3A_474, %dma_wait3A_475] : memref<2560x32xf32, #tpu.memory_space<vmem>> -> memref<128x32xf32, #tpu.memory_space<vmem>>
    %dma_wait3A_477 = arith.constant 0 : i32
    %dma_wait3A_478 = tpu.memref_slice %arg10[%dma_wait3A_473, %dma_wait3A_477] : memref<20x128xi32, #tpu.memory_space<vmem>> -> memref<1x128xi32, #tpu.memory_space<vmem>>
    %dma_wait3A_479 = tpu.memref_squeeze %dma_wait3A_478 : memref<1x128xi32, #tpu.memory_space<vmem>> -> memref<128xi32, #tpu.memory_space<vmem>>
    %dma_wait3A_480 = arith.constant 0 : i32
    %dma_wait3A_481 = arith.constant 0 : i32
    %dma_wait3A_482 = tpu.memref_slice %arg6[%dma_wait3A_480, %dma_wait3A_481] : memref<1000001x32xf32, #tpu.memory_space<hbm>> -> memref<1000001x32xf32, #tpu.memory_space<hbm>>
    tpu.wait_indirect_dma semaphore(%arg16 : memref<!tpu.dma_semaphore, #tpu.memory_space<semaphore_mem>>) src(%dma_wait3A_482 : memref<1000001x32xf32, #tpu.memory_space<hbm>>) dst(%dma_wait3A_476 : memref<128x32xf32, #tpu.memory_space<vmem>>)
    %dma_wait3A_483 = arith.constant 19 : i32
    %dma_wait3A_484 = arith.constant 2432 : i32
    %dma_wait3A_485 = arith.constant 0 : i32
    %dma_wait3A_486 = tpu.memref_slice %arg13[%dma_wait3A_484, %dma_wait3A_485] : memref<2560x32xf32, #tpu.memory_space<vmem>> -> memref<128x32xf32, #tpu.memory_space<vmem>>
    %dma_wait3A_487 = arith.constant 0 : i32
    %dma_wait3A_488 = tpu.memref_slice %arg10[%dma_wait3A_483, %dma_wait3A_487] : memref<20x128xi32, #tpu.memory_space<vmem>> -> memref<1x128xi32, #tpu.memory_space<vmem>>
    %dma_wait3A_489 = tpu.memref_squeeze %dma_wait3A_488 : memref<1x128xi32, #tpu.memory_space<vmem>> -> memref<128xi32, #tpu.memory_space<vmem>>
    %dma_wait3A_490 = arith.constant 0 : i32
    %dma_wait3A_491 = arith.constant 0 : i32
    %dma_wait3A_492 = tpu.memref_slice %arg6[%dma_wait3A_490, %dma_wait3A_491] : memref<1000001x32xf32, #tpu.memory_space<hbm>> -> memref<1000001x32xf32, #tpu.memory_space<hbm>>
    tpu.wait_indirect_dma semaphore(%arg16 : memref<!tpu.dma_semaphore, #tpu.memory_space<semaphore_mem>>) src(%dma_wait3A_492 : memref<1000001x32xf32, #tpu.memory_space<hbm>>) dst(%dma_wait3A_486 : memref<128x32xf32, #tpu.memory_space<vmem>>)
    %iota3A = tpu.iota {dimensions = array<i32: 0>} : vector<16xi32>
    %mul3A_493 = arith.constant 16 : i32
    %mul3A_494 = vector.broadcast %mul3A_493 : i32 to vector<16xi32>
    %mul3A_495 = arith.muli %iota3A, %mul3A_494 : vector<16xi32>
    %add3A_496 = arith.constant 0 : i32
    %add3A_497 = vector.broadcast %add3A_496 : i32 to vector<16xi32>
    %add3A_498 = arith.addi %mul3A_495, %add3A_497 : vector<16xi32>
    %mul3A_499 = arith.constant 16 : i32
    %mul3A_500 = vector.broadcast %mul3A_499 : i32 to vector<16xi32>
    %mul3A_501 = arith.muli %iota3A, %mul3A_500 : vector<16xi32>
    %add3A_502 = arith.constant 1 : i32
    %add3A_503 = vector.broadcast %add3A_502 : i32 to vector<16xi32>
    %add3A_504 = arith.addi %mul3A_501, %add3A_503 : vector<16xi32>
    %mul3A_505 = arith.constant 16 : i32
    %mul3A_506 = vector.broadcast %mul3A_505 : i32 to vector<16xi32>
    %mul3A_507 = arith.muli %iota3A, %mul3A_506 : vector<16xi32>
    %add3A_508 = arith.constant 2 : i32
    %add3A_509 = vector.broadcast %add3A_508 : i32 to vector<16xi32>
    %add3A_510 = arith.addi %mul3A_507, %add3A_509 : vector<16xi32>
    %mul3A_511 = arith.constant 16 : i32
    %mul3A_512 = vector.broadcast %mul3A_511 : i32 to vector<16xi32>
    %mul3A_513 = arith.muli %iota3A, %mul3A_512 : vector<16xi32>
    %add3A_514 = arith.constant 3 : i32
    %add3A_515 = vector.broadcast %add3A_514 : i32 to vector<16xi32>
    %add3A_516 = arith.addi %mul3A_513, %add3A_515 : vector<16xi32>
    %mul3A_517 = arith.constant 16 : i32
    %mul3A_518 = vector.broadcast %mul3A_517 : i32 to vector<16xi32>
    %mul3A_519 = arith.muli %iota3A, %mul3A_518 : vector<16xi32>
    %add3A_520 = arith.constant 4 : i32
    %add3A_521 = vector.broadcast %add3A_520 : i32 to vector<16xi32>
    %add3A_522 = arith.addi %mul3A_519, %add3A_521 : vector<16xi32>
    %mul3A_523 = arith.constant 16 : i32
    %mul3A_524 = vector.broadcast %mul3A_523 : i32 to vector<16xi32>
    %mul3A_525 = arith.muli %iota3A, %mul3A_524 : vector<16xi32>
    %add3A_526 = arith.constant 5 : i32
    %add3A_527 = vector.broadcast %add3A_526 : i32 to vector<16xi32>
    %add3A_528 = arith.addi %mul3A_525, %add3A_527 : vector<16xi32>
    %mul3A_529 = arith.constant 16 : i32
    %mul3A_530 = vector.broadcast %mul3A_529 : i32 to vector<16xi32>
    %mul3A_531 = arith.muli %iota3A, %mul3A_530 : vector<16xi32>
    %add3A_532 = arith.constant 6 : i32
    %add3A_533 = vector.broadcast %add3A_532 : i32 to vector<16xi32>
    %add3A_534 = arith.addi %mul3A_531, %add3A_533 : vector<16xi32>
    %mul3A_535 = arith.constant 16 : i32
    %mul3A_536 = vector.broadcast %mul3A_535 : i32 to vector<16xi32>
    %mul3A_537 = arith.muli %iota3A, %mul3A_536 : vector<16xi32>
    %add3A_538 = arith.constant 7 : i32
    %add3A_539 = vector.broadcast %add3A_538 : i32 to vector<16xi32>
    %add3A_540 = arith.addi %mul3A_537, %add3A_539 : vector<16xi32>
    %mul3A_541 = arith.constant 16 : i32
    %mul3A_542 = vector.broadcast %mul3A_541 : i32 to vector<16xi32>
    %mul3A_543 = arith.muli %iota3A, %mul3A_542 : vector<16xi32>
    %add3A_544 = arith.constant 8 : i32
    %add3A_545 = vector.broadcast %add3A_544 : i32 to vector<16xi32>
    %add3A_546 = arith.addi %mul3A_543, %add3A_545 : vector<16xi32>
    %mul3A_547 = arith.constant 16 : i32
    %mul3A_548 = vector.broadcast %mul3A_547 : i32 to vector<16xi32>
    %mul3A_549 = arith.muli %iota3A, %mul3A_548 : vector<16xi32>
    %add3A_550 = arith.constant 9 : i32
    %add3A_551 = vector.broadcast %add3A_550 : i32 to vector<16xi32>
    %add3A_552 = arith.addi %mul3A_549, %add3A_551 : vector<16xi32>
    %mul3A_553 = arith.constant 16 : i32
    %mul3A_554 = vector.broadcast %mul3A_553 : i32 to vector<16xi32>
    %mul3A_555 = arith.muli %iota3A, %mul3A_554 : vector<16xi32>
    %add3A_556 = arith.constant 10 : i32
    %add3A_557 = vector.broadcast %add3A_556 : i32 to vector<16xi32>
    %add3A_558 = arith.addi %mul3A_555, %add3A_557 : vector<16xi32>
    %mul3A_559 = arith.constant 16 : i32
    %mul3A_560 = vector.broadcast %mul3A_559 : i32 to vector<16xi32>
    %mul3A_561 = arith.muli %iota3A, %mul3A_560 : vector<16xi32>
    %add3A_562 = arith.constant 11 : i32
    %add3A_563 = vector.broadcast %add3A_562 : i32 to vector<16xi32>
    %add3A_564 = arith.addi %mul3A_561, %add3A_563 : vector<16xi32>
    %mul3A_565 = arith.constant 16 : i32
    %mul3A_566 = vector.broadcast %mul3A_565 : i32 to vector<16xi32>
    %mul3A_567 = arith.muli %iota3A, %mul3A_566 : vector<16xi32>
    %add3A_568 = arith.constant 12 : i32
    %add3A_569 = vector.broadcast %add3A_568 : i32 to vector<16xi32>
    %add3A_570 = arith.addi %mul3A_567, %add3A_569 : vector<16xi32>
    %mul3A_571 = arith.constant 16 : i32
    %mul3A_572 = vector.broadcast %mul3A_571 : i32 to vector<16xi32>
    %mul3A_573 = arith.muli %iota3A, %mul3A_572 : vector<16xi32>
    %add3A_574 = arith.constant 13 : i32
    %add3A_575 = vector.broadcast %add3A_574 : i32 to vector<16xi32>
    %add3A_576 = arith.addi %mul3A_573, %add3A_575 : vector<16xi32>
    %mul3A_577 = arith.constant 16 : i32
    %mul3A_578 = vector.broadcast %mul3A_577 : i32 to vector<16xi32>
    %mul3A_579 = arith.muli %iota3A, %mul3A_578 : vector<16xi32>
    %add3A_580 = arith.constant 14 : i32
    %add3A_581 = vector.broadcast %add3A_580 : i32 to vector<16xi32>
    %add3A_582 = arith.addi %mul3A_579, %add3A_581 : vector<16xi32>
    %mul3A_583 = arith.constant 16 : i32
    %mul3A_584 = vector.broadcast %mul3A_583 : i32 to vector<16xi32>
    %mul3A_585 = arith.muli %iota3A, %mul3A_584 : vector<16xi32>
    %add3A_586 = arith.constant 15 : i32
    %add3A_587 = vector.broadcast %add3A_586 : i32 to vector<16xi32>
    %add3A_588 = arith.addi %mul3A_585, %add3A_587 : vector<16xi32>
    %scan3A = arith.constant 0 : i32
    %scan3A_589 = arith.constant 0 : i32
    %scan3A_590 = arith.constant 32 : i32
    %scan3A_591 = arith.addi %scan3A_589, %scan3A_590 : i32
    %scan3A_592 = arith.constant 1 : i32
    scf.for %scan3A_600 = %scan3A_589 to %scan3A_591 step %scan3A_592  : i32 {
      %mul3A_601 = arith.constant 4 : i32
      %mul3A_602 = arith.muli %scan3A_600, %mul3A_601 : i32
      %add3A_603 = arith.constant 0 : i32
      %add3A_604 = arith.addi %mul3A_602, %add3A_603 : i32
      %get3A = arith.index_cast %add3A_604 : i32 to index
      %get3A_605 = arith.constant 0 : index
      %get3A_606 = tpu.vector_load %arg11[%get3A, %get3A_605] {strides = array<i32>} : memref<128x32xf32, #tpu.memory_space<vmem>>, vector<16xf32>,
      %mul3A_607 = arith.constant 4 : i32
      %mul3A_608 = arith.muli %scan3A_600, %mul3A_607 : i32
      %add3A_609 = arith.constant 0 : i32
      %add3A_610 = arith.addi %mul3A_608, %add3A_609 : i32
      %get3A_611 = arith.index_cast %add3A_610 : i32 to index
      %get3A_612 = arith.constant 16 : index
      %get3A_613 = tpu.vector_load %arg11[%get3A_611, %get3A_612] {strides = array<i32>} : memref<128x32xf32, #tpu.memory_space<vmem>>, vector<16xf32>,
      %mul3A_614 = arith.constant 4 : i32
      %mul3A_615 = arith.muli %scan3A_600, %mul3A_614 : i32
      %add3A_616 = arith.constant 1 : i32
      %add3A_617 = arith.addi %mul3A_615, %add3A_616 : i32
      %get3A_618 = arith.index_cast %add3A_617 : i32 to index
      %get3A_619 = arith.constant 0 : index
      %get3A_620 = tpu.vector_load %arg11[%get3A_618, %get3A_619] {strides = array<i32>} : memref<128x32xf32, #tpu.memory_space<vmem>>, vector<16xf32>,
      %mul3A_621 = arith.constant 4 : i32
      %mul3A_622 = arith.muli %scan3A_600, %mul3A_621 : i32
      %add3A_623 = arith.constant 1 : i32
      %add3A_624 = arith.addi %mul3A_622, %add3A_623 : i32
      %get3A_625 = arith.index_cast %add3A_624 : i32 to index
      %get3A_626 = arith.constant 16 : index
      %get3A_627 = tpu.vector_load %arg11[%get3A_625, %get3A_626] {strides = array<i32>} : memref<128x32xf32, #tpu.memory_space<vmem>>, vector<16xf32>,
      %mul3A_628 = arith.constant 4 : i32
      %mul3A_629 = arith.muli %scan3A_600, %mul3A_628 : i32
      %add3A_630 = arith.constant 2 : i32
      %add3A_631 = arith.addi %mul3A_629, %add3A_630 : i32
      %get3A_632 = arith.index_cast %add3A_631 : i32 to index
      %get3A_633 = arith.constant 0 : index
      %get3A_634 = tpu.vector_load %arg11[%get3A_632, %get3A_633] {strides = array<i32>} : memref<128x32xf32, #tpu.memory_space<vmem>>, vector<16xf32>,
      %mul3A_635 = arith.constant 4 : i32
      %mul3A_636 = arith.muli %scan3A_600, %mul3A_635 : i32
      %add3A_637 = arith.constant 2 : i32
      %add3A_638 = arith.addi %mul3A_636, %add3A_637 : i32
      %get3A_639 = arith.index_cast %add3A_638 : i32 to index
      %get3A_640 = arith.constant 16 : index
      %get3A_641 = tpu.vector_load %arg11[%get3A_639, %get3A_640] {strides = array<i32>} : memref<128x32xf32, #tpu.memory_space<vmem>>, vector<16xf32>,
      %mul3A_642 = arith.constant 4 : i32
      %mul3A_643 = arith.muli %scan3A_600, %mul3A_642 : i32
      %add3A_644 = arith.constant 3 : i32
      %add3A_645 = arith.addi %mul3A_643, %add3A_644 : i32
      %get3A_646 = arith.index_cast %add3A_645 : i32 to index
      %get3A_647 = arith.constant 0 : index
      %get3A_648 = tpu.vector_load %arg11[%get3A_646, %get3A_647] {strides = array<i32>} : memref<128x32xf32, #tpu.memory_space<vmem>>, vector<16xf32>,
      %mul3A_649 = arith.constant 4 : i32
      %mul3A_650 = arith.muli %scan3A_600, %mul3A_649 : i32
      %add3A_651 = arith.constant 3 : i32
      %add3A_652 = arith.addi %mul3A_650, %add3A_651 : i32
      %get3A_653 = arith.index_cast %add3A_652 : i32 to index
      %get3A_654 = arith.constant 16 : index
      %get3A_655 = tpu.vector_load %arg11[%get3A_653, %get3A_654] {strides = array<i32>} : memref<128x32xf32, #tpu.memory_space<vmem>>, vector<16xf32>,
      %mul3A_656 = arith.constant 16 : i32
      %mul3A_657 = arith.muli %scan3A_600, %mul3A_656 : i32
      %add3A_658 = arith.constant 0 : i32
      %add3A_659 = arith.addi %mul3A_657, %add3A_658 : i32
      %get3A_660 = arith.index_cast %add3A_659 : i32 to index
      %get3A_661 = arith.constant 0 : index
      %get3A_662 = tpu.vector_load %arg12[%get3A_660, %get3A_661] {strides = array<i32>} : memref<512x32xf32, #tpu.memory_space<vmem>>, vector<16xf32>,
      %mul3A_663 = arith.mulf %get3A_662, %get3A_606 : vector<16xf32>
      %get3A_664 = arith.index_cast %add3A_659 : i32 to index
      %get3A_665 = arith.constant 16 : index
      %get3A_666 = tpu.vector_load %arg12[%get3A_664, %get3A_665] {strides = array<i32>} : memref<512x32xf32, #tpu.memory_space<vmem>>, vector<16xf32>,
      %mul3A_667 = arith.mulf %get3A_666, %get3A_613 : vector<16xf32>
      %add3A_668 = arith.addf %mul3A_663, %mul3A_667 : vector<16xf32>
      %swap3A = arith.constant 0 : index
      %swap3A_669 = tpu.vector_load %arg14[%swap3A] {strides = array<i32>} : memref<256xf32, #tpu.memory_space<vmem>>, vector<16xf32>,
      tpu.vector_store %arg14[%swap3A], %add3A_668 {strides = array<i32>} : memref<256xf32, #tpu.memory_space<vmem>>, vector<16xf32>,
      %mul3A_670 = arith.constant 16 : i32
      %mul3A_671 = arith.muli %scan3A_600, %mul3A_670 : i32
      %add3A_672 = arith.constant 1 : i32
      %add3A_673 = arith.addi %mul3A_671, %add3A_672 : i32
      %get3A_674 = arith.index_cast %add3A_673 : i32 to index
      %get3A_675 = arith.constant 0 : index
      %get3A_676 = tpu.vector_load %arg12[%get3A_674, %get3A_675] {strides = array<i32>} : memref<512x32xf32, #tpu.memory_space<vmem>>, vector<16xf32>,
      %mul3A_677 = arith.mulf %get3A_676, %get3A_606 : vector<16xf32>
      %get3A_678 = arith.index_cast %add3A_673 : i32 to index
      %get3A_679 = arith.constant 16 : index
      %get3A_680 = tpu.vector_load %arg12[%get3A_678, %get3A_679] {strides = array<i32>} : memref<512x32xf32, #tpu.memory_space<vmem>>, vector<16xf32>,
      %mul3A_681 = arith.mulf %get3A_680, %get3A_613 : vector<16xf32>
      %add3A_682 = arith.addf %mul3A_677, %mul3A_681 : vector<16xf32>
      %swap3A_683 = arith.constant 16 : index
      %swap3A_684 = tpu.vector_load %arg14[%swap3A_683] {strides = array<i32>} : memref<256xf32, #tpu.memory_space<vmem>>, vector<16xf32>,
      tpu.vector_store %arg14[%swap3A_683], %add3A_682 {strides = array<i32>} : memref<256xf32, #tpu.memory_space<vmem>>, vector<16xf32>,
      %mul3A_685 = arith.constant 16 : i32
      %mul3A_686 = arith.muli %scan3A_600, %mul3A_685 : i32
      %add3A_687 = arith.constant 2 : i32
      %add3A_688 = arith.addi %mul3A_686, %add3A_687 : i32
      %get3A_689 = arith.index_cast %add3A_688 : i32 to index
      %get3A_690 = arith.constant 0 : index
      %get3A_691 = tpu.vector_load %arg12[%get3A_689, %get3A_690] {strides = array<i32>} : memref<512x32xf32, #tpu.memory_space<vmem>>, vector<16xf32>,
      %mul3A_692 = arith.mulf %get3A_691, %get3A_606 : vector<16xf32>
      %get3A_693 = arith.index_cast %add3A_688 : i32 to index
      %get3A_694 = arith.constant 16 : index
      %get3A_695 = tpu.vector_load %arg12[%get3A_693, %get3A_694] {strides = array<i32>} : memref<512x32xf32, #tpu.memory_space<vmem>>, vector<16xf32>,
      %mul3A_696 = arith.mulf %get3A_695, %get3A_613 : vector<16xf32>
      %add3A_697 = arith.addf %mul3A_692, %mul3A_696 : vector<16xf32>
      %swap3A_698 = arith.constant 32 : index
      %swap3A_699 = tpu.vector_load %arg14[%swap3A_698] {strides = array<i32>} : memref<256xf32, #tpu.memory_space<vmem>>, vector<16xf32>,
      tpu.vector_store %arg14[%swap3A_698], %add3A_697 {strides = array<i32>} : memref<256xf32, #tpu.memory_space<vmem>>, vector<16xf32>,
      %mul3A_700 = arith.constant 16 : i32
      %mul3A_701 = arith.muli %scan3A_600, %mul3A_700 : i32
      %add3A_702 = arith.constant 3 : i32
      %add3A_703 = arith.addi %mul3A_701, %add3A_702 : i32
      %get3A_704 = arith.index_cast %add3A_703 : i32 to index
      %get3A_705 = arith.constant 0 : index
      %get3A_706 = tpu.vector_load %arg12[%get3A_704, %get3A_705] {strides = array<i32>} : memref<512x32xf32, #tpu.memory_space<vmem>>, vector<16xf32>,
      %mul3A_707 = arith.mulf %get3A_706, %get3A_606 : vector<16xf32>
      %get3A_708 = arith.index_cast %add3A_703 : i32 to index
      %get3A_709 = arith.constant 16 : index
      %get3A_710 = tpu.vector_load %arg12[%get3A_708, %get3A_709] {strides = array<i32>} : memref<512x32xf32, #tpu.memory_space<vmem>>, vector<16xf32>,
      %mul3A_711 = arith.mulf %get3A_710, %get3A_613 : vector<16xf32>
      %add3A_712 = arith.addf %mul3A_707, %mul3A_711 : vector<16xf32>
      %swap3A_713 = arith.constant 48 : index
      %swap3A_714 = tpu.vector_load %arg14[%swap3A_713] {strides = array<i32>} : memref<256xf32, #tpu.memory_space<vmem>>, vector<16xf32>,
      tpu.vector_store %arg14[%swap3A_713], %add3A_712 {strides = array<i32>} : memref<256xf32, #tpu.memory_space<vmem>>, vector<16xf32>,
      %mul3A_715 = arith.constant 16 : i32
      %mul3A_716 = arith.muli %scan3A_600, %mul3A_715 : i32
      %add3A_717 = arith.constant 4 : i32
      %add3A_718 = arith.addi %mul3A_716, %add3A_717 : i32
      %get3A_719 = arith.index_cast %add3A_718 : i32 to index
      %get3A_720 = arith.constant 0 : index
      %get3A_721 = tpu.vector_load %arg12[%get3A_719, %get3A_720] {strides = array<i32>} : memref<512x32xf32, #tpu.memory_space<vmem>>, vector<16xf32>,
      %mul3A_722 = arith.mulf %get3A_721, %get3A_620 : vector<16xf32>
      %get3A_723 = arith.index_cast %add3A_718 : i32 to index
      %get3A_724 = arith.constant 16 : index
      %get3A_725 = tpu.vector_load %arg12[%get3A_723, %get3A_724] {strides = array<i32>} : memref<512x32xf32, #tpu.memory_space<vmem>>, vector<16xf32>,
      %mul3A_726 = arith.mulf %get3A_725, %get3A_627 : vector<16xf32>
      %add3A_727 = arith.addf %mul3A_722, %mul3A_726 : vector<16xf32>
      %swap3A_728 = arith.constant 64 : index
      %swap3A_729 = tpu.vector_load %arg14[%swap3A_728] {strides = array<i32>} : memref<256xf32, #tpu.memory_space<vmem>>, vector<16xf32>,
      tpu.vector_store %arg14[%swap3A_728], %add3A_727 {strides = array<i32>} : memref<256xf32, #tpu.memory_space<vmem>>, vector<16xf32>,
      %mul3A_730 = arith.constant 16 : i32
      %mul3A_731 = arith.muli %scan3A_600, %mul3A_730 : i32
      %add3A_732 = arith.constant 5 : i32
      %add3A_733 = arith.addi %mul3A_731, %add3A_732 : i32
      %get3A_734 = arith.index_cast %add3A_733 : i32 to index
      %get3A_735 = arith.constant 0 : index
      %get3A_736 = tpu.vector_load %arg12[%get3A_734, %get3A_735] {strides = array<i32>} : memref<512x32xf32, #tpu.memory_space<vmem>>, vector<16xf32>,
      %mul3A_737 = arith.mulf %get3A_736, %get3A_620 : vector<16xf32>
      %get3A_738 = arith.index_cast %add3A_733 : i32 to index
      %get3A_739 = arith.constant 16 : index
      %get3A_740 = tpu.vector_load %arg12[%get3A_738, %get3A_739] {strides = array<i32>} : memref<512x32xf32, #tpu.memory_space<vmem>>, vector<16xf32>,
      %mul3A_741 = arith.mulf %get3A_740, %get3A_627 : vector<16xf32>
      %add3A_742 = arith.addf %mul3A_737, %mul3A_741 : vector<16xf32>
      %swap3A_743 = arith.constant 80 : index
      %swap3A_744 = tpu.vector_load %arg14[%swap3A_743] {strides = array<i32>} : memref<256xf32, #tpu.memory_space<vmem>>, vector<16xf32>,
      tpu.vector_store %arg14[%swap3A_743], %add3A_742 {strides = array<i32>} : memref<256xf32, #tpu.memory_space<vmem>>, vector<16xf32>,
      %mul3A_745 = arith.constant 16 : i32
      %mul3A_746 = arith.muli %scan3A_600, %mul3A_745 : i32
      %add3A_747 = arith.constant 6 : i32
      %add3A_748 = arith.addi %mul3A_746, %add3A_747 : i32
      %get3A_749 = arith.index_cast %add3A_748 : i32 to index
      %get3A_750 = arith.constant 0 : index
      %get3A_751 = tpu.vector_load %arg12[%get3A_749, %get3A_750] {strides = array<i32>} : memref<512x32xf32, #tpu.memory_space<vmem>>, vector<16xf32>,
      %mul3A_752 = arith.mulf %get3A_751, %get3A_620 : vector<16xf32>
      %get3A_753 = arith.index_cast %add3A_748 : i32 to index
      %get3A_754 = arith.constant 16 : index
      %get3A_755 = tpu.vector_load %arg12[%get3A_753, %get3A_754] {strides = array<i32>} : memref<512x32xf32, #tpu.memory_space<vmem>>, vector<16xf32>,
      %mul3A_756 = arith.mulf %get3A_755, %get3A_627 : vector<16xf32>
      %add3A_757 = arith.addf %mul3A_752, %mul3A_756 : vector<16xf32>
      %swap3A_758 = arith.constant 96 : index
      %swap3A_759 = tpu.vector_load %arg14[%swap3A_758] {strides = array<i32>} : memref<256xf32, #tpu.memory_space<vmem>>, vector<16xf32>,
      tpu.vector_store %arg14[%swap3A_758], %add3A_757 {strides = array<i32>} : memref<256xf32, #tpu.memory_space<vmem>>, vector<16xf32>,
      %mul3A_760 = arith.constant 16 : i32
      %mul3A_761 = arith.muli %scan3A_600, %mul3A_760 : i32
      %add3A_762 = arith.constant 7 : i32
      %add3A_763 = arith.addi %mul3A_761, %add3A_762 : i32
      %get3A_764 = arith.index_cast %add3A_763 : i32 to index
      %get3A_765 = arith.constant 0 : index
      %get3A_766 = tpu.vector_load %arg12[%get3A_764, %get3A_765] {strides = array<i32>} : memref<512x32xf32, #tpu.memory_space<vmem>>, vector<16xf32>,
      %mul3A_767 = arith.mulf %get3A_766, %get3A_620 : vector<16xf32>
      %get3A_768 = arith.index_cast %add3A_763 : i32 to index
      %get3A_769 = arith.constant 16 : index
      %get3A_770 = tpu.vector_load %arg12[%get3A_768, %get3A_769] {strides = array<i32>} : memref<512x32xf32, #tpu.memory_space<vmem>>, vector<16xf32>,
      %mul3A_771 = arith.mulf %get3A_770, %get3A_627 : vector<16xf32>
      %add3A_772 = arith.addf %mul3A_767, %mul3A_771 : vector<16xf32>
      %swap3A_773 = arith.constant 112 : index
      %swap3A_774 = tpu.vector_load %arg14[%swap3A_773] {strides = array<i32>} : memref<256xf32, #tpu.memory_space<vmem>>, vector<16xf32>,
      tpu.vector_store %arg14[%swap3A_773], %add3A_772 {strides = array<i32>} : memref<256xf32, #tpu.memory_space<vmem>>, vector<16xf32>,
      %mul3A_775 = arith.constant 16 : i32
      %mul3A_776 = arith.muli %scan3A_600, %mul3A_775 : i32
      %add3A_777 = arith.constant 8 : i32
      %add3A_778 = arith.addi %mul3A_776, %add3A_777 : i32
      %get3A_779 = arith.index_cast %add3A_778 : i32 to index
      %get3A_780 = arith.constant 0 : index
      %get3A_781 = tpu.vector_load %arg12[%get3A_779, %get3A_780] {strides = array<i32>} : memref<512x32xf32, #tpu.memory_space<vmem>>, vector<16xf32>,
      %mul3A_782 = arith.mulf %get3A_781, %get3A_634 : vector<16xf32>
      %get3A_783 = arith.index_cast %add3A_778 : i32 to index
      %get3A_784 = arith.constant 16 : index
      %get3A_785 = tpu.vector_load %arg12[%get3A_783, %get3A_784] {strides = array<i32>} : memref<512x32xf32, #tpu.memory_space<vmem>>, vector<16xf32>,
      %mul3A_786 = arith.mulf %get3A_785, %get3A_641 : vector<16xf32>
      %add3A_787 = arith.addf %mul3A_782, %mul3A_786 : vector<16xf32>
      %swap3A_788 = arith.constant 128 : index
      %swap3A_789 = tpu.vector_load %arg14[%swap3A_788] {strides = array<i32>} : memref<256xf32, #tpu.memory_space<vmem>>, vector<16xf32>,
      tpu.vector_store %arg14[%swap3A_788], %add3A_787 {strides = array<i32>} : memref<256xf32, #tpu.memory_space<vmem>>, vector<16xf32>,
      %mul3A_790 = arith.constant 16 : i32
      %mul3A_791 = arith.muli %scan3A_600, %mul3A_790 : i32
      %add3A_792 = arith.constant 9 : i32
      %add3A_793 = arith.addi %mul3A_791, %add3A_792 : i32
      %get3A_794 = arith.index_cast %add3A_793 : i32 to index
      %get3A_795 = arith.constant 0 : index
      %get3A_796 = tpu.vector_load %arg12[%get3A_794, %get3A_795] {strides = array<i32>} : memref<512x32xf32, #tpu.memory_space<vmem>>, vector<16xf32>,
      %mul3A_797 = arith.mulf %get3A_796, %get3A_634 : vector<16xf32>
      %get3A_798 = arith.index_cast %add3A_793 : i32 to index
      %get3A_799 = arith.constant 16 : index
      %get3A_800 = tpu.vector_load %arg12[%get3A_798, %get3A_799] {strides = array<i32>} : memref<512x32xf32, #tpu.memory_space<vmem>>, vector<16xf32>,
      %mul3A_801 = arith.mulf %get3A_800, %get3A_641 : vector<16xf32>
      %add3A_802 = arith.addf %mul3A_797, %mul3A_801 : vector<16xf32>
      %swap3A_803 = arith.constant 144 : index
      %swap3A_804 = tpu.vector_load %arg14[%swap3A_803] {strides = array<i32>} : memref<256xf32, #tpu.memory_space<vmem>>, vector<16xf32>,
      tpu.vector_store %arg14[%swap3A_803], %add3A_802 {strides = array<i32>} : memref<256xf32, #tpu.memory_space<vmem>>, vector<16xf32>,
      %mul3A_805 = arith.constant 16 : i32
      %mul3A_806 = arith.muli %scan3A_600, %mul3A_805 : i32
      %add3A_807 = arith.constant 10 : i32
      %add3A_808 = arith.addi %mul3A_806, %add3A_807 : i32
      %get3A_809 = arith.index_cast %add3A_808 : i32 to index
      %get3A_810 = arith.constant 0 : index
      %get3A_811 = tpu.vector_load %arg12[%get3A_809, %get3A_810] {strides = array<i32>} : memref<512x32xf32, #tpu.memory_space<vmem>>, vector<16xf32>,
      %mul3A_812 = arith.mulf %get3A_811, %get3A_634 : vector<16xf32>
      %get3A_813 = arith.index_cast %add3A_808 : i32 to index
      %get3A_814 = arith.constant 16 : index
      %get3A_815 = tpu.vector_load %arg12[%get3A_813, %get3A_814] {strides = array<i32>} : memref<512x32xf32, #tpu.memory_space<vmem>>, vector<16xf32>,
      %mul3A_816 = arith.mulf %get3A_815, %get3A_641 : vector<16xf32>
      %add3A_817 = arith.addf %mul3A_812, %mul3A_816 : vector<16xf32>
      %swap3A_818 = arith.constant 160 : index
      %swap3A_819 = tpu.vector_load %arg14[%swap3A_818] {strides = array<i32>} : memref<256xf32, #tpu.memory_space<vmem>>, vector<16xf32>,
      tpu.vector_store %arg14[%swap3A_818], %add3A_817 {strides = array<i32>} : memref<256xf32, #tpu.memory_space<vmem>>, vector<16xf32>,
      %mul3A_820 = arith.constant 16 : i32
      %mul3A_821 = arith.muli %scan3A_600, %mul3A_820 : i32
      %add3A_822 = arith.constant 11 : i32
      %add3A_823 = arith.addi %mul3A_821, %add3A_822 : i32
      %get3A_824 = arith.index_cast %add3A_823 : i32 to index
      %get3A_825 = arith.constant 0 : index
      %get3A_826 = tpu.vector_load %arg12[%get3A_824, %get3A_825] {strides = array<i32>} : memref<512x32xf32, #tpu.memory_space<vmem>>, vector<16xf32>,
      %mul3A_827 = arith.mulf %get3A_826, %get3A_634 : vector<16xf32>
      %get3A_828 = arith.index_cast %add3A_823 : i32 to index
      %get3A_829 = arith.constant 16 : index
      %get3A_830 = tpu.vector_load %arg12[%get3A_828, %get3A_829] {strides = array<i32>} : memref<512x32xf32, #tpu.memory_space<vmem>>, vector<16xf32>,
      %mul3A_831 = arith.mulf %get3A_830, %get3A_641 : vector<16xf32>
      %add3A_832 = arith.addf %mul3A_827, %mul3A_831 : vector<16xf32>
      %swap3A_833 = arith.constant 176 : index
      %swap3A_834 = tpu.vector_load %arg14[%swap3A_833] {strides = array<i32>} : memref<256xf32, #tpu.memory_space<vmem>>, vector<16xf32>,
      tpu.vector_store %arg14[%swap3A_833], %add3A_832 {strides = array<i32>} : memref<256xf32, #tpu.memory_space<vmem>>, vector<16xf32>,
      %mul3A_835 = arith.constant 16 : i32
      %mul3A_836 = arith.muli %scan3A_600, %mul3A_835 : i32
      %add3A_837 = arith.constant 12 : i32
      %add3A_838 = arith.addi %mul3A_836, %add3A_837 : i32
      %get3A_839 = arith.index_cast %add3A_838 : i32 to index
      %get3A_840 = arith.constant 0 : index
      %get3A_841 = tpu.vector_load %arg12[%get3A_839, %get3A_840] {strides = array<i32>} : memref<512x32xf32, #tpu.memory_space<vmem>>, vector<16xf32>,
      %mul3A_842 = arith.mulf %get3A_841, %get3A_648 : vector<16xf32>
      %get3A_843 = arith.index_cast %add3A_838 : i32 to index
      %get3A_844 = arith.constant 16 : index
      %get3A_845 = tpu.vector_load %arg12[%get3A_843, %get3A_844] {strides = array<i32>} : memref<512x32xf32, #tpu.memory_space<vmem>>, vector<16xf32>,
      %mul3A_846 = arith.mulf %get3A_845, %get3A_655 : vector<16xf32>
      %add3A_847 = arith.addf %mul3A_842, %mul3A_846 : vector<16xf32>
      %swap3A_848 = arith.constant 192 : index
      %swap3A_849 = tpu.vector_load %arg14[%swap3A_848] {strides = array<i32>} : memref<256xf32, #tpu.memory_space<vmem>>, vector<16xf32>,
      tpu.vector_store %arg14[%swap3A_848], %add3A_847 {strides = array<i32>} : memref<256xf32, #tpu.memory_space<vmem>>, vector<16xf32>,
      %mul3A_850 = arith.constant 16 : i32
      %mul3A_851 = arith.muli %scan3A_600, %mul3A_850 : i32
      %add3A_852 = arith.constant 13 : i32
      %add3A_853 = arith.addi %mul3A_851, %add3A_852 : i32
      %get3A_854 = arith.index_cast %add3A_853 : i32 to index
      %get3A_855 = arith.constant 0 : index
      %get3A_856 = tpu.vector_load %arg12[%get3A_854, %get3A_855] {strides = array<i32>} : memref<512x32xf32, #tpu.memory_space<vmem>>, vector<16xf32>,
      %mul3A_857 = arith.mulf %get3A_856, %get3A_648 : vector<16xf32>
      %get3A_858 = arith.index_cast %add3A_853 : i32 to index
      %get3A_859 = arith.constant 16 : index
      %get3A_860 = tpu.vector_load %arg12[%get3A_858, %get3A_859] {strides = array<i32>} : memref<512x32xf32, #tpu.memory_space<vmem>>, vector<16xf32>,
      %mul3A_861 = arith.mulf %get3A_860, %get3A_655 : vector<16xf32>
      %add3A_862 = arith.addf %mul3A_857, %mul3A_861 : vector<16xf32>
      %swap3A_863 = arith.constant 208 : index
      %swap3A_864 = tpu.vector_load %arg14[%swap3A_863] {strides = array<i32>} : memref<256xf32, #tpu.memory_space<vmem>>, vector<16xf32>,
      tpu.vector_store %arg14[%swap3A_863], %add3A_862 {strides = array<i32>} : memref<256xf32, #tpu.memory_space<vmem>>, vector<16xf32>,
      %mul3A_865 = arith.constant 16 : i32
      %mul3A_866 = arith.muli %scan3A_600, %mul3A_865 : i32
      %add3A_867 = arith.constant 14 : i32
      %add3A_868 = arith.addi %mul3A_866, %add3A_867 : i32
      %get3A_869 = arith.index_cast %add3A_868 : i32 to index
      %get3A_870 = arith.constant 0 : index
      %get3A_871 = tpu.vector_load %arg12[%get3A_869, %get3A_870] {strides = array<i32>} : memref<512x32xf32, #tpu.memory_space<vmem>>, vector<16xf32>,
      %mul3A_872 = arith.mulf %get3A_871, %get3A_648 : vector<16xf32>
      %get3A_873 = arith.index_cast %add3A_868 : i32 to index
      %get3A_874 = arith.constant 16 : index
      %get3A_875 = tpu.vector_load %arg12[%get3A_873, %get3A_874] {strides = array<i32>} : memref<512x32xf32, #tpu.memory_space<vmem>>, vector<16xf32>,
      %mul3A_876 = arith.mulf %get3A_875, %get3A_655 : vector<16xf32>
      %add3A_877 = arith.addf %mul3A_872, %mul3A_876 : vector<16xf32>
      %swap3A_878 = arith.constant 224 : index
      %swap3A_879 = tpu.vector_load %arg14[%swap3A_878] {strides = array<i32>} : memref<256xf32, #tpu.memory_space<vmem>>, vector<16xf32>,
      tpu.vector_store %arg14[%swap3A_878], %add3A_877 {strides = array<i32>} : memref<256xf32, #tpu.memory_space<vmem>>, vector<16xf32>,
      %mul3A_880 = arith.constant 16 : i32
      %mul3A_881 = arith.muli %scan3A_600, %mul3A_880 : i32
      %add3A_882 = arith.constant 15 : i32
      %add3A_883 = arith.addi %mul3A_881, %add3A_882 : i32
      %get3A_884 = arith.index_cast %add3A_883 : i32 to index
      %get3A_885 = arith.constant 0 : index
      %get3A_886 = tpu.vector_load %arg12[%get3A_884, %get3A_885] {strides = array<i32>} : memref<512x32xf32, #tpu.memory_space<vmem>>, vector<16xf32>,
      %mul3A_887 = arith.mulf %get3A_886, %get3A_648 : vector<16xf32>
      %get3A_888 = arith.index_cast %add3A_883 : i32 to index
      %get3A_889 = arith.constant 16 : index
      %get3A_890 = tpu.vector_load %arg12[%get3A_888, %get3A_889] {strides = array<i32>} : memref<512x32xf32, #tpu.memory_space<vmem>>, vector<16xf32>,
      %mul3A_891 = arith.mulf %get3A_890, %get3A_655 : vector<16xf32>
      %add3A_892 = arith.addf %mul3A_887, %mul3A_891 : vector<16xf32>
      %swap3A_893 = arith.constant 240 : index
      %swap3A_894 = tpu.vector_load %arg14[%swap3A_893] {strides = array<i32>} : memref<256xf32, #tpu.memory_space<vmem>>, vector<16xf32>,
      tpu.vector_store %arg14[%swap3A_893], %add3A_892 {strides = array<i32>} : memref<256xf32, #tpu.memory_space<vmem>>, vector<16xf32>,
      %broadcast_in_dim3A = arith.constant 0.000000e+00 : f32
      %broadcast_in_dim3A_895 = vector.broadcast %broadcast_in_dim3A : f32 to vector<16xf32>
      %gather3A = tpu.vector_load_idx %arg14[%add3A_498] : memref<256xf32, #tpu.memory_space<vmem>>[vector<16xi32>], vector<16xf32>,
      %add3A_896 = arith.addf %broadcast_in_dim3A_895, %gather3A : vector<16xf32>
      %gather3A_897 = tpu.vector_load_idx %arg14[%add3A_504] : memref<256xf32, #tpu.memory_space<vmem>>[vector<16xi32>], vector<16xf32>,
      %add3A_898 = arith.addf %add3A_896, %gather3A_897 : vector<16xf32>
      %gather3A_899 = tpu.vector_load_idx %arg14[%add3A_510] : memref<256xf32, #tpu.memory_space<vmem>>[vector<16xi32>], vector<16xf32>,
      %add3A_900 = arith.addf %add3A_898, %gather3A_899 : vector<16xf32>
      %gather3A_901 = tpu.vector_load_idx %arg14[%add3A_516] : memref<256xf32, #tpu.memory_space<vmem>>[vector<16xi32>], vector<16xf32>,
      %add3A_902 = arith.addf %add3A_900, %gather3A_901 : vector<16xf32>
      %gather3A_903 = tpu.vector_load_idx %arg14[%add3A_522] : memref<256xf32, #tpu.memory_space<vmem>>[vector<16xi32>], vector<16xf32>,
      %add3A_904 = arith.addf %add3A_902, %gather3A_903 : vector<16xf32>
      %gather3A_905 = tpu.vector_load_idx %arg14[%add3A_528] : memref<256xf32, #tpu.memory_space<vmem>>[vector<16xi32>], vector<16xf32>,
      %add3A_906 = arith.addf %add3A_904, %gather3A_905 : vector<16xf32>
      %gather3A_907 = tpu.vector_load_idx %arg14[%add3A_534] : memref<256xf32, #tpu.memory_space<vmem>>[vector<16xi32>], vector<16xf32>,
      %add3A_908 = arith.addf %add3A_906, %gather3A_907 : vector<16xf32>
      %gather3A_909 = tpu.vector_load_idx %arg14[%add3A_540] : memref<256xf32, #tpu.memory_space<vmem>>[vector<16xi32>], vector<16xf32>,
      %add3A_910 = arith.addf %add3A_908, %gather3A_909 : vector<16xf32>
      %gather3A_911 = tpu.vector_load_idx %arg14[%add3A_546] : memref<256xf32, #tpu.memory_space<vmem>>[vector<16xi32>], vector<16xf32>,
      %add3A_912 = arith.addf %add3A_910, %gather3A_911 : vector<16xf32>
      %gather3A_913 = tpu.vector_load_idx %arg14[%add3A_552] : memref<256xf32, #tpu.memory_space<vmem>>[vector<16xi32>], vector<16xf32>,
      %add3A_914 = arith.addf %add3A_912, %gather3A_913 : vector<16xf32>
      %gather3A_915 = tpu.vector_load_idx %arg14[%add3A_558] : memref<256xf32, #tpu.memory_space<vmem>>[vector<16xi32>], vector<16xf32>,
      %add3A_916 = arith.addf %add3A_914, %gather3A_915 : vector<16xf32>
      %gather3A_917 = tpu.vector_load_idx %arg14[%add3A_564] : memref<256xf32, #tpu.memory_space<vmem>>[vector<16xi32>], vector<16xf32>,
      %add3A_918 = arith.addf %add3A_916, %gather3A_917 : vector<16xf32>
      %gather3A_919 = tpu.vector_load_idx %arg14[%add3A_570] : memref<256xf32, #tpu.memory_space<vmem>>[vector<16xi32>], vector<16xf32>,
      %add3A_920 = arith.addf %add3A_918, %gather3A_919 : vector<16xf32>
      %gather3A_921 = tpu.vector_load_idx %arg14[%add3A_576] : memref<256xf32, #tpu.memory_space<vmem>>[vector<16xi32>], vector<16xf32>,
      %add3A_922 = arith.addf %add3A_920, %gather3A_921 : vector<16xf32>
      %gather3A_923 = tpu.vector_load_idx %arg14[%add3A_582] : memref<256xf32, #tpu.memory_space<vmem>>[vector<16xi32>], vector<16xf32>,
      %add3A_924 = arith.addf %add3A_922, %gather3A_923 : vector<16xf32>
      %gather3A_925 = tpu.vector_load_idx %arg14[%add3A_588] : memref<256xf32, #tpu.memory_space<vmem>>[vector<16xi32>], vector<16xf32>,
      %add3A_926 = arith.addf %add3A_924, %gather3A_925 : vector<16xf32>
      %mul3A_927 = arith.constant 16 : i32
      %mul3A_928 = arith.muli %scan3A_600, %mul3A_927 : i32
      %swap3A_929 = arith.index_cast %mul3A_928 : i32 to index
      %swap3A_930 = tpu.vector_load %arg15[%swap3A_929] {strides = array<i32>} : memref<3072xf32, #tpu.memory_space<vmem>>, vector<16xf32>,
      tpu.vector_store %arg15[%swap3A_929], %add3A_926 {strides = array<i32>} : memref<3072xf32, #tpu.memory_space<vmem>>, vector<16xf32>,
    }
    %scan3A_593 = arith.constant 32 : i32
    %scan3A_594 = arith.constant 0 : i32
    %scan3A_595 = arith.constant 0 : i32
    %scan3A_596 = arith.constant 32 : i32
    %scan3A_597 = arith.addi %scan3A_595, %scan3A_596 : i32
    %scan3A_598 = arith.constant 1 : i32
    scf.for %scan3A_600 = %scan3A_595 to %scan3A_597 step %scan3A_598  : i32 {
      %mul3A_601 = arith.constant 4 : i32
      %mul3A_602 = arith.muli %scan3A_600, %mul3A_601 : i32
      %add3A_603 = arith.constant 0 : i32
      %add3A_604 = arith.addi %mul3A_602, %add3A_603 : i32
      %get3A = arith.index_cast %add3A_604 : i32 to index
      %get3A_605 = arith.constant 0 : index
      %get3A_606 = tpu.vector_load %arg11[%get3A, %get3A_605] {strides = array<i32>} : memref<128x32xf32, #tpu.memory_space<vmem>>, vector<16xf32>,
      %mul3A_607 = arith.constant 4 : i32
      %mul3A_608 = arith.muli %scan3A_600, %mul3A_607 : i32
      %add3A_609 = arith.constant 0 : i32
      %add3A_610 = arith.addi %mul3A_608, %add3A_609 : i32
      %get3A_611 = arith.index_cast %add3A_610 : i32 to index
      %get3A_612 = arith.constant 16 : index
      %get3A_613 = tpu.vector_load %arg11[%get3A_611, %get3A_612] {strides = array<i32>} : memref<128x32xf32, #tpu.memory_space<vmem>>, vector<16xf32>,
      %mul3A_614 = arith.constant 4 : i32
      %mul3A_615 = arith.muli %scan3A_600, %mul3A_614 : i32
      %add3A_616 = arith.constant 1 : i32
      %add3A_617 = arith.addi %mul3A_615, %add3A_616 : i32
      %get3A_618 = arith.index_cast %add3A_617 : i32 to index
      %get3A_619 = arith.constant 0 : index
      %get3A_620 = tpu.vector_load %arg11[%get3A_618, %get3A_619] {strides = array<i32>} : memref<128x32xf32, #tpu.memory_space<vmem>>, vector<16xf32>,
      %mul3A_621 = arith.constant 4 : i32
      %mul3A_622 = arith.muli %scan3A_600, %mul3A_621 : i32
      %add3A_623 = arith.constant 1 : i32
      %add3A_624 = arith.addi %mul3A_622, %add3A_623 : i32
      %get3A_625 = arith.index_cast %add3A_624 : i32 to index
      %get3A_626 = arith.constant 16 : index
      %get3A_627 = tpu.vector_load %arg11[%get3A_625, %get3A_626] {strides = array<i32>} : memref<128x32xf32, #tpu.memory_space<vmem>>, vector<16xf32>,
      %mul3A_628 = arith.constant 4 : i32
      %mul3A_629 = arith.muli %scan3A_600, %mul3A_628 : i32
      %add3A_630 = arith.constant 2 : i32
      %add3A_631 = arith.addi %mul3A_629, %add3A_630 : i32
      %get3A_632 = arith.index_cast %add3A_631 : i32 to index
      %get3A_633 = arith.constant 0 : index
      %get3A_634 = tpu.vector_load %arg11[%get3A_632, %get3A_633] {strides = array<i32>} : memref<128x32xf32, #tpu.memory_space<vmem>>, vector<16xf32>,
      %mul3A_635 = arith.constant 4 : i32
      %mul3A_636 = arith.muli %scan3A_600, %mul3A_635 : i32
      %add3A_637 = arith.constant 2 : i32
      %add3A_638 = arith.addi %mul3A_636, %add3A_637 : i32
      %get3A_639 = arith.index_cast %add3A_638 : i32 to index
      %get3A_640 = arith.constant 16 : index
      %get3A_641 = tpu.vector_load %arg11[%get3A_639, %get3A_640] {strides = array<i32>} : memref<128x32xf32, #tpu.memory_space<vmem>>, vector<16xf32>,
      %mul3A_642 = arith.constant 4 : i32
      %mul3A_643 = arith.muli %scan3A_600, %mul3A_642 : i32
      %add3A_644 = arith.constant 3 : i32
      %add3A_645 = arith.addi %mul3A_643, %add3A_644 : i32
      %get3A_646 = arith.index_cast %add3A_645 : i32 to index
      %get3A_647 = arith.constant 0 : index
      %get3A_648 = tpu.vector_load %arg11[%get3A_646, %get3A_647] {strides = array<i32>} : memref<128x32xf32, #tpu.memory_space<vmem>>, vector<16xf32>,
      %mul3A_649 = arith.constant 4 : i32
      %mul3A_650 = arith.muli %scan3A_600, %mul3A_649 : i32
      %add3A_651 = arith.constant 3 : i32
      %add3A_652 = arith.addi %mul3A_650, %add3A_651 : i32
      %get3A_653 = arith.index_cast %add3A_652 : i32 to index
      %get3A_654 = arith.constant 16 : index
      %get3A_655 = tpu.vector_load %arg11[%get3A_653, %get3A_654] {strides = array<i32>} : memref<128x32xf32, #tpu.memory_space<vmem>>, vector<16xf32>,
      %mul3A_656 = arith.constant 80 : i32
      %mul3A_657 = arith.muli %scan3A_600, %mul3A_656 : i32
      %add3A_658 = arith.constant 0 : i32
      %add3A_659 = arith.addi %mul3A_657, %add3A_658 : i32
      %get3A_660 = arith.index_cast %add3A_659 : i32 to index
      %get3A_661 = arith.constant 0 : index
      %get3A_662 = tpu.vector_load %arg13[%get3A_660, %get3A_661] {strides = array<i32>} : memref<2560x32xf32, #tpu.memory_space<vmem>>, vector<16xf32>,
      %mul3A_663 = arith.mulf %get3A_662, %get3A_606 : vector<16xf32>
      %get3A_664 = arith.index_cast %add3A_659 : i32 to index
      %get3A_665 = arith.constant 16 : index
      %get3A_666 = tpu.vector_load %arg13[%get3A_664, %get3A_665] {strides = array<i32>} : memref<2560x32xf32, #tpu.memory_space<vmem>>, vector<16xf32>,
      %mul3A_667 = arith.mulf %get3A_666, %get3A_613 : vector<16xf32>
      %add3A_668 = arith.addf %mul3A_663, %mul3A_667 : vector<16xf32>
      %swap3A = arith.constant 0 : index
      %swap3A_669 = tpu.vector_load %arg14[%swap3A] {strides = array<i32>} : memref<256xf32, #tpu.memory_space<vmem>>, vector<16xf32>,
      tpu.vector_store %arg14[%swap3A], %add3A_668 {strides = array<i32>} : memref<256xf32, #tpu.memory_space<vmem>>, vector<16xf32>,
      %mul3A_670 = arith.constant 80 : i32
      %mul3A_671 = arith.muli %scan3A_600, %mul3A_670 : i32
      %add3A_672 = arith.constant 1 : i32
      %add3A_673 = arith.addi %mul3A_671, %add3A_672 : i32
      %get3A_674 = arith.index_cast %add3A_673 : i32 to index
      %get3A_675 = arith.constant 0 : index
      %get3A_676 = tpu.vector_load %arg13[%get3A_674, %get3A_675] {strides = array<i32>} : memref<2560x32xf32, #tpu.memory_space<vmem>>, vector<16xf32>,
      %mul3A_677 = arith.mulf %get3A_676, %get3A_606 : vector<16xf32>
      %get3A_678 = arith.index_cast %add3A_673 : i32 to index
      %get3A_679 = arith.constant 16 : index
      %get3A_680 = tpu.vector_load %arg13[%get3A_678, %get3A_679] {strides = array<i32>} : memref<2560x32xf32, #tpu.memory_space<vmem>>, vector<16xf32>,
      %mul3A_681 = arith.mulf %get3A_680, %get3A_613 : vector<16xf32>
      %add3A_682 = arith.addf %mul3A_677, %mul3A_681 : vector<16xf32>
      %swap3A_683 = arith.constant 16 : index
      %swap3A_684 = tpu.vector_load %arg14[%swap3A_683] {strides = array<i32>} : memref<256xf32, #tpu.memory_space<vmem>>, vector<16xf32>,
      tpu.vector_store %arg14[%swap3A_683], %add3A_682 {strides = array<i32>} : memref<256xf32, #tpu.memory_space<vmem>>, vector<16xf32>,
      %mul3A_685 = arith.constant 80 : i32
      %mul3A_686 = arith.muli %scan3A_600, %mul3A_685 : i32
      %add3A_687 = arith.constant 2 : i32
      %add3A_688 = arith.addi %mul3A_686, %add3A_687 : i32
      %get3A_689 = arith.index_cast %add3A_688 : i32 to index
      %get3A_690 = arith.constant 0 : index
      %get3A_691 = tpu.vector_load %arg13[%get3A_689, %get3A_690] {strides = array<i32>} : memref<2560x32xf32, #tpu.memory_space<vmem>>, vector<16xf32>,
      %mul3A_692 = arith.mulf %get3A_691, %get3A_606 : vector<16xf32>
      %get3A_693 = arith.index_cast %add3A_688 : i32 to index
      %get3A_694 = arith.constant 16 : index
      %get3A_695 = tpu.vector_load %arg13[%get3A_693, %get3A_694] {strides = array<i32>} : memref<2560x32xf32, #tpu.memory_space<vmem>>, vector<16xf32>,
      %mul3A_696 = arith.mulf %get3A_695, %get3A_613 : vector<16xf32>
      %add3A_697 = arith.addf %mul3A_692, %mul3A_696 : vector<16xf32>
      %swap3A_698 = arith.constant 32 : index
      %swap3A_699 = tpu.vector_load %arg14[%swap3A_698] {strides = array<i32>} : memref<256xf32, #tpu.memory_space<vmem>>, vector<16xf32>,
      tpu.vector_store %arg14[%swap3A_698], %add3A_697 {strides = array<i32>} : memref<256xf32, #tpu.memory_space<vmem>>, vector<16xf32>,
      %mul3A_700 = arith.constant 80 : i32
      %mul3A_701 = arith.muli %scan3A_600, %mul3A_700 : i32
      %add3A_702 = arith.constant 3 : i32
      %add3A_703 = arith.addi %mul3A_701, %add3A_702 : i32
      %get3A_704 = arith.index_cast %add3A_703 : i32 to index
      %get3A_705 = arith.constant 0 : index
      %get3A_706 = tpu.vector_load %arg13[%get3A_704, %get3A_705] {strides = array<i32>} : memref<2560x32xf32, #tpu.memory_space<vmem>>, vector<16xf32>,
      %mul3A_707 = arith.mulf %get3A_706, %get3A_606 : vector<16xf32>
      %get3A_708 = arith.index_cast %add3A_703 : i32 to index
      %get3A_709 = arith.constant 16 : index
      %get3A_710 = tpu.vector_load %arg13[%get3A_708, %get3A_709] {strides = array<i32>} : memref<2560x32xf32, #tpu.memory_space<vmem>>, vector<16xf32>,
      %mul3A_711 = arith.mulf %get3A_710, %get3A_613 : vector<16xf32>
      %add3A_712 = arith.addf %mul3A_707, %mul3A_711 : vector<16xf32>
      %swap3A_713 = arith.constant 48 : index
      %swap3A_714 = tpu.vector_load %arg14[%swap3A_713] {strides = array<i32>} : memref<256xf32, #tpu.memory_space<vmem>>, vector<16xf32>,
      tpu.vector_store %arg14[%swap3A_713], %add3A_712 {strides = array<i32>} : memref<256xf32, #tpu.memory_space<vmem>>, vector<16xf32>,
      %mul3A_715 = arith.constant 80 : i32
      %mul3A_716 = arith.muli %scan3A_600, %mul3A_715 : i32
      %add3A_717 = arith.constant 4 : i32
      %add3A_718 = arith.addi %mul3A_716, %add3A_717 : i32
      %get3A_719 = arith.index_cast %add3A_718 : i32 to index
      %get3A_720 = arith.constant 0 : index
      %get3A_721 = tpu.vector_load %arg13[%get3A_719, %get3A_720] {strides = array<i32>} : memref<2560x32xf32, #tpu.memory_space<vmem>>, vector<16xf32>,
      %mul3A_722 = arith.mulf %get3A_721, %get3A_606 : vector<16xf32>
      %get3A_723 = arith.index_cast %add3A_718 : i32 to index
      %get3A_724 = arith.constant 16 : index
      %get3A_725 = tpu.vector_load %arg13[%get3A_723, %get3A_724] {strides = array<i32>} : memref<2560x32xf32, #tpu.memory_space<vmem>>, vector<16xf32>,
      %mul3A_726 = arith.mulf %get3A_725, %get3A_613 : vector<16xf32>
      %add3A_727 = arith.addf %mul3A_722, %mul3A_726 : vector<16xf32>
      %swap3A_728 = arith.constant 64 : index
      %swap3A_729 = tpu.vector_load %arg14[%swap3A_728] {strides = array<i32>} : memref<256xf32, #tpu.memory_space<vmem>>, vector<16xf32>,
      tpu.vector_store %arg14[%swap3A_728], %add3A_727 {strides = array<i32>} : memref<256xf32, #tpu.memory_space<vmem>>, vector<16xf32>,
      %mul3A_730 = arith.constant 80 : i32
      %mul3A_731 = arith.muli %scan3A_600, %mul3A_730 : i32
      %add3A_732 = arith.constant 5 : i32
      %add3A_733 = arith.addi %mul3A_731, %add3A_732 : i32
      %get3A_734 = arith.index_cast %add3A_733 : i32 to index
      %get3A_735 = arith.constant 0 : index
      %get3A_736 = tpu.vector_load %arg13[%get3A_734, %get3A_735] {strides = array<i32>} : memref<2560x32xf32, #tpu.memory_space<vmem>>, vector<16xf32>,
      %mul3A_737 = arith.mulf %get3A_736, %get3A_606 : vector<16xf32>
      %get3A_738 = arith.index_cast %add3A_733 : i32 to index
      %get3A_739 = arith.constant 16 : index
      %get3A_740 = tpu.vector_load %arg13[%get3A_738, %get3A_739] {strides = array<i32>} : memref<2560x32xf32, #tpu.memory_space<vmem>>, vector<16xf32>,
      %mul3A_741 = arith.mulf %get3A_740, %get3A_613 : vector<16xf32>
      %add3A_742 = arith.addf %mul3A_737, %mul3A_741 : vector<16xf32>
      %swap3A_743 = arith.constant 80 : index
      %swap3A_744 = tpu.vector_load %arg14[%swap3A_743] {strides = array<i32>} : memref<256xf32, #tpu.memory_space<vmem>>, vector<16xf32>,
      tpu.vector_store %arg14[%swap3A_743], %add3A_742 {strides = array<i32>} : memref<256xf32, #tpu.memory_space<vmem>>, vector<16xf32>,
      %mul3A_745 = arith.constant 80 : i32
      %mul3A_746 = arith.muli %scan3A_600, %mul3A_745 : i32
      %add3A_747 = arith.constant 6 : i32
      %add3A_748 = arith.addi %mul3A_746, %add3A_747 : i32
      %get3A_749 = arith.index_cast %add3A_748 : i32 to index
      %get3A_750 = arith.constant 0 : index
      %get3A_751 = tpu.vector_load %arg13[%get3A_749, %get3A_750] {strides = array<i32>} : memref<2560x32xf32, #tpu.memory_space<vmem>>, vector<16xf32>,
      %mul3A_752 = arith.mulf %get3A_751, %get3A_606 : vector<16xf32>
      %get3A_753 = arith.index_cast %add3A_748 : i32 to index
      %get3A_754 = arith.constant 16 : index
      %get3A_755 = tpu.vector_load %arg13[%get3A_753, %get3A_754] {strides = array<i32>} : memref<2560x32xf32, #tpu.memory_space<vmem>>, vector<16xf32>,
      %mul3A_756 = arith.mulf %get3A_755, %get3A_613 : vector<16xf32>
      %add3A_757 = arith.addf %mul3A_752, %mul3A_756 : vector<16xf32>
      %swap3A_758 = arith.constant 96 : index
      %swap3A_759 = tpu.vector_load %arg14[%swap3A_758] {strides = array<i32>} : memref<256xf32, #tpu.memory_space<vmem>>, vector<16xf32>,
      tpu.vector_store %arg14[%swap3A_758], %add3A_757 {strides = array<i32>} : memref<256xf32, #tpu.memory_space<vmem>>, vector<16xf32>,
      %mul3A_760 = arith.constant 80 : i32
      %mul3A_761 = arith.muli %scan3A_600, %mul3A_760 : i32
      %add3A_762 = arith.constant 7 : i32
      %add3A_763 = arith.addi %mul3A_761, %add3A_762 : i32
      %get3A_764 = arith.index_cast %add3A_763 : i32 to index
      %get3A_765 = arith.constant 0 : index
      %get3A_766 = tpu.vector_load %arg13[%get3A_764, %get3A_765] {strides = array<i32>} : memref<2560x32xf32, #tpu.memory_space<vmem>>, vector<16xf32>,
      %mul3A_767 = arith.mulf %get3A_766, %get3A_606 : vector<16xf32>
      %get3A_768 = arith.index_cast %add3A_763 : i32 to index
      %get3A_769 = arith.constant 16 : index
      %get3A_770 = tpu.vector_load %arg13[%get3A_768, %get3A_769] {strides = array<i32>} : memref<2560x32xf32, #tpu.memory_space<vmem>>, vector<16xf32>,
      %mul3A_771 = arith.mulf %get3A_770, %get3A_613 : vector<16xf32>
      %add3A_772 = arith.addf %mul3A_767, %mul3A_771 : vector<16xf32>
      %swap3A_773 = arith.constant 112 : index
      %swap3A_774 = tpu.vector_load %arg14[%swap3A_773] {strides = array<i32>} : memref<256xf32, #tpu.memory_space<vmem>>, vector<16xf32>,
      tpu.vector_store %arg14[%swap3A_773], %add3A_772 {strides = array<i32>} : memref<256xf32, #tpu.memory_space<vmem>>, vector<16xf32>,
      %mul3A_775 = arith.constant 80 : i32
      %mul3A_776 = arith.muli %scan3A_600, %mul3A_775 : i32
      %add3A_777 = arith.constant 8 : i32
      %add3A_778 = arith.addi %mul3A_776, %add3A_777 : i32
      %get3A_779 = arith.index_cast %add3A_778 : i32 to index
      %get3A_780 = arith.constant 0 : index
      %get3A_781 = tpu.vector_load %arg13[%get3A_779, %get3A_780] {strides = array<i32>} : memref<2560x32xf32, #tpu.memory_space<vmem>>, vector<16xf32>,
      %mul3A_782 = arith.mulf %get3A_781, %get3A_606 : vector<16xf32>
      %get3A_783 = arith.index_cast %add3A_778 : i32 to index
      %get3A_784 = arith.constant 16 : index
      %get3A_785 = tpu.vector_load %arg13[%get3A_783, %get3A_784] {strides = array<i32>} : memref<2560x32xf32, #tpu.memory_space<vmem>>, vector<16xf32>,
      %mul3A_786 = arith.mulf %get3A_785, %get3A_613 : vector<16xf32>
      %add3A_787 = arith.addf %mul3A_782, %mul3A_786 : vector<16xf32>
      %swap3A_788 = arith.constant 128 : index
      %swap3A_789 = tpu.vector_load %arg14[%swap3A_788] {strides = array<i32>} : memref<256xf32, #tpu.memory_space<vmem>>, vector<16xf32>,
      tpu.vector_store %arg14[%swap3A_788], %add3A_787 {strides = array<i32>} : memref<256xf32, #tpu.memory_space<vmem>>, vector<16xf32>,
      %mul3A_790 = arith.constant 80 : i32
      %mul3A_791 = arith.muli %scan3A_600, %mul3A_790 : i32
      %add3A_792 = arith.constant 9 : i32
      %add3A_793 = arith.addi %mul3A_791, %add3A_792 : i32
      %get3A_794 = arith.index_cast %add3A_793 : i32 to index
      %get3A_795 = arith.constant 0 : index
      %get3A_796 = tpu.vector_load %arg13[%get3A_794, %get3A_795] {strides = array<i32>} : memref<2560x32xf32, #tpu.memory_space<vmem>>, vector<16xf32>,
      %mul3A_797 = arith.mulf %get3A_796, %get3A_606 : vector<16xf32>
      %get3A_798 = arith.index_cast %add3A_793 : i32 to index
      %get3A_799 = arith.constant 16 : index
      %get3A_800 = tpu.vector_load %arg13[%get3A_798, %get3A_799] {strides = array<i32>} : memref<2560x32xf32, #tpu.memory_space<vmem>>, vector<16xf32>,
      %mul3A_801 = arith.mulf %get3A_800, %get3A_613 : vector<16xf32>
      %add3A_802 = arith.addf %mul3A_797, %mul3A_801 : vector<16xf32>
      %swap3A_803 = arith.constant 144 : index
      %swap3A_804 = tpu.vector_load %arg14[%swap3A_803] {strides = array<i32>} : memref<256xf32, #tpu.memory_space<vmem>>, vector<16xf32>,
      tpu.vector_store %arg14[%swap3A_803], %add3A_802 {strides = array<i32>} : memref<256xf32, #tpu.memory_space<vmem>>, vector<16xf32>,
      %mul3A_805 = arith.constant 80 : i32
      %mul3A_806 = arith.muli %scan3A_600, %mul3A_805 : i32
      %add3A_807 = arith.constant 10 : i32
      %add3A_808 = arith.addi %mul3A_806, %add3A_807 : i32
      %get3A_809 = arith.index_cast %add3A_808 : i32 to index
      %get3A_810 = arith.constant 0 : index
      %get3A_811 = tpu.vector_load %arg13[%get3A_809, %get3A_810] {strides = array<i32>} : memref<2560x32xf32, #tpu.memory_space<vmem>>, vector<16xf32>,
      %mul3A_812 = arith.mulf %get3A_811, %get3A_606 : vector<16xf32>
      %get3A_813 = arith.index_cast %add3A_808 : i32 to index
      %get3A_814 = arith.constant 16 : index
      %get3A_815 = tpu.vector_load %arg13[%get3A_813, %get3A_814] {strides = array<i32>} : memref<2560x32xf32, #tpu.memory_space<vmem>>, vector<16xf32>,
      %mul3A_816 = arith.mulf %get3A_815, %get3A_613 : vector<16xf32>
      %add3A_817 = arith.addf %mul3A_812, %mul3A_816 : vector<16xf32>
      %swap3A_818 = arith.constant 160 : index
      %swap3A_819 = tpu.vector_load %arg14[%swap3A_818] {strides = array<i32>} : memref<256xf32, #tpu.memory_space<vmem>>, vector<16xf32>,
      tpu.vector_store %arg14[%swap3A_818], %add3A_817 {strides = array<i32>} : memref<256xf32, #tpu.memory_space<vmem>>, vector<16xf32>,
      %mul3A_820 = arith.constant 80 : i32
      %mul3A_821 = arith.muli %scan3A_600, %mul3A_820 : i32
      %add3A_822 = arith.constant 11 : i32
      %add3A_823 = arith.addi %mul3A_821, %add3A_822 : i32
      %get3A_824 = arith.index_cast %add3A_823 : i32 to index
      %get3A_825 = arith.constant 0 : index
      %get3A_826 = tpu.vector_load %arg13[%get3A_824, %get3A_825] {strides = array<i32>} : memref<2560x32xf32, #tpu.memory_space<vmem>>, vector<16xf32>,
      %mul3A_827 = arith.mulf %get3A_826, %get3A_606 : vector<16xf32>
      %get3A_828 = arith.index_cast %add3A_823 : i32 to index
      %get3A_829 = arith.constant 16 : index
      %get3A_830 = tpu.vector_load %arg13[%get3A_828, %get3A_829] {strides = array<i32>} : memref<2560x32xf32, #tpu.memory_space<vmem>>, vector<16xf32>,
      %mul3A_831 = arith.mulf %get3A_830, %get3A_613 : vector<16xf32>
      %add3A_832 = arith.addf %mul3A_827, %mul3A_831 : vector<16xf32>
      %swap3A_833 = arith.constant 176 : index
      %swap3A_834 = tpu.vector_load %arg14[%swap3A_833] {strides = array<i32>} : memref<256xf32, #tpu.memory_space<vmem>>, vector<16xf32>,
      tpu.vector_store %arg14[%swap3A_833], %add3A_832 {strides = array<i32>} : memref<256xf32, #tpu.memory_space<vmem>>, vector<16xf32>,
      %mul3A_835 = arith.constant 80 : i32
      %mul3A_836 = arith.muli %scan3A_600, %mul3A_835 : i32
      %add3A_837 = arith.constant 12 : i32
      %add3A_838 = arith.addi %mul3A_836, %add3A_837 : i32
      %get3A_839 = arith.index_cast %add3A_838 : i32 to index
      %get3A_840 = arith.constant 0 : index
      %get3A_841 = tpu.vector_load %arg13[%get3A_839, %get3A_840] {strides = array<i32>} : memref<2560x32xf32, #tpu.memory_space<vmem>>, vector<16xf32>,
      %mul3A_842 = arith.mulf %get3A_841, %get3A_606 : vector<16xf32>
      %get3A_843 = arith.index_cast %add3A_838 : i32 to index
      %get3A_844 = arith.constant 16 : index
      %get3A_845 = tpu.vector_load %arg13[%get3A_843, %get3A_844] {strides = array<i32>} : memref<2560x32xf32, #tpu.memory_space<vmem>>, vector<16xf32>,
      %mul3A_846 = arith.mulf %get3A_845, %get3A_613 : vector<16xf32>
      %add3A_847 = arith.addf %mul3A_842, %mul3A_846 : vector<16xf32>
      %swap3A_848 = arith.constant 192 : index
      %swap3A_849 = tpu.vector_load %arg14[%swap3A_848] {strides = array<i32>} : memref<256xf32, #tpu.memory_space<vmem>>, vector<16xf32>,
      tpu.vector_store %arg14[%swap3A_848], %add3A_847 {strides = array<i32>} : memref<256xf32, #tpu.memory_space<vmem>>, vector<16xf32>,
      %mul3A_850 = arith.constant 80 : i32
      %mul3A_851 = arith.muli %scan3A_600, %mul3A_850 : i32
      %add3A_852 = arith.constant 13 : i32
      %add3A_853 = arith.addi %mul3A_851, %add3A_852 : i32
      %get3A_854 = arith.index_cast %add3A_853 : i32 to index
      %get3A_855 = arith.constant 0 : index
      %get3A_856 = tpu.vector_load %arg13[%get3A_854, %get3A_855] {strides = array<i32>} : memref<2560x32xf32, #tpu.memory_space<vmem>>, vector<16xf32>,
      %mul3A_857 = arith.mulf %get3A_856, %get3A_606 : vector<16xf32>
      %get3A_858 = arith.index_cast %add3A_853 : i32 to index
      %get3A_859 = arith.constant 16 : index
      %get3A_860 = tpu.vector_load %arg13[%get3A_858, %get3A_859] {strides = array<i32>} : memref<2560x32xf32, #tpu.memory_space<vmem>>, vector<16xf32>,
      %mul3A_861 = arith.mulf %get3A_860, %get3A_613 : vector<16xf32>
      %add3A_862 = arith.addf %mul3A_857, %mul3A_861 : vector<16xf32>
      %swap3A_863 = arith.constant 208 : index
      %swap3A_864 = tpu.vector_load %arg14[%swap3A_863] {strides = array<i32>} : memref<256xf32, #tpu.memory_space<vmem>>, vector<16xf32>,
      tpu.vector_store %arg14[%swap3A_863], %add3A_862 {strides = array<i32>} : memref<256xf32, #tpu.memory_space<vmem>>, vector<16xf32>,
      %mul3A_865 = arith.constant 80 : i32
      %mul3A_866 = arith.muli %scan3A_600, %mul3A_865 : i32
      %add3A_867 = arith.constant 14 : i32
      %add3A_868 = arith.addi %mul3A_866, %add3A_867 : i32
      %get3A_869 = arith.index_cast %add3A_868 : i32 to index
      %get3A_870 = arith.constant 0 : index
      %get3A_871 = tpu.vector_load %arg13[%get3A_869, %get3A_870] {strides = array<i32>} : memref<2560x32xf32, #tpu.memory_space<vmem>>, vector<16xf32>,
      %mul3A_872 = arith.mulf %get3A_871, %get3A_606 : vector<16xf32>
      %get3A_873 = arith.index_cast %add3A_868 : i32 to index
      %get3A_874 = arith.constant 16 : index
      %get3A_875 = tpu.vector_load %arg13[%get3A_873, %get3A_874] {strides = array<i32>} : memref<2560x32xf32, #tpu.memory_space<vmem>>, vector<16xf32>,
      %mul3A_876 = arith.mulf %get3A_875, %get3A_613 : vector<16xf32>
      %add3A_877 = arith.addf %mul3A_872, %mul3A_876 : vector<16xf32>
      %swap3A_878 = arith.constant 224 : index
      %swap3A_879 = tpu.vector_load %arg14[%swap3A_878] {strides = array<i32>} : memref<256xf32, #tpu.memory_space<vmem>>, vector<16xf32>,
      tpu.vector_store %arg14[%swap3A_878], %add3A_877 {strides = array<i32>} : memref<256xf32, #tpu.memory_space<vmem>>, vector<16xf32>,
      %mul3A_880 = arith.constant 80 : i32
      %mul3A_881 = arith.muli %scan3A_600, %mul3A_880 : i32
      %add3A_882 = arith.constant 15 : i32
      %add3A_883 = arith.addi %mul3A_881, %add3A_882 : i32
      %get3A_884 = arith.index_cast %add3A_883 : i32 to index
      %get3A_885 = arith.constant 0 : index
      %get3A_886 = tpu.vector_load %arg13[%get3A_884, %get3A_885] {strides = array<i32>} : memref<2560x32xf32, #tpu.memory_space<vmem>>, vector<16xf32>,
      %mul3A_887 = arith.mulf %get3A_886, %get3A_606 : vector<16xf32>
      %get3A_888 = arith.index_cast %add3A_883 : i32 to index
      %get3A_889 = arith.constant 16 : index
      %get3A_890 = tpu.vector_load %arg13[%get3A_888, %get3A_889] {strides = array<i32>} : memref<2560x32xf32, #tpu.memory_space<vmem>>, vector<16xf32>,
      %mul3A_891 = arith.mulf %get3A_890, %get3A_613 : vector<16xf32>
      %add3A_892 = arith.addf %mul3A_887, %mul3A_891 : vector<16xf32>
      %swap3A_893 = arith.constant 240 : index
      %swap3A_894 = tpu.vector_load %arg14[%swap3A_893] {strides = array<i32>} : memref<256xf32, #tpu.memory_space<vmem>>, vector<16xf32>,
      tpu.vector_store %arg14[%swap3A_893], %add3A_892 {strides = array<i32>} : memref<256xf32, #tpu.memory_space<vmem>>, vector<16xf32>,
      %broadcast_in_dim3A = arith.constant 0.000000e+00 : f32
      %broadcast_in_dim3A_895 = vector.broadcast %broadcast_in_dim3A : f32 to vector<16xf32>
      %gather3A = tpu.vector_load_idx %arg14[%add3A_498] : memref<256xf32, #tpu.memory_space<vmem>>[vector<16xi32>], vector<16xf32>,
      %sub3A = arith.subf %broadcast_in_dim3A_895, %gather3A : vector<16xf32>
      %gather3A_896 = tpu.vector_load_idx %arg14[%add3A_504] : memref<256xf32, #tpu.memory_space<vmem>>[vector<16xi32>], vector<16xf32>,
      %sub3A_897 = arith.subf %sub3A, %gather3A_896 : vector<16xf32>
      %gather3A_898 = tpu.vector_load_idx %arg14[%add3A_510] : memref<256xf32, #tpu.memory_space<vmem>>[vector<16xi32>], vector<16xf32>,
      %sub3A_899 = arith.subf %sub3A_897, %gather3A_898 : vector<16xf32>
      %gather3A_900 = tpu.vector_load_idx %arg14[%add3A_516] : memref<256xf32, #tpu.memory_space<vmem>>[vector<16xi32>], vector<16xf32>,
      %sub3A_901 = arith.subf %sub3A_899, %gather3A_900 : vector<16xf32>
      %gather3A_902 = tpu.vector_load_idx %arg14[%add3A_522] : memref<256xf32, #tpu.memory_space<vmem>>[vector<16xi32>], vector<16xf32>,
      %sub3A_903 = arith.subf %sub3A_901, %gather3A_902 : vector<16xf32>
      %gather3A_904 = tpu.vector_load_idx %arg14[%add3A_528] : memref<256xf32, #tpu.memory_space<vmem>>[vector<16xi32>], vector<16xf32>,
      %sub3A_905 = arith.subf %sub3A_903, %gather3A_904 : vector<16xf32>
      %gather3A_906 = tpu.vector_load_idx %arg14[%add3A_534] : memref<256xf32, #tpu.memory_space<vmem>>[vector<16xi32>], vector<16xf32>,
      %sub3A_907 = arith.subf %sub3A_905, %gather3A_906 : vector<16xf32>
      %gather3A_908 = tpu.vector_load_idx %arg14[%add3A_540] : memref<256xf32, #tpu.memory_space<vmem>>[vector<16xi32>], vector<16xf32>,
      %sub3A_909 = arith.subf %sub3A_907, %gather3A_908 : vector<16xf32>
      %gather3A_910 = tpu.vector_load_idx %arg14[%add3A_546] : memref<256xf32, #tpu.memory_space<vmem>>[vector<16xi32>], vector<16xf32>,
      %sub3A_911 = arith.subf %sub3A_909, %gather3A_910 : vector<16xf32>
      %gather3A_912 = tpu.vector_load_idx %arg14[%add3A_552] : memref<256xf32, #tpu.memory_space<vmem>>[vector<16xi32>], vector<16xf32>,
      %sub3A_913 = arith.subf %sub3A_911, %gather3A_912 : vector<16xf32>
      %gather3A_914 = tpu.vector_load_idx %arg14[%add3A_558] : memref<256xf32, #tpu.memory_space<vmem>>[vector<16xi32>], vector<16xf32>,
      %sub3A_915 = arith.subf %sub3A_913, %gather3A_914 : vector<16xf32>
      %gather3A_916 = tpu.vector_load_idx %arg14[%add3A_564] : memref<256xf32, #tpu.memory_space<vmem>>[vector<16xi32>], vector<16xf32>,
      %sub3A_917 = arith.subf %sub3A_915, %gather3A_916 : vector<16xf32>
      %gather3A_918 = tpu.vector_load_idx %arg14[%add3A_570] : memref<256xf32, #tpu.memory_space<vmem>>[vector<16xi32>], vector<16xf32>,
      %sub3A_919 = arith.subf %sub3A_917, %gather3A_918 : vector<16xf32>
      %gather3A_920 = tpu.vector_load_idx %arg14[%add3A_576] : memref<256xf32, #tpu.memory_space<vmem>>[vector<16xi32>], vector<16xf32>,
      %sub3A_921 = arith.subf %sub3A_919, %gather3A_920 : vector<16xf32>
      %gather3A_922 = tpu.vector_load_idx %arg14[%add3A_582] : memref<256xf32, #tpu.memory_space<vmem>>[vector<16xi32>], vector<16xf32>,
      %sub3A_923 = arith.subf %sub3A_921, %gather3A_922 : vector<16xf32>
      %gather3A_924 = tpu.vector_load_idx %arg14[%add3A_588] : memref<256xf32, #tpu.memory_space<vmem>>[vector<16xi32>], vector<16xf32>,
      %sub3A_925 = arith.subf %sub3A_923, %gather3A_924 : vector<16xf32>
      %mul3A_926 = arith.constant 80 : i32
      %mul3A_927 = arith.muli %scan3A_600, %mul3A_926 : i32
      %add3A_928 = arith.constant 512 : i32
      %add3A_929 = arith.addi %add3A_928, %mul3A_927 : i32
      %add3A_930 = arith.constant 0 : i32
      %add3A_931 = arith.addi %add3A_929, %add3A_930 : i32
      %swap3A_932 = arith.index_cast %add3A_931 : i32 to index
      %swap3A_933 = tpu.vector_load %arg15[%swap3A_932] {strides = array<i32>} : memref<3072xf32, #tpu.memory_space<vmem>>, vector<16xf32>,
      tpu.vector_store %arg15[%swap3A_932], %sub3A_925 {strides = array<i32>} : memref<3072xf32, #tpu.memory_space<vmem>>, vector<16xf32>,
      %mul3A_934 = arith.constant 80 : i32
      %mul3A_935 = arith.muli %scan3A_600, %mul3A_934 : i32
      %add3A_936 = arith.constant 16 : i32
      %add3A_937 = arith.addi %mul3A_935, %add3A_936 : i32
      %get3A_938 = arith.index_cast %add3A_937 : i32 to index
      %get3A_939 = arith.constant 0 : index
      %get3A_940 = tpu.vector_load %arg13[%get3A_938, %get3A_939] {strides = array<i32>} : memref<2560x32xf32, #tpu.memory_space<vmem>>, vector<16xf32>,
      %mul3A_941 = arith.mulf %get3A_940, %get3A_606 : vector<16xf32>
      %get3A_942 = arith.index_cast %add3A_937 : i32 to index
      %get3A_943 = arith.constant 16 : index
      %get3A_944 = tpu.vector_load %arg13[%get3A_942, %get3A_943] {strides = array<i32>} : memref<2560x32xf32, #tpu.memory_space<vmem>>, vector<16xf32>,
      %mul3A_945 = arith.mulf %get3A_944, %get3A_613 : vector<16xf32>
      %add3A_946 = arith.addf %mul3A_941, %mul3A_945 : vector<16xf32>
      %swap3A_947 = arith.constant 0 : index
      %swap3A_948 = tpu.vector_load %arg14[%swap3A_947] {strides = array<i32>} : memref<256xf32, #tpu.memory_space<vmem>>, vector<16xf32>,
      tpu.vector_store %arg14[%swap3A_947], %add3A_946 {strides = array<i32>} : memref<256xf32, #tpu.memory_space<vmem>>, vector<16xf32>,
      %mul3A_949 = arith.constant 80 : i32
      %mul3A_950 = arith.muli %scan3A_600, %mul3A_949 : i32
      %add3A_951 = arith.constant 17 : i32
      %add3A_952 = arith.addi %mul3A_950, %add3A_951 : i32
      %get3A_953 = arith.index_cast %add3A_952 : i32 to index
      %get3A_954 = arith.constant 0 : index
      %get3A_955 = tpu.vector_load %arg13[%get3A_953, %get3A_954] {strides = array<i32>} : memref<2560x32xf32, #tpu.memory_space<vmem>>, vector<16xf32>,
      %mul3A_956 = arith.mulf %get3A_955, %get3A_606 : vector<16xf32>
      %get3A_957 = arith.index_cast %add3A_952 : i32 to index
      %get3A_958 = arith.constant 16 : index
      %get3A_959 = tpu.vector_load %arg13[%get3A_957, %get3A_958] {strides = array<i32>} : memref<2560x32xf32, #tpu.memory_space<vmem>>, vector<16xf32>,
      %mul3A_960 = arith.mulf %get3A_959, %get3A_613 : vector<16xf32>
      %add3A_961 = arith.addf %mul3A_956, %mul3A_960 : vector<16xf32>
      %swap3A_962 = arith.constant 16 : index
      %swap3A_963 = tpu.vector_load %arg14[%swap3A_962] {strides = array<i32>} : memref<256xf32, #tpu.memory_space<vmem>>, vector<16xf32>,
      tpu.vector_store %arg14[%swap3A_962], %add3A_961 {strides = array<i32>} : memref<256xf32, #tpu.memory_space<vmem>>, vector<16xf32>,
      %mul3A_964 = arith.constant 80 : i32
      %mul3A_965 = arith.muli %scan3A_600, %mul3A_964 : i32
      %add3A_966 = arith.constant 18 : i32
      %add3A_967 = arith.addi %mul3A_965, %add3A_966 : i32
      %get3A_968 = arith.index_cast %add3A_967 : i32 to index
      %get3A_969 = arith.constant 0 : index
      %get3A_970 = tpu.vector_load %arg13[%get3A_968, %get3A_969] {strides = array<i32>} : memref<2560x32xf32, #tpu.memory_space<vmem>>, vector<16xf32>,
      %mul3A_971 = arith.mulf %get3A_970, %get3A_606 : vector<16xf32>
      %get3A_972 = arith.index_cast %add3A_967 : i32 to index
      %get3A_973 = arith.constant 16 : index
      %get3A_974 = tpu.vector_load %arg13[%get3A_972, %get3A_973] {strides = array<i32>} : memref<2560x32xf32, #tpu.memory_space<vmem>>, vector<16xf32>,
      %mul3A_975 = arith.mulf %get3A_974, %get3A_613 : vector<16xf32>
      %add3A_976 = arith.addf %mul3A_971, %mul3A_975 : vector<16xf32>
      %swap3A_977 = arith.constant 32 : index
      %swap3A_978 = tpu.vector_load %arg14[%swap3A_977] {strides = array<i32>} : memref<256xf32, #tpu.memory_space<vmem>>, vector<16xf32>,
      tpu.vector_store %arg14[%swap3A_977], %add3A_976 {strides = array<i32>} : memref<256xf32, #tpu.memory_space<vmem>>, vector<16xf32>,
      %mul3A_979 = arith.constant 80 : i32
      %mul3A_980 = arith.muli %scan3A_600, %mul3A_979 : i32
      %add3A_981 = arith.constant 19 : i32
      %add3A_982 = arith.addi %mul3A_980, %add3A_981 : i32
      %get3A_983 = arith.index_cast %add3A_982 : i32 to index
      %get3A_984 = arith.constant 0 : index
      %get3A_985 = tpu.vector_load %arg13[%get3A_983, %get3A_984] {strides = array<i32>} : memref<2560x32xf32, #tpu.memory_space<vmem>>, vector<16xf32>,
      %mul3A_986 = arith.mulf %get3A_985, %get3A_606 : vector<16xf32>
      %get3A_987 = arith.index_cast %add3A_982 : i32 to index
      %get3A_988 = arith.constant 16 : index
      %get3A_989 = tpu.vector_load %arg13[%get3A_987, %get3A_988] {strides = array<i32>} : memref<2560x32xf32, #tpu.memory_space<vmem>>, vector<16xf32>,
      %mul3A_990 = arith.mulf %get3A_989, %get3A_613 : vector<16xf32>
      %add3A_991 = arith.addf %mul3A_986, %mul3A_990 : vector<16xf32>
      %swap3A_992 = arith.constant 48 : index
      %swap3A_993 = tpu.vector_load %arg14[%swap3A_992] {strides = array<i32>} : memref<256xf32, #tpu.memory_space<vmem>>, vector<16xf32>,
      tpu.vector_store %arg14[%swap3A_992], %add3A_991 {strides = array<i32>} : memref<256xf32, #tpu.memory_space<vmem>>, vector<16xf32>,
      %mul3A_994 = arith.constant 80 : i32
      %mul3A_995 = arith.muli %scan3A_600, %mul3A_994 : i32
      %add3A_996 = arith.constant 20 : i32
      %add3A_997 = arith.addi %mul3A_995, %add3A_996 : i32
      %get3A_998 = arith.index_cast %add3A_997 : i32 to index
      %get3A_999 = arith.constant 0 : index
      %get3A_1000 = tpu.vector_load %arg13[%get3A_998, %get3A_999] {strides = array<i32>} : memref<2560x32xf32, #tpu.memory_space<vmem>>, vector<16xf32>,
      %mul3A_1001 = arith.mulf %get3A_1000, %get3A_620 : vector<16xf32>
      %get3A_1002 = arith.index_cast %add3A_997 : i32 to index
      %get3A_1003 = arith.constant 16 : index
      %get3A_1004 = tpu.vector_load %arg13[%get3A_1002, %get3A_1003] {strides = array<i32>} : memref<2560x32xf32, #tpu.memory_space<vmem>>, vector<16xf32>,
      %mul3A_1005 = arith.mulf %get3A_1004, %get3A_627 : vector<16xf32>
      %add3A_1006 = arith.addf %mul3A_1001, %mul3A_1005 : vector<16xf32>
      %swap3A_1007 = arith.constant 64 : index
      %swap3A_1008 = tpu.vector_load %arg14[%swap3A_1007] {strides = array<i32>} : memref<256xf32, #tpu.memory_space<vmem>>, vector<16xf32>,
      tpu.vector_store %arg14[%swap3A_1007], %add3A_1006 {strides = array<i32>} : memref<256xf32, #tpu.memory_space<vmem>>, vector<16xf32>,
      %mul3A_1009 = arith.constant 80 : i32
      %mul3A_1010 = arith.muli %scan3A_600, %mul3A_1009 : i32
      %add3A_1011 = arith.constant 21 : i32
      %add3A_1012 = arith.addi %mul3A_1010, %add3A_1011 : i32
      %get3A_1013 = arith.index_cast %add3A_1012 : i32 to index
      %get3A_1014 = arith.constant 0 : index
      %get3A_1015 = tpu.vector_load %arg13[%get3A_1013, %get3A_1014] {strides = array<i32>} : memref<2560x32xf32, #tpu.memory_space<vmem>>, vector<16xf32>,
      %mul3A_1016 = arith.mulf %get3A_1015, %get3A_620 : vector<16xf32>
      %get3A_1017 = arith.index_cast %add3A_1012 : i32 to index
      %get3A_1018 = arith.constant 16 : index
      %get3A_1019 = tpu.vector_load %arg13[%get3A_1017, %get3A_1018] {strides = array<i32>} : memref<2560x32xf32, #tpu.memory_space<vmem>>, vector<16xf32>,
      %mul3A_1020 = arith.mulf %get3A_1019, %get3A_627 : vector<16xf32>
      %add3A_1021 = arith.addf %mul3A_1016, %mul3A_1020 : vector<16xf32>
      %swap3A_1022 = arith.constant 80 : index
      %swap3A_1023 = tpu.vector_load %arg14[%swap3A_1022] {strides = array<i32>} : memref<256xf32, #tpu.memory_space<vmem>>, vector<16xf32>,
      tpu.vector_store %arg14[%swap3A_1022], %add3A_1021 {strides = array<i32>} : memref<256xf32, #tpu.memory_space<vmem>>, vector<16xf32>,
      %mul3A_1024 = arith.constant 80 : i32
      %mul3A_1025 = arith.muli %scan3A_600, %mul3A_1024 : i32
      %add3A_1026 = arith.constant 22 : i32
      %add3A_1027 = arith.addi %mul3A_1025, %add3A_1026 : i32
      %get3A_1028 = arith.index_cast %add3A_1027 : i32 to index
      %get3A_1029 = arith.constant 0 : index
      %get3A_1030 = tpu.vector_load %arg13[%get3A_1028, %get3A_1029] {strides = array<i32>} : memref<2560x32xf32, #tpu.memory_space<vmem>>, vector<16xf32>,
      %mul3A_1031 = arith.mulf %get3A_1030, %get3A_620 : vector<16xf32>
      %get3A_1032 = arith.index_cast %add3A_1027 : i32 to index
      %get3A_1033 = arith.constant 16 : index
      %get3A_1034 = tpu.vector_load %arg13[%get3A_1032, %get3A_1033] {strides = array<i32>} : memref<2560x32xf32, #tpu.memory_space<vmem>>, vector<16xf32>,
      %mul3A_1035 = arith.mulf %get3A_1034, %get3A_627 : vector<16xf32>
      %add3A_1036 = arith.addf %mul3A_1031, %mul3A_1035 : vector<16xf32>
      %swap3A_1037 = arith.constant 96 : index
      %swap3A_1038 = tpu.vector_load %arg14[%swap3A_1037] {strides = array<i32>} : memref<256xf32, #tpu.memory_space<vmem>>, vector<16xf32>,
      tpu.vector_store %arg14[%swap3A_1037], %add3A_1036 {strides = array<i32>} : memref<256xf32, #tpu.memory_space<vmem>>, vector<16xf32>,
      %mul3A_1039 = arith.constant 80 : i32
      %mul3A_1040 = arith.muli %scan3A_600, %mul3A_1039 : i32
      %add3A_1041 = arith.constant 23 : i32
      %add3A_1042 = arith.addi %mul3A_1040, %add3A_1041 : i32
      %get3A_1043 = arith.index_cast %add3A_1042 : i32 to index
      %get3A_1044 = arith.constant 0 : index
      %get3A_1045 = tpu.vector_load %arg13[%get3A_1043, %get3A_1044] {strides = array<i32>} : memref<2560x32xf32, #tpu.memory_space<vmem>>, vector<16xf32>,
      %mul3A_1046 = arith.mulf %get3A_1045, %get3A_620 : vector<16xf32>
      %get3A_1047 = arith.index_cast %add3A_1042 : i32 to index
      %get3A_1048 = arith.constant 16 : index
      %get3A_1049 = tpu.vector_load %arg13[%get3A_1047, %get3A_1048] {strides = array<i32>} : memref<2560x32xf32, #tpu.memory_space<vmem>>, vector<16xf32>,
      %mul3A_1050 = arith.mulf %get3A_1049, %get3A_627 : vector<16xf32>
      %add3A_1051 = arith.addf %mul3A_1046, %mul3A_1050 : vector<16xf32>
      %swap3A_1052 = arith.constant 112 : index
      %swap3A_1053 = tpu.vector_load %arg14[%swap3A_1052] {strides = array<i32>} : memref<256xf32, #tpu.memory_space<vmem>>, vector<16xf32>,
      tpu.vector_store %arg14[%swap3A_1052], %add3A_1051 {strides = array<i32>} : memref<256xf32, #tpu.memory_space<vmem>>, vector<16xf32>,
      %mul3A_1054 = arith.constant 80 : i32
      %mul3A_1055 = arith.muli %scan3A_600, %mul3A_1054 : i32
      %add3A_1056 = arith.constant 24 : i32
      %add3A_1057 = arith.addi %mul3A_1055, %add3A_1056 : i32
      %get3A_1058 = arith.index_cast %add3A_1057 : i32 to index
      %get3A_1059 = arith.constant 0 : index
      %get3A_1060 = tpu.vector_load %arg13[%get3A_1058, %get3A_1059] {strides = array<i32>} : memref<2560x32xf32, #tpu.memory_space<vmem>>, vector<16xf32>,
      %mul3A_1061 = arith.mulf %get3A_1060, %get3A_620 : vector<16xf32>
      %get3A_1062 = arith.index_cast %add3A_1057 : i32 to index
      %get3A_1063 = arith.constant 16 : index
      %get3A_1064 = tpu.vector_load %arg13[%get3A_1062, %get3A_1063] {strides = array<i32>} : memref<2560x32xf32, #tpu.memory_space<vmem>>, vector<16xf32>,
      %mul3A_1065 = arith.mulf %get3A_1064, %get3A_627 : vector<16xf32>
      %add3A_1066 = arith.addf %mul3A_1061, %mul3A_1065 : vector<16xf32>
      %swap3A_1067 = arith.constant 128 : index
      %swap3A_1068 = tpu.vector_load %arg14[%swap3A_1067] {strides = array<i32>} : memref<256xf32, #tpu.memory_space<vmem>>, vector<16xf32>,
      tpu.vector_store %arg14[%swap3A_1067], %add3A_1066 {strides = array<i32>} : memref<256xf32, #tpu.memory_space<vmem>>, vector<16xf32>,
      %mul3A_1069 = arith.constant 80 : i32
      %mul3A_1070 = arith.muli %scan3A_600, %mul3A_1069 : i32
      %add3A_1071 = arith.constant 25 : i32
      %add3A_1072 = arith.addi %mul3A_1070, %add3A_1071 : i32
      %get3A_1073 = arith.index_cast %add3A_1072 : i32 to index
      %get3A_1074 = arith.constant 0 : index
      %get3A_1075 = tpu.vector_load %arg13[%get3A_1073, %get3A_1074] {strides = array<i32>} : memref<2560x32xf32, #tpu.memory_space<vmem>>, vector<16xf32>,
      %mul3A_1076 = arith.mulf %get3A_1075, %get3A_620 : vector<16xf32>
      %get3A_1077 = arith.index_cast %add3A_1072 : i32 to index
      %get3A_1078 = arith.constant 16 : index
      %get3A_1079 = tpu.vector_load %arg13[%get3A_1077, %get3A_1078] {strides = array<i32>} : memref<2560x32xf32, #tpu.memory_space<vmem>>, vector<16xf32>,
      %mul3A_1080 = arith.mulf %get3A_1079, %get3A_627 : vector<16xf32>
      %add3A_1081 = arith.addf %mul3A_1076, %mul3A_1080 : vector<16xf32>
      %swap3A_1082 = arith.constant 144 : index
      %swap3A_1083 = tpu.vector_load %arg14[%swap3A_1082] {strides = array<i32>} : memref<256xf32, #tpu.memory_space<vmem>>, vector<16xf32>,
      tpu.vector_store %arg14[%swap3A_1082], %add3A_1081 {strides = array<i32>} : memref<256xf32, #tpu.memory_space<vmem>>, vector<16xf32>,
      %mul3A_1084 = arith.constant 80 : i32
      %mul3A_1085 = arith.muli %scan3A_600, %mul3A_1084 : i32
      %add3A_1086 = arith.constant 26 : i32
      %add3A_1087 = arith.addi %mul3A_1085, %add3A_1086 : i32
      %get3A_1088 = arith.index_cast %add3A_1087 : i32 to index
      %get3A_1089 = arith.constant 0 : index
      %get3A_1090 = tpu.vector_load %arg13[%get3A_1088, %get3A_1089] {strides = array<i32>} : memref<2560x32xf32, #tpu.memory_space<vmem>>, vector<16xf32>,
      %mul3A_1091 = arith.mulf %get3A_1090, %get3A_620 : vector<16xf32>
      %get3A_1092 = arith.index_cast %add3A_1087 : i32 to index
      %get3A_1093 = arith.constant 16 : index
      %get3A_1094 = tpu.vector_load %arg13[%get3A_1092, %get3A_1093] {strides = array<i32>} : memref<2560x32xf32, #tpu.memory_space<vmem>>, vector<16xf32>,
      %mul3A_1095 = arith.mulf %get3A_1094, %get3A_627 : vector<16xf32>
      %add3A_1096 = arith.addf %mul3A_1091, %mul3A_1095 : vector<16xf32>
      %swap3A_1097 = arith.constant 160 : index
      %swap3A_1098 = tpu.vector_load %arg14[%swap3A_1097] {strides = array<i32>} : memref<256xf32, #tpu.memory_space<vmem>>, vector<16xf32>,
      tpu.vector_store %arg14[%swap3A_1097], %add3A_1096 {strides = array<i32>} : memref<256xf32, #tpu.memory_space<vmem>>, vector<16xf32>,
      %mul3A_1099 = arith.constant 80 : i32
      %mul3A_1100 = arith.muli %scan3A_600, %mul3A_1099 : i32
      %add3A_1101 = arith.constant 27 : i32
      %add3A_1102 = arith.addi %mul3A_1100, %add3A_1101 : i32
      %get3A_1103 = arith.index_cast %add3A_1102 : i32 to index
      %get3A_1104 = arith.constant 0 : index
      %get3A_1105 = tpu.vector_load %arg13[%get3A_1103, %get3A_1104] {strides = array<i32>} : memref<2560x32xf32, #tpu.memory_space<vmem>>, vector<16xf32>,
      %mul3A_1106 = arith.mulf %get3A_1105, %get3A_620 : vector<16xf32>
      %get3A_1107 = arith.index_cast %add3A_1102 : i32 to index
      %get3A_1108 = arith.constant 16 : index
      %get3A_1109 = tpu.vector_load %arg13[%get3A_1107, %get3A_1108] {strides = array<i32>} : memref<2560x32xf32, #tpu.memory_space<vmem>>, vector<16xf32>,
      %mul3A_1110 = arith.mulf %get3A_1109, %get3A_627 : vector<16xf32>
      %add3A_1111 = arith.addf %mul3A_1106, %mul3A_1110 : vector<16xf32>
      %swap3A_1112 = arith.constant 176 : index
      %swap3A_1113 = tpu.vector_load %arg14[%swap3A_1112] {strides = array<i32>} : memref<256xf32, #tpu.memory_space<vmem>>, vector<16xf32>,
      tpu.vector_store %arg14[%swap3A_1112], %add3A_1111 {strides = array<i32>} : memref<256xf32, #tpu.memory_space<vmem>>, vector<16xf32>,
      %mul3A_1114 = arith.constant 80 : i32
      %mul3A_1115 = arith.muli %scan3A_600, %mul3A_1114 : i32
      %add3A_1116 = arith.constant 28 : i32
      %add3A_1117 = arith.addi %mul3A_1115, %add3A_1116 : i32
      %get3A_1118 = arith.index_cast %add3A_1117 : i32 to index
      %get3A_1119 = arith.constant 0 : index
      %get3A_1120 = tpu.vector_load %arg13[%get3A_1118, %get3A_1119] {strides = array<i32>} : memref<2560x32xf32, #tpu.memory_space<vmem>>, vector<16xf32>,
      %mul3A_1121 = arith.mulf %get3A_1120, %get3A_620 : vector<16xf32>
      %get3A_1122 = arith.index_cast %add3A_1117 : i32 to index
      %get3A_1123 = arith.constant 16 : index
      %get3A_1124 = tpu.vector_load %arg13[%get3A_1122, %get3A_1123] {strides = array<i32>} : memref<2560x32xf32, #tpu.memory_space<vmem>>, vector<16xf32>,
      %mul3A_1125 = arith.mulf %get3A_1124, %get3A_627 : vector<16xf32>
      %add3A_1126 = arith.addf %mul3A_1121, %mul3A_1125 : vector<16xf32>
      %swap3A_1127 = arith.constant 192 : index
      %swap3A_1128 = tpu.vector_load %arg14[%swap3A_1127] {strides = array<i32>} : memref<256xf32, #tpu.memory_space<vmem>>, vector<16xf32>,
      tpu.vector_store %arg14[%swap3A_1127], %add3A_1126 {strides = array<i32>} : memref<256xf32, #tpu.memory_space<vmem>>, vector<16xf32>,
      %mul3A_1129 = arith.constant 80 : i32
      %mul3A_1130 = arith.muli %scan3A_600, %mul3A_1129 : i32
      %add3A_1131 = arith.constant 29 : i32
      %add3A_1132 = arith.addi %mul3A_1130, %add3A_1131 : i32
      %get3A_1133 = arith.index_cast %add3A_1132 : i32 to index
      %get3A_1134 = arith.constant 0 : index
      %get3A_1135 = tpu.vector_load %arg13[%get3A_1133, %get3A_1134] {strides = array<i32>} : memref<2560x32xf32, #tpu.memory_space<vmem>>, vector<16xf32>,
      %mul3A_1136 = arith.mulf %get3A_1135, %get3A_620 : vector<16xf32>
      %get3A_1137 = arith.index_cast %add3A_1132 : i32 to index
      %get3A_1138 = arith.constant 16 : index
      %get3A_1139 = tpu.vector_load %arg13[%get3A_1137, %get3A_1138] {strides = array<i32>} : memref<2560x32xf32, #tpu.memory_space<vmem>>, vector<16xf32>,
      %mul3A_1140 = arith.mulf %get3A_1139, %get3A_627 : vector<16xf32>
      %add3A_1141 = arith.addf %mul3A_1136, %mul3A_1140 : vector<16xf32>
      %swap3A_1142 = arith.constant 208 : index
      %swap3A_1143 = tpu.vector_load %arg14[%swap3A_1142] {strides = array<i32>} : memref<256xf32, #tpu.memory_space<vmem>>, vector<16xf32>,
      tpu.vector_store %arg14[%swap3A_1142], %add3A_1141 {strides = array<i32>} : memref<256xf32, #tpu.memory_space<vmem>>, vector<16xf32>,
      %mul3A_1144 = arith.constant 80 : i32
      %mul3A_1145 = arith.muli %scan3A_600, %mul3A_1144 : i32
      %add3A_1146 = arith.constant 30 : i32
      %add3A_1147 = arith.addi %mul3A_1145, %add3A_1146 : i32
      %get3A_1148 = arith.index_cast %add3A_1147 : i32 to index
      %get3A_1149 = arith.constant 0 : index
      %get3A_1150 = tpu.vector_load %arg13[%get3A_1148, %get3A_1149] {strides = array<i32>} : memref<2560x32xf32, #tpu.memory_space<vmem>>, vector<16xf32>,
      %mul3A_1151 = arith.mulf %get3A_1150, %get3A_620 : vector<16xf32>
      %get3A_1152 = arith.index_cast %add3A_1147 : i32 to index
      %get3A_1153 = arith.constant 16 : index
      %get3A_1154 = tpu.vector_load %arg13[%get3A_1152, %get3A_1153] {strides = array<i32>} : memref<2560x32xf32, #tpu.memory_space<vmem>>, vector<16xf32>,
      %mul3A_1155 = arith.mulf %get3A_1154, %get3A_627 : vector<16xf32>
      %add3A_1156 = arith.addf %mul3A_1151, %mul3A_1155 : vector<16xf32>
      %swap3A_1157 = arith.constant 224 : index
      %swap3A_1158 = tpu.vector_load %arg14[%swap3A_1157] {strides = array<i32>} : memref<256xf32, #tpu.memory_space<vmem>>, vector<16xf32>,
      tpu.vector_store %arg14[%swap3A_1157], %add3A_1156 {strides = array<i32>} : memref<256xf32, #tpu.memory_space<vmem>>, vector<16xf32>,
      %mul3A_1159 = arith.constant 80 : i32
      %mul3A_1160 = arith.muli %scan3A_600, %mul3A_1159 : i32
      %add3A_1161 = arith.constant 31 : i32
      %add3A_1162 = arith.addi %mul3A_1160, %add3A_1161 : i32
      %get3A_1163 = arith.index_cast %add3A_1162 : i32 to index
      %get3A_1164 = arith.constant 0 : index
      %get3A_1165 = tpu.vector_load %arg13[%get3A_1163, %get3A_1164] {strides = array<i32>} : memref<2560x32xf32, #tpu.memory_space<vmem>>, vector<16xf32>,
      %mul3A_1166 = arith.mulf %get3A_1165, %get3A_620 : vector<16xf32>
      %get3A_1167 = arith.index_cast %add3A_1162 : i32 to index
      %get3A_1168 = arith.constant 16 : index
      %get3A_1169 = tpu.vector_load %arg13[%get3A_1167, %get3A_1168] {strides = array<i32>} : memref<2560x32xf32, #tpu.memory_space<vmem>>, vector<16xf32>,
      %mul3A_1170 = arith.mulf %get3A_1169, %get3A_627 : vector<16xf32>
      %add3A_1171 = arith.addf %mul3A_1166, %mul3A_1170 : vector<16xf32>
      %swap3A_1172 = arith.constant 240 : index
      %swap3A_1173 = tpu.vector_load %arg14[%swap3A_1172] {strides = array<i32>} : memref<256xf32, #tpu.memory_space<vmem>>, vector<16xf32>,
      tpu.vector_store %arg14[%swap3A_1172], %add3A_1171 {strides = array<i32>} : memref<256xf32, #tpu.memory_space<vmem>>, vector<16xf32>,
      %broadcast_in_dim3A_1174 = arith.constant 0.000000e+00 : f32
      %broadcast_in_dim3A_1175 = vector.broadcast %broadcast_in_dim3A_1174 : f32 to vector<16xf32>
      %gather3A_1176 = tpu.vector_load_idx %arg14[%add3A_498] : memref<256xf32, #tpu.memory_space<vmem>>[vector<16xi32>], vector<16xf32>,
      %sub3A_1177 = arith.subf %broadcast_in_dim3A_1175, %gather3A_1176 : vector<16xf32>
      %gather3A_1178 = tpu.vector_load_idx %arg14[%add3A_504] : memref<256xf32, #tpu.memory_space<vmem>>[vector<16xi32>], vector<16xf32>,
      %sub3A_1179 = arith.subf %sub3A_1177, %gather3A_1178 : vector<16xf32>
      %gather3A_1180 = tpu.vector_load_idx %arg14[%add3A_510] : memref<256xf32, #tpu.memory_space<vmem>>[vector<16xi32>], vector<16xf32>,
      %sub3A_1181 = arith.subf %sub3A_1179, %gather3A_1180 : vector<16xf32>
      %gather3A_1182 = tpu.vector_load_idx %arg14[%add3A_516] : memref<256xf32, #tpu.memory_space<vmem>>[vector<16xi32>], vector<16xf32>,
      %sub3A_1183 = arith.subf %sub3A_1181, %gather3A_1182 : vector<16xf32>
      %gather3A_1184 = tpu.vector_load_idx %arg14[%add3A_522] : memref<256xf32, #tpu.memory_space<vmem>>[vector<16xi32>], vector<16xf32>,
      %sub3A_1185 = arith.subf %sub3A_1183, %gather3A_1184 : vector<16xf32>
      %gather3A_1186 = tpu.vector_load_idx %arg14[%add3A_528] : memref<256xf32, #tpu.memory_space<vmem>>[vector<16xi32>], vector<16xf32>,
      %sub3A_1187 = arith.subf %sub3A_1185, %gather3A_1186 : vector<16xf32>
      %gather3A_1188 = tpu.vector_load_idx %arg14[%add3A_534] : memref<256xf32, #tpu.memory_space<vmem>>[vector<16xi32>], vector<16xf32>,
      %sub3A_1189 = arith.subf %sub3A_1187, %gather3A_1188 : vector<16xf32>
      %gather3A_1190 = tpu.vector_load_idx %arg14[%add3A_540] : memref<256xf32, #tpu.memory_space<vmem>>[vector<16xi32>], vector<16xf32>,
      %sub3A_1191 = arith.subf %sub3A_1189, %gather3A_1190 : vector<16xf32>
      %gather3A_1192 = tpu.vector_load_idx %arg14[%add3A_546] : memref<256xf32, #tpu.memory_space<vmem>>[vector<16xi32>], vector<16xf32>,
      %sub3A_1193 = arith.subf %sub3A_1191, %gather3A_1192 : vector<16xf32>
      %gather3A_1194 = tpu.vector_load_idx %arg14[%add3A_552] : memref<256xf32, #tpu.memory_space<vmem>>[vector<16xi32>], vector<16xf32>,
      %sub3A_1195 = arith.subf %sub3A_1193, %gather3A_1194 : vector<16xf32>
      %gather3A_1196 = tpu.vector_load_idx %arg14[%add3A_558] : memref<256xf32, #tpu.memory_space<vmem>>[vector<16xi32>], vector<16xf32>,
      %sub3A_1197 = arith.subf %sub3A_1195, %gather3A_1196 : vector<16xf32>
      %gather3A_1198 = tpu.vector_load_idx %arg14[%add3A_564] : memref<256xf32, #tpu.memory_space<vmem>>[vector<16xi32>], vector<16xf32>,
      %sub3A_1199 = arith.subf %sub3A_1197, %gather3A_1198 : vector<16xf32>
      %gather3A_1200 = tpu.vector_load_idx %arg14[%add3A_570] : memref<256xf32, #tpu.memory_space<vmem>>[vector<16xi32>], vector<16xf32>,
      %sub3A_1201 = arith.subf %sub3A_1199, %gather3A_1200 : vector<16xf32>
      %gather3A_1202 = tpu.vector_load_idx %arg14[%add3A_576] : memref<256xf32, #tpu.memory_space<vmem>>[vector<16xi32>], vector<16xf32>,
      %sub3A_1203 = arith.subf %sub3A_1201, %gather3A_1202 : vector<16xf32>
      %gather3A_1204 = tpu.vector_load_idx %arg14[%add3A_582] : memref<256xf32, #tpu.memory_space<vmem>>[vector<16xi32>], vector<16xf32>,
      %sub3A_1205 = arith.subf %sub3A_1203, %gather3A_1204 : vector<16xf32>
      %gather3A_1206 = tpu.vector_load_idx %arg14[%add3A_588] : memref<256xf32, #tpu.memory_space<vmem>>[vector<16xi32>], vector<16xf32>,
      %sub3A_1207 = arith.subf %sub3A_1205, %gather3A_1206 : vector<16xf32>
      %mul3A_1208 = arith.constant 80 : i32
      %mul3A_1209 = arith.muli %scan3A_600, %mul3A_1208 : i32
      %add3A_1210 = arith.constant 512 : i32
      %add3A_1211 = arith.addi %add3A_1210, %mul3A_1209 : i32
      %add3A_1212 = arith.constant 16 : i32
      %add3A_1213 = arith.addi %add3A_1211, %add3A_1212 : i32
      %swap3A_1214 = arith.index_cast %add3A_1213 : i32 to index
      %swap3A_1215 = tpu.vector_load %arg15[%swap3A_1214] {strides = array<i32>} : memref<3072xf32, #tpu.memory_space<vmem>>, vector<16xf32>,
      tpu.vector_store %arg15[%swap3A_1214], %sub3A_1207 {strides = array<i32>} : memref<3072xf32, #tpu.memory_space<vmem>>, vector<16xf32>,
      %mul3A_1216 = arith.constant 80 : i32
      %mul3A_1217 = arith.muli %scan3A_600, %mul3A_1216 : i32
      %add3A_1218 = arith.constant 32 : i32
      %add3A_1219 = arith.addi %mul3A_1217, %add3A_1218 : i32
      %get3A_1220 = arith.index_cast %add3A_1219 : i32 to index
      %get3A_1221 = arith.constant 0 : index
      %get3A_1222 = tpu.vector_load %arg13[%get3A_1220, %get3A_1221] {strides = array<i32>} : memref<2560x32xf32, #tpu.memory_space<vmem>>, vector<16xf32>,
      %mul3A_1223 = arith.mulf %get3A_1222, %get3A_620 : vector<16xf32>
      %get3A_1224 = arith.index_cast %add3A_1219 : i32 to index
      %get3A_1225 = arith.constant 16 : index
      %get3A_1226 = tpu.vector_load %arg13[%get3A_1224, %get3A_1225] {strides = array<i32>} : memref<2560x32xf32, #tpu.memory_space<vmem>>, vector<16xf32>,
      %mul3A_1227 = arith.mulf %get3A_1226, %get3A_627 : vector<16xf32>
      %add3A_1228 = arith.addf %mul3A_1223, %mul3A_1227 : vector<16xf32>
      %swap3A_1229 = arith.constant 0 : index
      %swap3A_1230 = tpu.vector_load %arg14[%swap3A_1229] {strides = array<i32>} : memref<256xf32, #tpu.memory_space<vmem>>, vector<16xf32>,
      tpu.vector_store %arg14[%swap3A_1229], %add3A_1228 {strides = array<i32>} : memref<256xf32, #tpu.memory_space<vmem>>, vector<16xf32>,
      %mul3A_1231 = arith.constant 80 : i32
      %mul3A_1232 = arith.muli %scan3A_600, %mul3A_1231 : i32
      %add3A_1233 = arith.constant 33 : i32
      %add3A_1234 = arith.addi %mul3A_1232, %add3A_1233 : i32
      %get3A_1235 = arith.index_cast %add3A_1234 : i32 to index
      %get3A_1236 = arith.constant 0 : index
      %get3A_1237 = tpu.vector_load %arg13[%get3A_1235, %get3A_1236] {strides = array<i32>} : memref<2560x32xf32, #tpu.memory_space<vmem>>, vector<16xf32>,
      %mul3A_1238 = arith.mulf %get3A_1237, %get3A_620 : vector<16xf32>
      %get3A_1239 = arith.index_cast %add3A_1234 : i32 to index
      %get3A_1240 = arith.constant 16 : index
      %get3A_1241 = tpu.vector_load %arg13[%get3A_1239, %get3A_1240] {strides = array<i32>} : memref<2560x32xf32, #tpu.memory_space<vmem>>, vector<16xf32>,
      %mul3A_1242 = arith.mulf %get3A_1241, %get3A_627 : vector<16xf32>
      %add3A_1243 = arith.addf %mul3A_1238, %mul3A_1242 : vector<16xf32>
      %swap3A_1244 = arith.constant 16 : index
      %swap3A_1245 = tpu.vector_load %arg14[%swap3A_1244] {strides = array<i32>} : memref<256xf32, #tpu.memory_space<vmem>>, vector<16xf32>,
      tpu.vector_store %arg14[%swap3A_1244], %add3A_1243 {strides = array<i32>} : memref<256xf32, #tpu.memory_space<vmem>>, vector<16xf32>,
      %mul3A_1246 = arith.constant 80 : i32
      %mul3A_1247 = arith.muli %scan3A_600, %mul3A_1246 : i32
      %add3A_1248 = arith.constant 34 : i32
      %add3A_1249 = arith.addi %mul3A_1247, %add3A_1248 : i32
      %get3A_1250 = arith.index_cast %add3A_1249 : i32 to index
      %get3A_1251 = arith.constant 0 : index
      %get3A_1252 = tpu.vector_load %arg13[%get3A_1250, %get3A_1251] {strides = array<i32>} : memref<2560x32xf32, #tpu.memory_space<vmem>>, vector<16xf32>,
      %mul3A_1253 = arith.mulf %get3A_1252, %get3A_620 : vector<16xf32>
      %get3A_1254 = arith.index_cast %add3A_1249 : i32 to index
      %get3A_1255 = arith.constant 16 : index
      %get3A_1256 = tpu.vector_load %arg13[%get3A_1254, %get3A_1255] {strides = array<i32>} : memref<2560x32xf32, #tpu.memory_space<vmem>>, vector<16xf32>,
      %mul3A_1257 = arith.mulf %get3A_1256, %get3A_627 : vector<16xf32>
      %add3A_1258 = arith.addf %mul3A_1253, %mul3A_1257 : vector<16xf32>
      %swap3A_1259 = arith.constant 32 : index
      %swap3A_1260 = tpu.vector_load %arg14[%swap3A_1259] {strides = array<i32>} : memref<256xf32, #tpu.memory_space<vmem>>, vector<16xf32>,
      tpu.vector_store %arg14[%swap3A_1259], %add3A_1258 {strides = array<i32>} : memref<256xf32, #tpu.memory_space<vmem>>, vector<16xf32>,
      %mul3A_1261 = arith.constant 80 : i32
      %mul3A_1262 = arith.muli %scan3A_600, %mul3A_1261 : i32
      %add3A_1263 = arith.constant 35 : i32
      %add3A_1264 = arith.addi %mul3A_1262, %add3A_1263 : i32
      %get3A_1265 = arith.index_cast %add3A_1264 : i32 to index
      %get3A_1266 = arith.constant 0 : index
      %get3A_1267 = tpu.vector_load %arg13[%get3A_1265, %get3A_1266] {strides = array<i32>} : memref<2560x32xf32, #tpu.memory_space<vmem>>, vector<16xf32>,
      %mul3A_1268 = arith.mulf %get3A_1267, %get3A_620 : vector<16xf32>
      %get3A_1269 = arith.index_cast %add3A_1264 : i32 to index
      %get3A_1270 = arith.constant 16 : index
      %get3A_1271 = tpu.vector_load %arg13[%get3A_1269, %get3A_1270] {strides = array<i32>} : memref<2560x32xf32, #tpu.memory_space<vmem>>, vector<16xf32>,
      %mul3A_1272 = arith.mulf %get3A_1271, %get3A_627 : vector<16xf32>
      %add3A_1273 = arith.addf %mul3A_1268, %mul3A_1272 : vector<16xf32>
      %swap3A_1274 = arith.constant 48 : index
      %swap3A_1275 = tpu.vector_load %arg14[%swap3A_1274] {strides = array<i32>} : memref<256xf32, #tpu.memory_space<vmem>>, vector<16xf32>,
      tpu.vector_store %arg14[%swap3A_1274], %add3A_1273 {strides = array<i32>} : memref<256xf32, #tpu.memory_space<vmem>>, vector<16xf32>,
      %mul3A_1276 = arith.constant 80 : i32
      %mul3A_1277 = arith.muli %scan3A_600, %mul3A_1276 : i32
      %add3A_1278 = arith.constant 36 : i32
      %add3A_1279 = arith.addi %mul3A_1277, %add3A_1278 : i32
      %get3A_1280 = arith.index_cast %add3A_1279 : i32 to index
      %get3A_1281 = arith.constant 0 : index
      %get3A_1282 = tpu.vector_load %arg13[%get3A_1280, %get3A_1281] {strides = array<i32>} : memref<2560x32xf32, #tpu.memory_space<vmem>>, vector<16xf32>,
      %mul3A_1283 = arith.mulf %get3A_1282, %get3A_620 : vector<16xf32>
      %get3A_1284 = arith.index_cast %add3A_1279 : i32 to index
      %get3A_1285 = arith.constant 16 : index
      %get3A_1286 = tpu.vector_load %arg13[%get3A_1284, %get3A_1285] {strides = array<i32>} : memref<2560x32xf32, #tpu.memory_space<vmem>>, vector<16xf32>,
      %mul3A_1287 = arith.mulf %get3A_1286, %get3A_627 : vector<16xf32>
      %add3A_1288 = arith.addf %mul3A_1283, %mul3A_1287 : vector<16xf32>
      %swap3A_1289 = arith.constant 64 : index
      %swap3A_1290 = tpu.vector_load %arg14[%swap3A_1289] {strides = array<i32>} : memref<256xf32, #tpu.memory_space<vmem>>, vector<16xf32>,
      tpu.vector_store %arg14[%swap3A_1289], %add3A_1288 {strides = array<i32>} : memref<256xf32, #tpu.memory_space<vmem>>, vector<16xf32>,
      %mul3A_1291 = arith.constant 80 : i32
      %mul3A_1292 = arith.muli %scan3A_600, %mul3A_1291 : i32
      %add3A_1293 = arith.constant 37 : i32
      %add3A_1294 = arith.addi %mul3A_1292, %add3A_1293 : i32
      %get3A_1295 = arith.index_cast %add3A_1294 : i32 to index
      %get3A_1296 = arith.constant 0 : index
      %get3A_1297 = tpu.vector_load %arg13[%get3A_1295, %get3A_1296] {strides = array<i32>} : memref<2560x32xf32, #tpu.memory_space<vmem>>, vector<16xf32>,
      %mul3A_1298 = arith.mulf %get3A_1297, %get3A_620 : vector<16xf32>
      %get3A_1299 = arith.index_cast %add3A_1294 : i32 to index
      %get3A_1300 = arith.constant 16 : index
      %get3A_1301 = tpu.vector_load %arg13[%get3A_1299, %get3A_1300] {strides = array<i32>} : memref<2560x32xf32, #tpu.memory_space<vmem>>, vector<16xf32>,
      %mul3A_1302 = arith.mulf %get3A_1301, %get3A_627 : vector<16xf32>
      %add3A_1303 = arith.addf %mul3A_1298, %mul3A_1302 : vector<16xf32>
      %swap3A_1304 = arith.constant 80 : index
      %swap3A_1305 = tpu.vector_load %arg14[%swap3A_1304] {strides = array<i32>} : memref<256xf32, #tpu.memory_space<vmem>>, vector<16xf32>,
      tpu.vector_store %arg14[%swap3A_1304], %add3A_1303 {strides = array<i32>} : memref<256xf32, #tpu.memory_space<vmem>>, vector<16xf32>,
      %mul3A_1306 = arith.constant 80 : i32
      %mul3A_1307 = arith.muli %scan3A_600, %mul3A_1306 : i32
      %add3A_1308 = arith.constant 38 : i32
      %add3A_1309 = arith.addi %mul3A_1307, %add3A_1308 : i32
      %get3A_1310 = arith.index_cast %add3A_1309 : i32 to index
      %get3A_1311 = arith.constant 0 : index
      %get3A_1312 = tpu.vector_load %arg13[%get3A_1310, %get3A_1311] {strides = array<i32>} : memref<2560x32xf32, #tpu.memory_space<vmem>>, vector<16xf32>,
      %mul3A_1313 = arith.mulf %get3A_1312, %get3A_620 : vector<16xf32>
      %get3A_1314 = arith.index_cast %add3A_1309 : i32 to index
      %get3A_1315 = arith.constant 16 : index
      %get3A_1316 = tpu.vector_load %arg13[%get3A_1314, %get3A_1315] {strides = array<i32>} : memref<2560x32xf32, #tpu.memory_space<vmem>>, vector<16xf32>,
      %mul3A_1317 = arith.mulf %get3A_1316, %get3A_627 : vector<16xf32>
      %add3A_1318 = arith.addf %mul3A_1313, %mul3A_1317 : vector<16xf32>
      %swap3A_1319 = arith.constant 96 : index
      %swap3A_1320 = tpu.vector_load %arg14[%swap3A_1319] {strides = array<i32>} : memref<256xf32, #tpu.memory_space<vmem>>, vector<16xf32>,
      tpu.vector_store %arg14[%swap3A_1319], %add3A_1318 {strides = array<i32>} : memref<256xf32, #tpu.memory_space<vmem>>, vector<16xf32>,
      %mul3A_1321 = arith.constant 80 : i32
      %mul3A_1322 = arith.muli %scan3A_600, %mul3A_1321 : i32
      %add3A_1323 = arith.constant 39 : i32
      %add3A_1324 = arith.addi %mul3A_1322, %add3A_1323 : i32
      %get3A_1325 = arith.index_cast %add3A_1324 : i32 to index
      %get3A_1326 = arith.constant 0 : index
      %get3A_1327 = tpu.vector_load %arg13[%get3A_1325, %get3A_1326] {strides = array<i32>} : memref<2560x32xf32, #tpu.memory_space<vmem>>, vector<16xf32>,
      %mul3A_1328 = arith.mulf %get3A_1327, %get3A_620 : vector<16xf32>
      %get3A_1329 = arith.index_cast %add3A_1324 : i32 to index
      %get3A_1330 = arith.constant 16 : index
      %get3A_1331 = tpu.vector_load %arg13[%get3A_1329, %get3A_1330] {strides = array<i32>} : memref<2560x32xf32, #tpu.memory_space<vmem>>, vector<16xf32>,
      %mul3A_1332 = arith.mulf %get3A_1331, %get3A_627 : vector<16xf32>
      %add3A_1333 = arith.addf %mul3A_1328, %mul3A_1332 : vector<16xf32>
      %swap3A_1334 = arith.constant 112 : index
      %swap3A_1335 = tpu.vector_load %arg14[%swap3A_1334] {strides = array<i32>} : memref<256xf32, #tpu.memory_space<vmem>>, vector<16xf32>,
      tpu.vector_store %arg14[%swap3A_1334], %add3A_1333 {strides = array<i32>} : memref<256xf32, #tpu.memory_space<vmem>>, vector<16xf32>,
      %mul3A_1336 = arith.constant 80 : i32
      %mul3A_1337 = arith.muli %scan3A_600, %mul3A_1336 : i32
      %add3A_1338 = arith.constant 40 : i32
      %add3A_1339 = arith.addi %mul3A_1337, %add3A_1338 : i32
      %get3A_1340 = arith.index_cast %add3A_1339 : i32 to index
      %get3A_1341 = arith.constant 0 : index
      %get3A_1342 = tpu.vector_load %arg13[%get3A_1340, %get3A_1341] {strides = array<i32>} : memref<2560x32xf32, #tpu.memory_space<vmem>>, vector<16xf32>,
      %mul3A_1343 = arith.mulf %get3A_1342, %get3A_634 : vector<16xf32>
      %get3A_1344 = arith.index_cast %add3A_1339 : i32 to index
      %get3A_1345 = arith.constant 16 : index
      %get3A_1346 = tpu.vector_load %arg13[%get3A_1344, %get3A_1345] {strides = array<i32>} : memref<2560x32xf32, #tpu.memory_space<vmem>>, vector<16xf32>,
      %mul3A_1347 = arith.mulf %get3A_1346, %get3A_641 : vector<16xf32>
      %add3A_1348 = arith.addf %mul3A_1343, %mul3A_1347 : vector<16xf32>
      %swap3A_1349 = arith.constant 128 : index
      %swap3A_1350 = tpu.vector_load %arg14[%swap3A_1349] {strides = array<i32>} : memref<256xf32, #tpu.memory_space<vmem>>, vector<16xf32>,
      tpu.vector_store %arg14[%swap3A_1349], %add3A_1348 {strides = array<i32>} : memref<256xf32, #tpu.memory_space<vmem>>, vector<16xf32>,
      %mul3A_1351 = arith.constant 80 : i32
      %mul3A_1352 = arith.muli %scan3A_600, %mul3A_1351 : i32
      %add3A_1353 = arith.constant 41 : i32
      %add3A_1354 = arith.addi %mul3A_1352, %add3A_1353 : i32
      %get3A_1355 = arith.index_cast %add3A_1354 : i32 to index
      %get3A_1356 = arith.constant 0 : index
      %get3A_1357 = tpu.vector_load %arg13[%get3A_1355, %get3A_1356] {strides = array<i32>} : memref<2560x32xf32, #tpu.memory_space<vmem>>, vector<16xf32>,
      %mul3A_1358 = arith.mulf %get3A_1357, %get3A_634 : vector<16xf32>
      %get3A_1359 = arith.index_cast %add3A_1354 : i32 to index
      %get3A_1360 = arith.constant 16 : index
      %get3A_1361 = tpu.vector_load %arg13[%get3A_1359, %get3A_1360] {strides = array<i32>} : memref<2560x32xf32, #tpu.memory_space<vmem>>, vector<16xf32>,
      %mul3A_1362 = arith.mulf %get3A_1361, %get3A_641 : vector<16xf32>
      %add3A_1363 = arith.addf %mul3A_1358, %mul3A_1362 : vector<16xf32>
      %swap3A_1364 = arith.constant 144 : index
      %swap3A_1365 = tpu.vector_load %arg14[%swap3A_1364] {strides = array<i32>} : memref<256xf32, #tpu.memory_space<vmem>>, vector<16xf32>,
      tpu.vector_store %arg14[%swap3A_1364], %add3A_1363 {strides = array<i32>} : memref<256xf32, #tpu.memory_space<vmem>>, vector<16xf32>,
      %mul3A_1366 = arith.constant 80 : i32
      %mul3A_1367 = arith.muli %scan3A_600, %mul3A_1366 : i32
      %add3A_1368 = arith.constant 42 : i32
      %add3A_1369 = arith.addi %mul3A_1367, %add3A_1368 : i32
      %get3A_1370 = arith.index_cast %add3A_1369 : i32 to index
      %get3A_1371 = arith.constant 0 : index
      %get3A_1372 = tpu.vector_load %arg13[%get3A_1370, %get3A_1371] {strides = array<i32>} : memref<2560x32xf32, #tpu.memory_space<vmem>>, vector<16xf32>,
      %mul3A_1373 = arith.mulf %get3A_1372, %get3A_634 : vector<16xf32>
      %get3A_1374 = arith.index_cast %add3A_1369 : i32 to index
      %get3A_1375 = arith.constant 16 : index
      %get3A_1376 = tpu.vector_load %arg13[%get3A_1374, %get3A_1375] {strides = array<i32>} : memref<2560x32xf32, #tpu.memory_space<vmem>>, vector<16xf32>,
      %mul3A_1377 = arith.mulf %get3A_1376, %get3A_641 : vector<16xf32>
      %add3A_1378 = arith.addf %mul3A_1373, %mul3A_1377 : vector<16xf32>
      %swap3A_1379 = arith.constant 160 : index
      %swap3A_1380 = tpu.vector_load %arg14[%swap3A_1379] {strides = array<i32>} : memref<256xf32, #tpu.memory_space<vmem>>, vector<16xf32>,
      tpu.vector_store %arg14[%swap3A_1379], %add3A_1378 {strides = array<i32>} : memref<256xf32, #tpu.memory_space<vmem>>, vector<16xf32>,
      %mul3A_1381 = arith.constant 80 : i32
      %mul3A_1382 = arith.muli %scan3A_600, %mul3A_1381 : i32
      %add3A_1383 = arith.constant 43 : i32
      %add3A_1384 = arith.addi %mul3A_1382, %add3A_1383 : i32
      %get3A_1385 = arith.index_cast %add3A_1384 : i32 to index
      %get3A_1386 = arith.constant 0 : index
      %get3A_1387 = tpu.vector_load %arg13[%get3A_1385, %get3A_1386] {strides = array<i32>} : memref<2560x32xf32, #tpu.memory_space<vmem>>, vector<16xf32>,
      %mul3A_1388 = arith.mulf %get3A_1387, %get3A_634 : vector<16xf32>
      %get3A_1389 = arith.index_cast %add3A_1384 : i32 to index
      %get3A_1390 = arith.constant 16 : index
      %get3A_1391 = tpu.vector_load %arg13[%get3A_1389, %get3A_1390] {strides = array<i32>} : memref<2560x32xf32, #tpu.memory_space<vmem>>, vector<16xf32>,
      %mul3A_1392 = arith.mulf %get3A_1391, %get3A_641 : vector<16xf32>
      %add3A_1393 = arith.addf %mul3A_1388, %mul3A_1392 : vector<16xf32>
      %swap3A_1394 = arith.constant 176 : index
      %swap3A_1395 = tpu.vector_load %arg14[%swap3A_1394] {strides = array<i32>} : memref<256xf32, #tpu.memory_space<vmem>>, vector<16xf32>,
      tpu.vector_store %arg14[%swap3A_1394], %add3A_1393 {strides = array<i32>} : memref<256xf32, #tpu.memory_space<vmem>>, vector<16xf32>,
      %mul3A_1396 = arith.constant 80 : i32
      %mul3A_1397 = arith.muli %scan3A_600, %mul3A_1396 : i32
      %add3A_1398 = arith.constant 44 : i32
      %add3A_1399 = arith.addi %mul3A_1397, %add3A_1398 : i32
      %get3A_1400 = arith.index_cast %add3A_1399 : i32 to index
      %get3A_1401 = arith.constant 0 : index
      %get3A_1402 = tpu.vector_load %arg13[%get3A_1400, %get3A_1401] {strides = array<i32>} : memref<2560x32xf32, #tpu.memory_space<vmem>>, vector<16xf32>,
      %mul3A_1403 = arith.mulf %get3A_1402, %get3A_634 : vector<16xf32>
      %get3A_1404 = arith.index_cast %add3A_1399 : i32 to index
      %get3A_1405 = arith.constant 16 : index
      %get3A_1406 = tpu.vector_load %arg13[%get3A_1404, %get3A_1405] {strides = array<i32>} : memref<2560x32xf32, #tpu.memory_space<vmem>>, vector<16xf32>,
      %mul3A_1407 = arith.mulf %get3A_1406, %get3A_641 : vector<16xf32>
      %add3A_1408 = arith.addf %mul3A_1403, %mul3A_1407 : vector<16xf32>
      %swap3A_1409 = arith.constant 192 : index
      %swap3A_1410 = tpu.vector_load %arg14[%swap3A_1409] {strides = array<i32>} : memref<256xf32, #tpu.memory_space<vmem>>, vector<16xf32>,
      tpu.vector_store %arg14[%swap3A_1409], %add3A_1408 {strides = array<i32>} : memref<256xf32, #tpu.memory_space<vmem>>, vector<16xf32>,
      %mul3A_1411 = arith.constant 80 : i32
      %mul3A_1412 = arith.muli %scan3A_600, %mul3A_1411 : i32
      %add3A_1413 = arith.constant 45 : i32
      %add3A_1414 = arith.addi %mul3A_1412, %add3A_1413 : i32
      %get3A_1415 = arith.index_cast %add3A_1414 : i32 to index
      %get3A_1416 = arith.constant 0 : index
      %get3A_1417 = tpu.vector_load %arg13[%get3A_1415, %get3A_1416] {strides = array<i32>} : memref<2560x32xf32, #tpu.memory_space<vmem>>, vector<16xf32>,
      %mul3A_1418 = arith.mulf %get3A_1417, %get3A_634 : vector<16xf32>
      %get3A_1419 = arith.index_cast %add3A_1414 : i32 to index
      %get3A_1420 = arith.constant 16 : index
      %get3A_1421 = tpu.vector_load %arg13[%get3A_1419, %get3A_1420] {strides = array<i32>} : memref<2560x32xf32, #tpu.memory_space<vmem>>, vector<16xf32>,
      %mul3A_1422 = arith.mulf %get3A_1421, %get3A_641 : vector<16xf32>
      %add3A_1423 = arith.addf %mul3A_1418, %mul3A_1422 : vector<16xf32>
      %swap3A_1424 = arith.constant 208 : index
      %swap3A_1425 = tpu.vector_load %arg14[%swap3A_1424] {strides = array<i32>} : memref<256xf32, #tpu.memory_space<vmem>>, vector<16xf32>,
      tpu.vector_store %arg14[%swap3A_1424], %add3A_1423 {strides = array<i32>} : memref<256xf32, #tpu.memory_space<vmem>>, vector<16xf32>,
      %mul3A_1426 = arith.constant 80 : i32
      %mul3A_1427 = arith.muli %scan3A_600, %mul3A_1426 : i32
      %add3A_1428 = arith.constant 46 : i32
      %add3A_1429 = arith.addi %mul3A_1427, %add3A_1428 : i32
      %get3A_1430 = arith.index_cast %add3A_1429 : i32 to index
      %get3A_1431 = arith.constant 0 : index
      %get3A_1432 = tpu.vector_load %arg13[%get3A_1430, %get3A_1431] {strides = array<i32>} : memref<2560x32xf32, #tpu.memory_space<vmem>>, vector<16xf32>,
      %mul3A_1433 = arith.mulf %get3A_1432, %get3A_634 : vector<16xf32>
      %get3A_1434 = arith.index_cast %add3A_1429 : i32 to index
      %get3A_1435 = arith.constant 16 : index
      %get3A_1436 = tpu.vector_load %arg13[%get3A_1434, %get3A_1435] {strides = array<i32>} : memref<2560x32xf32, #tpu.memory_space<vmem>>, vector<16xf32>,
      %mul3A_1437 = arith.mulf %get3A_1436, %get3A_641 : vector<16xf32>
      %add3A_1438 = arith.addf %mul3A_1433, %mul3A_1437 : vector<16xf32>
      %swap3A_1439 = arith.constant 224 : index
      %swap3A_1440 = tpu.vector_load %arg14[%swap3A_1439] {strides = array<i32>} : memref<256xf32, #tpu.memory_space<vmem>>, vector<16xf32>,
      tpu.vector_store %arg14[%swap3A_1439], %add3A_1438 {strides = array<i32>} : memref<256xf32, #tpu.memory_space<vmem>>, vector<16xf32>,
      %mul3A_1441 = arith.constant 80 : i32
      %mul3A_1442 = arith.muli %scan3A_600, %mul3A_1441 : i32
      %add3A_1443 = arith.constant 47 : i32
      %add3A_1444 = arith.addi %mul3A_1442, %add3A_1443 : i32
      %get3A_1445 = arith.index_cast %add3A_1444 : i32 to index
      %get3A_1446 = arith.constant 0 : index
      %get3A_1447 = tpu.vector_load %arg13[%get3A_1445, %get3A_1446] {strides = array<i32>} : memref<2560x32xf32, #tpu.memory_space<vmem>>, vector<16xf32>,
      %mul3A_1448 = arith.mulf %get3A_1447, %get3A_634 : vector<16xf32>
      %get3A_1449 = arith.index_cast %add3A_1444 : i32 to index
      %get3A_1450 = arith.constant 16 : index
      %get3A_1451 = tpu.vector_load %arg13[%get3A_1449, %get3A_1450] {strides = array<i32>} : memref<2560x32xf32, #tpu.memory_space<vmem>>, vector<16xf32>,
      %mul3A_1452 = arith.mulf %get3A_1451, %get3A_641 : vector<16xf32>
      %add3A_1453 = arith.addf %mul3A_1448, %mul3A_1452 : vector<16xf32>
      %swap3A_1454 = arith.constant 240 : index
      %swap3A_1455 = tpu.vector_load %arg14[%swap3A_1454] {strides = array<i32>} : memref<256xf32, #tpu.memory_space<vmem>>, vector<16xf32>,
      tpu.vector_store %arg14[%swap3A_1454], %add3A_1453 {strides = array<i32>} : memref<256xf32, #tpu.memory_space<vmem>>, vector<16xf32>,
      %broadcast_in_dim3A_1456 = arith.constant 0.000000e+00 : f32
      %broadcast_in_dim3A_1457 = vector.broadcast %broadcast_in_dim3A_1456 : f32 to vector<16xf32>
      %gather3A_1458 = tpu.vector_load_idx %arg14[%add3A_498] : memref<256xf32, #tpu.memory_space<vmem>>[vector<16xi32>], vector<16xf32>,
      %sub3A_1459 = arith.subf %broadcast_in_dim3A_1457, %gather3A_1458 : vector<16xf32>
      %gather3A_1460 = tpu.vector_load_idx %arg14[%add3A_504] : memref<256xf32, #tpu.memory_space<vmem>>[vector<16xi32>], vector<16xf32>,
      %sub3A_1461 = arith.subf %sub3A_1459, %gather3A_1460 : vector<16xf32>
      %gather3A_1462 = tpu.vector_load_idx %arg14[%add3A_510] : memref<256xf32, #tpu.memory_space<vmem>>[vector<16xi32>], vector<16xf32>,
      %sub3A_1463 = arith.subf %sub3A_1461, %gather3A_1462 : vector<16xf32>
      %gather3A_1464 = tpu.vector_load_idx %arg14[%add3A_516] : memref<256xf32, #tpu.memory_space<vmem>>[vector<16xi32>], vector<16xf32>,
      %sub3A_1465 = arith.subf %sub3A_1463, %gather3A_1464 : vector<16xf32>
      %gather3A_1466 = tpu.vector_load_idx %arg14[%add3A_522] : memref<256xf32, #tpu.memory_space<vmem>>[vector<16xi32>], vector<16xf32>,
      %sub3A_1467 = arith.subf %sub3A_1465, %gather3A_1466 : vector<16xf32>
      %gather3A_1468 = tpu.vector_load_idx %arg14[%add3A_528] : memref<256xf32, #tpu.memory_space<vmem>>[vector<16xi32>], vector<16xf32>,
      %sub3A_1469 = arith.subf %sub3A_1467, %gather3A_1468 : vector<16xf32>
      %gather3A_1470 = tpu.vector_load_idx %arg14[%add3A_534] : memref<256xf32, #tpu.memory_space<vmem>>[vector<16xi32>], vector<16xf32>,
      %sub3A_1471 = arith.subf %sub3A_1469, %gather3A_1470 : vector<16xf32>
      %gather3A_1472 = tpu.vector_load_idx %arg14[%add3A_540] : memref<256xf32, #tpu.memory_space<vmem>>[vector<16xi32>], vector<16xf32>,
      %sub3A_1473 = arith.subf %sub3A_1471, %gather3A_1472 : vector<16xf32>
      %gather3A_1474 = tpu.vector_load_idx %arg14[%add3A_546] : memref<256xf32, #tpu.memory_space<vmem>>[vector<16xi32>], vector<16xf32>,
      %sub3A_1475 = arith.subf %sub3A_1473, %gather3A_1474 : vector<16xf32>
      %gather3A_1476 = tpu.vector_load_idx %arg14[%add3A_552] : memref<256xf32, #tpu.memory_space<vmem>>[vector<16xi32>], vector<16xf32>,
      %sub3A_1477 = arith.subf %sub3A_1475, %gather3A_1476 : vector<16xf32>
      %gather3A_1478 = tpu.vector_load_idx %arg14[%add3A_558] : memref<256xf32, #tpu.memory_space<vmem>>[vector<16xi32>], vector<16xf32>,
      %sub3A_1479 = arith.subf %sub3A_1477, %gather3A_1478 : vector<16xf32>
      %gather3A_1480 = tpu.vector_load_idx %arg14[%add3A_564] : memref<256xf32, #tpu.memory_space<vmem>>[vector<16xi32>], vector<16xf32>,
      %sub3A_1481 = arith.subf %sub3A_1479, %gather3A_1480 : vector<16xf32>
      %gather3A_1482 = tpu.vector_load_idx %arg14[%add3A_570] : memref<256xf32, #tpu.memory_space<vmem>>[vector<16xi32>], vector<16xf32>,
      %sub3A_1483 = arith.subf %sub3A_1481, %gather3A_1482 : vector<16xf32>
      %gather3A_1484 = tpu.vector_load_idx %arg14[%add3A_576] : memref<256xf32, #tpu.memory_space<vmem>>[vector<16xi32>], vector<16xf32>,
      %sub3A_1485 = arith.subf %sub3A_1483, %gather3A_1484 : vector<16xf32>
      %gather3A_1486 = tpu.vector_load_idx %arg14[%add3A_582] : memref<256xf32, #tpu.memory_space<vmem>>[vector<16xi32>], vector<16xf32>,
      %sub3A_1487 = arith.subf %sub3A_1485, %gather3A_1486 : vector<16xf32>
      %gather3A_1488 = tpu.vector_load_idx %arg14[%add3A_588] : memref<256xf32, #tpu.memory_space<vmem>>[vector<16xi32>], vector<16xf32>,
      %sub3A_1489 = arith.subf %sub3A_1487, %gather3A_1488 : vector<16xf32>
      %mul3A_1490 = arith.constant 80 : i32
      %mul3A_1491 = arith.muli %scan3A_600, %mul3A_1490 : i32
      %add3A_1492 = arith.constant 512 : i32
      %add3A_1493 = arith.addi %add3A_1492, %mul3A_1491 : i32
      %add3A_1494 = arith.constant 32 : i32
      %add3A_1495 = arith.addi %add3A_1493, %add3A_1494 : i32
      %swap3A_1496 = arith.index_cast %add3A_1495 : i32 to index
      %swap3A_1497 = tpu.vector_load %arg15[%swap3A_1496] {strides = array<i32>} : memref<3072xf32, #tpu.memory_space<vmem>>, vector<16xf32>,
      tpu.vector_store %arg15[%swap3A_1496], %sub3A_1489 {strides = array<i32>} : memref<3072xf32, #tpu.memory_space<vmem>>, vector<16xf32>,
      %mul3A_1498 = arith.constant 80 : i32
      %mul3A_1499 = arith.muli %scan3A_600, %mul3A_1498 : i32
      %add3A_1500 = arith.constant 48 : i32
      %add3A_1501 = arith.addi %mul3A_1499, %add3A_1500 : i32
      %get3A_1502 = arith.index_cast %add3A_1501 : i32 to index
      %get3A_1503 = arith.constant 0 : index
      %get3A_1504 = tpu.vector_load %arg13[%get3A_1502, %get3A_1503] {strides = array<i32>} : memref<2560x32xf32, #tpu.memory_space<vmem>>, vector<16xf32>,
      %mul3A_1505 = arith.mulf %get3A_1504, %get3A_634 : vector<16xf32>
      %get3A_1506 = arith.index_cast %add3A_1501 : i32 to index
      %get3A_1507 = arith.constant 16 : index
      %get3A_1508 = tpu.vector_load %arg13[%get3A_1506, %get3A_1507] {strides = array<i32>} : memref<2560x32xf32, #tpu.memory_space<vmem>>, vector<16xf32>,
      %mul3A_1509 = arith.mulf %get3A_1508, %get3A_641 : vector<16xf32>
      %add3A_1510 = arith.addf %mul3A_1505, %mul3A_1509 : vector<16xf32>
      %swap3A_1511 = arith.constant 0 : index
      %swap3A_1512 = tpu.vector_load %arg14[%swap3A_1511] {strides = array<i32>} : memref<256xf32, #tpu.memory_space<vmem>>, vector<16xf32>,
      tpu.vector_store %arg14[%swap3A_1511], %add3A_1510 {strides = array<i32>} : memref<256xf32, #tpu.memory_space<vmem>>, vector<16xf32>,
      %mul3A_1513 = arith.constant 80 : i32
      %mul3A_1514 = arith.muli %scan3A_600, %mul3A_1513 : i32
      %add3A_1515 = arith.constant 49 : i32
      %add3A_1516 = arith.addi %mul3A_1514, %add3A_1515 : i32
      %get3A_1517 = arith.index_cast %add3A_1516 : i32 to index
      %get3A_1518 = arith.constant 0 : index
      %get3A_1519 = tpu.vector_load %arg13[%get3A_1517, %get3A_1518] {strides = array<i32>} : memref<2560x32xf32, #tpu.memory_space<vmem>>, vector<16xf32>,
      %mul3A_1520 = arith.mulf %get3A_1519, %get3A_634 : vector<16xf32>
      %get3A_1521 = arith.index_cast %add3A_1516 : i32 to index
      %get3A_1522 = arith.constant 16 : index
      %get3A_1523 = tpu.vector_load %arg13[%get3A_1521, %get3A_1522] {strides = array<i32>} : memref<2560x32xf32, #tpu.memory_space<vmem>>, vector<16xf32>,
      %mul3A_1524 = arith.mulf %get3A_1523, %get3A_641 : vector<16xf32>
      %add3A_1525 = arith.addf %mul3A_1520, %mul3A_1524 : vector<16xf32>
      %swap3A_1526 = arith.constant 16 : index
      %swap3A_1527 = tpu.vector_load %arg14[%swap3A_1526] {strides = array<i32>} : memref<256xf32, #tpu.memory_space<vmem>>, vector<16xf32>,
      tpu.vector_store %arg14[%swap3A_1526], %add3A_1525 {strides = array<i32>} : memref<256xf32, #tpu.memory_space<vmem>>, vector<16xf32>,
      %mul3A_1528 = arith.constant 80 : i32
      %mul3A_1529 = arith.muli %scan3A_600, %mul3A_1528 : i32
      %add3A_1530 = arith.constant 50 : i32
      %add3A_1531 = arith.addi %mul3A_1529, %add3A_1530 : i32
      %get3A_1532 = arith.index_cast %add3A_1531 : i32 to index
      %get3A_1533 = arith.constant 0 : index
      %get3A_1534 = tpu.vector_load %arg13[%get3A_1532, %get3A_1533] {strides = array<i32>} : memref<2560x32xf32, #tpu.memory_space<vmem>>, vector<16xf32>,
      %mul3A_1535 = arith.mulf %get3A_1534, %get3A_634 : vector<16xf32>
      %get3A_1536 = arith.index_cast %add3A_1531 : i32 to index
      %get3A_1537 = arith.constant 16 : index
      %get3A_1538 = tpu.vector_load %arg13[%get3A_1536, %get3A_1537] {strides = array<i32>} : memref<2560x32xf32, #tpu.memory_space<vmem>>, vector<16xf32>,
      %mul3A_1539 = arith.mulf %get3A_1538, %get3A_641 : vector<16xf32>
      %add3A_1540 = arith.addf %mul3A_1535, %mul3A_1539 : vector<16xf32>
      %swap3A_1541 = arith.constant 32 : index
      %swap3A_1542 = tpu.vector_load %arg14[%swap3A_1541] {strides = array<i32>} : memref<256xf32, #tpu.memory_space<vmem>>, vector<16xf32>,
      tpu.vector_store %arg14[%swap3A_1541], %add3A_1540 {strides = array<i32>} : memref<256xf32, #tpu.memory_space<vmem>>, vector<16xf32>,
      %mul3A_1543 = arith.constant 80 : i32
      %mul3A_1544 = arith.muli %scan3A_600, %mul3A_1543 : i32
      %add3A_1545 = arith.constant 51 : i32
      %add3A_1546 = arith.addi %mul3A_1544, %add3A_1545 : i32
      %get3A_1547 = arith.index_cast %add3A_1546 : i32 to index
      %get3A_1548 = arith.constant 0 : index
      %get3A_1549 = tpu.vector_load %arg13[%get3A_1547, %get3A_1548] {strides = array<i32>} : memref<2560x32xf32, #tpu.memory_space<vmem>>, vector<16xf32>,
      %mul3A_1550 = arith.mulf %get3A_1549, %get3A_634 : vector<16xf32>
      %get3A_1551 = arith.index_cast %add3A_1546 : i32 to index
      %get3A_1552 = arith.constant 16 : index
      %get3A_1553 = tpu.vector_load %arg13[%get3A_1551, %get3A_1552] {strides = array<i32>} : memref<2560x32xf32, #tpu.memory_space<vmem>>, vector<16xf32>,
      %mul3A_1554 = arith.mulf %get3A_1553, %get3A_641 : vector<16xf32>
      %add3A_1555 = arith.addf %mul3A_1550, %mul3A_1554 : vector<16xf32>
      %swap3A_1556 = arith.constant 48 : index
      %swap3A_1557 = tpu.vector_load %arg14[%swap3A_1556] {strides = array<i32>} : memref<256xf32, #tpu.memory_space<vmem>>, vector<16xf32>,
      tpu.vector_store %arg14[%swap3A_1556], %add3A_1555 {strides = array<i32>} : memref<256xf32, #tpu.memory_space<vmem>>, vector<16xf32>,
      %mul3A_1558 = arith.constant 80 : i32
      %mul3A_1559 = arith.muli %scan3A_600, %mul3A_1558 : i32
      %add3A_1560 = arith.constant 52 : i32
      %add3A_1561 = arith.addi %mul3A_1559, %add3A_1560 : i32
      %get3A_1562 = arith.index_cast %add3A_1561 : i32 to index
      %get3A_1563 = arith.constant 0 : index
      %get3A_1564 = tpu.vector_load %arg13[%get3A_1562, %get3A_1563] {strides = array<i32>} : memref<2560x32xf32, #tpu.memory_space<vmem>>, vector<16xf32>,
      %mul3A_1565 = arith.mulf %get3A_1564, %get3A_634 : vector<16xf32>
      %get3A_1566 = arith.index_cast %add3A_1561 : i32 to index
      %get3A_1567 = arith.constant 16 : index
      %get3A_1568 = tpu.vector_load %arg13[%get3A_1566, %get3A_1567] {strides = array<i32>} : memref<2560x32xf32, #tpu.memory_space<vmem>>, vector<16xf32>,
      %mul3A_1569 = arith.mulf %get3A_1568, %get3A_641 : vector<16xf32>
      %add3A_1570 = arith.addf %mul3A_1565, %mul3A_1569 : vector<16xf32>
      %swap3A_1571 = arith.constant 64 : index
      %swap3A_1572 = tpu.vector_load %arg14[%swap3A_1571] {strides = array<i32>} : memref<256xf32, #tpu.memory_space<vmem>>, vector<16xf32>,
      tpu.vector_store %arg14[%swap3A_1571], %add3A_1570 {strides = array<i32>} : memref<256xf32, #tpu.memory_space<vmem>>, vector<16xf32>,
      %mul3A_1573 = arith.constant 80 : i32
      %mul3A_1574 = arith.muli %scan3A_600, %mul3A_1573 : i32
      %add3A_1575 = arith.constant 53 : i32
      %add3A_1576 = arith.addi %mul3A_1574, %add3A_1575 : i32
      %get3A_1577 = arith.index_cast %add3A_1576 : i32 to index
      %get3A_1578 = arith.constant 0 : index
      %get3A_1579 = tpu.vector_load %arg13[%get3A_1577, %get3A_1578] {strides = array<i32>} : memref<2560x32xf32, #tpu.memory_space<vmem>>, vector<16xf32>,
      %mul3A_1580 = arith.mulf %get3A_1579, %get3A_634 : vector<16xf32>
      %get3A_1581 = arith.index_cast %add3A_1576 : i32 to index
      %get3A_1582 = arith.constant 16 : index
      %get3A_1583 = tpu.vector_load %arg13[%get3A_1581, %get3A_1582] {strides = array<i32>} : memref<2560x32xf32, #tpu.memory_space<vmem>>, vector<16xf32>,
      %mul3A_1584 = arith.mulf %get3A_1583, %get3A_641 : vector<16xf32>
      %add3A_1585 = arith.addf %mul3A_1580, %mul3A_1584 : vector<16xf32>
      %swap3A_1586 = arith.constant 80 : index
      %swap3A_1587 = tpu.vector_load %arg14[%swap3A_1586] {strides = array<i32>} : memref<256xf32, #tpu.memory_space<vmem>>, vector<16xf32>,
      tpu.vector_store %arg14[%swap3A_1586], %add3A_1585 {strides = array<i32>} : memref<256xf32, #tpu.memory_space<vmem>>, vector<16xf32>,
      %mul3A_1588 = arith.constant 80 : i32
      %mul3A_1589 = arith.muli %scan3A_600, %mul3A_1588 : i32
      %add3A_1590 = arith.constant 54 : i32
      %add3A_1591 = arith.addi %mul3A_1589, %add3A_1590 : i32
      %get3A_1592 = arith.index_cast %add3A_1591 : i32 to index
      %get3A_1593 = arith.constant 0 : index
      %get3A_1594 = tpu.vector_load %arg13[%get3A_1592, %get3A_1593] {strides = array<i32>} : memref<2560x32xf32, #tpu.memory_space<vmem>>, vector<16xf32>,
      %mul3A_1595 = arith.mulf %get3A_1594, %get3A_634 : vector<16xf32>
      %get3A_1596 = arith.index_cast %add3A_1591 : i32 to index
      %get3A_1597 = arith.constant 16 : index
      %get3A_1598 = tpu.vector_load %arg13[%get3A_1596, %get3A_1597] {strides = array<i32>} : memref<2560x32xf32, #tpu.memory_space<vmem>>, vector<16xf32>,
      %mul3A_1599 = arith.mulf %get3A_1598, %get3A_641 : vector<16xf32>
      %add3A_1600 = arith.addf %mul3A_1595, %mul3A_1599 : vector<16xf32>
      %swap3A_1601 = arith.constant 96 : index
      %swap3A_1602 = tpu.vector_load %arg14[%swap3A_1601] {strides = array<i32>} : memref<256xf32, #tpu.memory_space<vmem>>, vector<16xf32>,
      tpu.vector_store %arg14[%swap3A_1601], %add3A_1600 {strides = array<i32>} : memref<256xf32, #tpu.memory_space<vmem>>, vector<16xf32>,
      %mul3A_1603 = arith.constant 80 : i32
      %mul3A_1604 = arith.muli %scan3A_600, %mul3A_1603 : i32
      %add3A_1605 = arith.constant 55 : i32
      %add3A_1606 = arith.addi %mul3A_1604, %add3A_1605 : i32
      %get3A_1607 = arith.index_cast %add3A_1606 : i32 to index
      %get3A_1608 = arith.constant 0 : index
      %get3A_1609 = tpu.vector_load %arg13[%get3A_1607, %get3A_1608] {strides = array<i32>} : memref<2560x32xf32, #tpu.memory_space<vmem>>, vector<16xf32>,
      %mul3A_1610 = arith.mulf %get3A_1609, %get3A_634 : vector<16xf32>
      %get3A_1611 = arith.index_cast %add3A_1606 : i32 to index
      %get3A_1612 = arith.constant 16 : index
      %get3A_1613 = tpu.vector_load %arg13[%get3A_1611, %get3A_1612] {strides = array<i32>} : memref<2560x32xf32, #tpu.memory_space<vmem>>, vector<16xf32>,
      %mul3A_1614 = arith.mulf %get3A_1613, %get3A_641 : vector<16xf32>
      %add3A_1615 = arith.addf %mul3A_1610, %mul3A_1614 : vector<16xf32>
      %swap3A_1616 = arith.constant 112 : index
      %swap3A_1617 = tpu.vector_load %arg14[%swap3A_1616] {strides = array<i32>} : memref<256xf32, #tpu.memory_space<vmem>>, vector<16xf32>,
      tpu.vector_store %arg14[%swap3A_1616], %add3A_1615 {strides = array<i32>} : memref<256xf32, #tpu.memory_space<vmem>>, vector<16xf32>,
      %mul3A_1618 = arith.constant 80 : i32
      %mul3A_1619 = arith.muli %scan3A_600, %mul3A_1618 : i32
      %add3A_1620 = arith.constant 56 : i32
      %add3A_1621 = arith.addi %mul3A_1619, %add3A_1620 : i32
      %get3A_1622 = arith.index_cast %add3A_1621 : i32 to index
      %get3A_1623 = arith.constant 0 : index
      %get3A_1624 = tpu.vector_load %arg13[%get3A_1622, %get3A_1623] {strides = array<i32>} : memref<2560x32xf32, #tpu.memory_space<vmem>>, vector<16xf32>,
      %mul3A_1625 = arith.mulf %get3A_1624, %get3A_634 : vector<16xf32>
      %get3A_1626 = arith.index_cast %add3A_1621 : i32 to index
      %get3A_1627 = arith.constant 16 : index
      %get3A_1628 = tpu.vector_load %arg13[%get3A_1626, %get3A_1627] {strides = array<i32>} : memref<2560x32xf32, #tpu.memory_space<vmem>>, vector<16xf32>,
      %mul3A_1629 = arith.mulf %get3A_1628, %get3A_641 : vector<16xf32>
      %add3A_1630 = arith.addf %mul3A_1625, %mul3A_1629 : vector<16xf32>
      %swap3A_1631 = arith.constant 128 : index
      %swap3A_1632 = tpu.vector_load %arg14[%swap3A_1631] {strides = array<i32>} : memref<256xf32, #tpu.memory_space<vmem>>, vector<16xf32>,
      tpu.vector_store %arg14[%swap3A_1631], %add3A_1630 {strides = array<i32>} : memref<256xf32, #tpu.memory_space<vmem>>, vector<16xf32>,
      %mul3A_1633 = arith.constant 80 : i32
      %mul3A_1634 = arith.muli %scan3A_600, %mul3A_1633 : i32
      %add3A_1635 = arith.constant 57 : i32
      %add3A_1636 = arith.addi %mul3A_1634, %add3A_1635 : i32
      %get3A_1637 = arith.index_cast %add3A_1636 : i32 to index
      %get3A_1638 = arith.constant 0 : index
      %get3A_1639 = tpu.vector_load %arg13[%get3A_1637, %get3A_1638] {strides = array<i32>} : memref<2560x32xf32, #tpu.memory_space<vmem>>, vector<16xf32>,
      %mul3A_1640 = arith.mulf %get3A_1639, %get3A_634 : vector<16xf32>
      %get3A_1641 = arith.index_cast %add3A_1636 : i32 to index
      %get3A_1642 = arith.constant 16 : index
      %get3A_1643 = tpu.vector_load %arg13[%get3A_1641, %get3A_1642] {strides = array<i32>} : memref<2560x32xf32, #tpu.memory_space<vmem>>, vector<16xf32>,
      %mul3A_1644 = arith.mulf %get3A_1643, %get3A_641 : vector<16xf32>
      %add3A_1645 = arith.addf %mul3A_1640, %mul3A_1644 : vector<16xf32>
      %swap3A_1646 = arith.constant 144 : index
      %swap3A_1647 = tpu.vector_load %arg14[%swap3A_1646] {strides = array<i32>} : memref<256xf32, #tpu.memory_space<vmem>>, vector<16xf32>,
      tpu.vector_store %arg14[%swap3A_1646], %add3A_1645 {strides = array<i32>} : memref<256xf32, #tpu.memory_space<vmem>>, vector<16xf32>,
      %mul3A_1648 = arith.constant 80 : i32
      %mul3A_1649 = arith.muli %scan3A_600, %mul3A_1648 : i32
      %add3A_1650 = arith.constant 58 : i32
      %add3A_1651 = arith.addi %mul3A_1649, %add3A_1650 : i32
      %get3A_1652 = arith.index_cast %add3A_1651 : i32 to index
      %get3A_1653 = arith.constant 0 : index
      %get3A_1654 = tpu.vector_load %arg13[%get3A_1652, %get3A_1653] {strides = array<i32>} : memref<2560x32xf32, #tpu.memory_space<vmem>>, vector<16xf32>,
      %mul3A_1655 = arith.mulf %get3A_1654, %get3A_634 : vector<16xf32>
      %get3A_1656 = arith.index_cast %add3A_1651 : i32 to index
      %get3A_1657 = arith.constant 16 : index
      %get3A_1658 = tpu.vector_load %arg13[%get3A_1656, %get3A_1657] {strides = array<i32>} : memref<2560x32xf32, #tpu.memory_space<vmem>>, vector<16xf32>,
      %mul3A_1659 = arith.mulf %get3A_1658, %get3A_641 : vector<16xf32>
      %add3A_1660 = arith.addf %mul3A_1655, %mul3A_1659 : vector<16xf32>
      %swap3A_1661 = arith.constant 160 : index
      %swap3A_1662 = tpu.vector_load %arg14[%swap3A_1661] {strides = array<i32>} : memref<256xf32, #tpu.memory_space<vmem>>, vector<16xf32>,
      tpu.vector_store %arg14[%swap3A_1661], %add3A_1660 {strides = array<i32>} : memref<256xf32, #tpu.memory_space<vmem>>, vector<16xf32>,
      %mul3A_1663 = arith.constant 80 : i32
      %mul3A_1664 = arith.muli %scan3A_600, %mul3A_1663 : i32
      %add3A_1665 = arith.constant 59 : i32
      %add3A_1666 = arith.addi %mul3A_1664, %add3A_1665 : i32
      %get3A_1667 = arith.index_cast %add3A_1666 : i32 to index
      %get3A_1668 = arith.constant 0 : index
      %get3A_1669 = tpu.vector_load %arg13[%get3A_1667, %get3A_1668] {strides = array<i32>} : memref<2560x32xf32, #tpu.memory_space<vmem>>, vector<16xf32>,
      %mul3A_1670 = arith.mulf %get3A_1669, %get3A_634 : vector<16xf32>
      %get3A_1671 = arith.index_cast %add3A_1666 : i32 to index
      %get3A_1672 = arith.constant 16 : index
      %get3A_1673 = tpu.vector_load %arg13[%get3A_1671, %get3A_1672] {strides = array<i32>} : memref<2560x32xf32, #tpu.memory_space<vmem>>, vector<16xf32>,
      %mul3A_1674 = arith.mulf %get3A_1673, %get3A_641 : vector<16xf32>
      %add3A_1675 = arith.addf %mul3A_1670, %mul3A_1674 : vector<16xf32>
      %swap3A_1676 = arith.constant 176 : index
      %swap3A_1677 = tpu.vector_load %arg14[%swap3A_1676] {strides = array<i32>} : memref<256xf32, #tpu.memory_space<vmem>>, vector<16xf32>,
      tpu.vector_store %arg14[%swap3A_1676], %add3A_1675 {strides = array<i32>} : memref<256xf32, #tpu.memory_space<vmem>>, vector<16xf32>,
      %mul3A_1678 = arith.constant 80 : i32
      %mul3A_1679 = arith.muli %scan3A_600, %mul3A_1678 : i32
      %add3A_1680 = arith.constant 60 : i32
      %add3A_1681 = arith.addi %mul3A_1679, %add3A_1680 : i32
      %get3A_1682 = arith.index_cast %add3A_1681 : i32 to index
      %get3A_1683 = arith.constant 0 : index
      %get3A_1684 = tpu.vector_load %arg13[%get3A_1682, %get3A_1683] {strides = array<i32>} : memref<2560x32xf32, #tpu.memory_space<vmem>>, vector<16xf32>,
      %mul3A_1685 = arith.mulf %get3A_1684, %get3A_648 : vector<16xf32>
      %get3A_1686 = arith.index_cast %add3A_1681 : i32 to index
      %get3A_1687 = arith.constant 16 : index
      %get3A_1688 = tpu.vector_load %arg13[%get3A_1686, %get3A_1687] {strides = array<i32>} : memref<2560x32xf32, #tpu.memory_space<vmem>>, vector<16xf32>,
      %mul3A_1689 = arith.mulf %get3A_1688, %get3A_655 : vector<16xf32>
      %add3A_1690 = arith.addf %mul3A_1685, %mul3A_1689 : vector<16xf32>
      %swap3A_1691 = arith.constant 192 : index
      %swap3A_1692 = tpu.vector_load %arg14[%swap3A_1691] {strides = array<i32>} : memref<256xf32, #tpu.memory_space<vmem>>, vector<16xf32>,
      tpu.vector_store %arg14[%swap3A_1691], %add3A_1690 {strides = array<i32>} : memref<256xf32, #tpu.memory_space<vmem>>, vector<16xf32>,
      %mul3A_1693 = arith.constant 80 : i32
      %mul3A_1694 = arith.muli %scan3A_600, %mul3A_1693 : i32
      %add3A_1695 = arith.constant 61 : i32
      %add3A_1696 = arith.addi %mul3A_1694, %add3A_1695 : i32
      %get3A_1697 = arith.index_cast %add3A_1696 : i32 to index
      %get3A_1698 = arith.constant 0 : index
      %get3A_1699 = tpu.vector_load %arg13[%get3A_1697, %get3A_1698] {strides = array<i32>} : memref<2560x32xf32, #tpu.memory_space<vmem>>, vector<16xf32>,
      %mul3A_1700 = arith.mulf %get3A_1699, %get3A_648 : vector<16xf32>
      %get3A_1701 = arith.index_cast %add3A_1696 : i32 to index
      %get3A_1702 = arith.constant 16 : index
      %get3A_1703 = tpu.vector_load %arg13[%get3A_1701, %get3A_1702] {strides = array<i32>} : memref<2560x32xf32, #tpu.memory_space<vmem>>, vector<16xf32>,
      %mul3A_1704 = arith.mulf %get3A_1703, %get3A_655 : vector<16xf32>
      %add3A_1705 = arith.addf %mul3A_1700, %mul3A_1704 : vector<16xf32>
      %swap3A_1706 = arith.constant 208 : index
      %swap3A_1707 = tpu.vector_load %arg14[%swap3A_1706] {strides = array<i32>} : memref<256xf32, #tpu.memory_space<vmem>>, vector<16xf32>,
      tpu.vector_store %arg14[%swap3A_1706], %add3A_1705 {strides = array<i32>} : memref<256xf32, #tpu.memory_space<vmem>>, vector<16xf32>,
      %mul3A_1708 = arith.constant 80 : i32
      %mul3A_1709 = arith.muli %scan3A_600, %mul3A_1708 : i32
      %add3A_1710 = arith.constant 62 : i32
      %add3A_1711 = arith.addi %mul3A_1709, %add3A_1710 : i32
      %get3A_1712 = arith.index_cast %add3A_1711 : i32 to index
      %get3A_1713 = arith.constant 0 : index
      %get3A_1714 = tpu.vector_load %arg13[%get3A_1712, %get3A_1713] {strides = array<i32>} : memref<2560x32xf32, #tpu.memory_space<vmem>>, vector<16xf32>,
      %mul3A_1715 = arith.mulf %get3A_1714, %get3A_648 : vector<16xf32>
      %get3A_1716 = arith.index_cast %add3A_1711 : i32 to index
      %get3A_1717 = arith.constant 16 : index
      %get3A_1718 = tpu.vector_load %arg13[%get3A_1716, %get3A_1717] {strides = array<i32>} : memref<2560x32xf32, #tpu.memory_space<vmem>>, vector<16xf32>,
      %mul3A_1719 = arith.mulf %get3A_1718, %get3A_655 : vector<16xf32>
      %add3A_1720 = arith.addf %mul3A_1715, %mul3A_1719 : vector<16xf32>
      %swap3A_1721 = arith.constant 224 : index
      %swap3A_1722 = tpu.vector_load %arg14[%swap3A_1721] {strides = array<i32>} : memref<256xf32, #tpu.memory_space<vmem>>, vector<16xf32>,
      tpu.vector_store %arg14[%swap3A_1721], %add3A_1720 {strides = array<i32>} : memref<256xf32, #tpu.memory_space<vmem>>, vector<16xf32>,
      %mul3A_1723 = arith.constant 80 : i32
      %mul3A_1724 = arith.muli %scan3A_600, %mul3A_1723 : i32
      %add3A_1725 = arith.constant 63 : i32
      %add3A_1726 = arith.addi %mul3A_1724, %add3A_1725 : i32
      %get3A_1727 = arith.index_cast %add3A_1726 : i32 to index
      %get3A_1728 = arith.constant 0 : index
      %get3A_1729 = tpu.vector_load %arg13[%get3A_1727, %get3A_1728] {strides = array<i32>} : memref<2560x32xf32, #tpu.memory_space<vmem>>, vector<16xf32>,
      %mul3A_1730 = arith.mulf %get3A_1729, %get3A_648 : vector<16xf32>
      %get3A_1731 = arith.index_cast %add3A_1726 : i32 to index
      %get3A_1732 = arith.constant 16 : index
      %get3A_1733 = tpu.vector_load %arg13[%get3A_1731, %get3A_1732] {strides = array<i32>} : memref<2560x32xf32, #tpu.memory_space<vmem>>, vector<16xf32>,
      %mul3A_1734 = arith.mulf %get3A_1733, %get3A_655 : vector<16xf32>
      %add3A_1735 = arith.addf %mul3A_1730, %mul3A_1734 : vector<16xf32>
      %swap3A_1736 = arith.constant 240 : index
      %swap3A_1737 = tpu.vector_load %arg14[%swap3A_1736] {strides = array<i32>} : memref<256xf32, #tpu.memory_space<vmem>>, vector<16xf32>,
      tpu.vector_store %arg14[%swap3A_1736], %add3A_1735 {strides = array<i32>} : memref<256xf32, #tpu.memory_space<vmem>>, vector<16xf32>,
      %broadcast_in_dim3A_1738 = arith.constant 0.000000e+00 : f32
      %broadcast_in_dim3A_1739 = vector.broadcast %broadcast_in_dim3A_1738 : f32 to vector<16xf32>
      %gather3A_1740 = tpu.vector_load_idx %arg14[%add3A_498] : memref<256xf32, #tpu.memory_space<vmem>>[vector<16xi32>], vector<16xf32>,
      %sub3A_1741 = arith.subf %broadcast_in_dim3A_1739, %gather3A_1740 : vector<16xf32>
      %gather3A_1742 = tpu.vector_load_idx %arg14[%add3A_504] : memref<256xf32, #tpu.memory_space<vmem>>[vector<16xi32>], vector<16xf32>,
      %sub3A_1743 = arith.subf %sub3A_1741, %gather3A_1742 : vector<16xf32>
      %gather3A_1744 = tpu.vector_load_idx %arg14[%add3A_510] : memref<256xf32, #tpu.memory_space<vmem>>[vector<16xi32>], vector<16xf32>,
      %sub3A_1745 = arith.subf %sub3A_1743, %gather3A_1744 : vector<16xf32>
      %gather3A_1746 = tpu.vector_load_idx %arg14[%add3A_516] : memref<256xf32, #tpu.memory_space<vmem>>[vector<16xi32>], vector<16xf32>,
      %sub3A_1747 = arith.subf %sub3A_1745, %gather3A_1746 : vector<16xf32>
      %gather3A_1748 = tpu.vector_load_idx %arg14[%add3A_522] : memref<256xf32, #tpu.memory_space<vmem>>[vector<16xi32>], vector<16xf32>,
      %sub3A_1749 = arith.subf %sub3A_1747, %gather3A_1748 : vector<16xf32>
      %gather3A_1750 = tpu.vector_load_idx %arg14[%add3A_528] : memref<256xf32, #tpu.memory_space<vmem>>[vector<16xi32>], vector<16xf32>,
      %sub3A_1751 = arith.subf %sub3A_1749, %gather3A_1750 : vector<16xf32>
      %gather3A_1752 = tpu.vector_load_idx %arg14[%add3A_534] : memref<256xf32, #tpu.memory_space<vmem>>[vector<16xi32>], vector<16xf32>,
      %sub3A_1753 = arith.subf %sub3A_1751, %gather3A_1752 : vector<16xf32>
      %gather3A_1754 = tpu.vector_load_idx %arg14[%add3A_540] : memref<256xf32, #tpu.memory_space<vmem>>[vector<16xi32>], vector<16xf32>,
      %sub3A_1755 = arith.subf %sub3A_1753, %gather3A_1754 : vector<16xf32>
      %gather3A_1756 = tpu.vector_load_idx %arg14[%add3A_546] : memref<256xf32, #tpu.memory_space<vmem>>[vector<16xi32>], vector<16xf32>,
      %sub3A_1757 = arith.subf %sub3A_1755, %gather3A_1756 : vector<16xf32>
      %gather3A_1758 = tpu.vector_load_idx %arg14[%add3A_552] : memref<256xf32, #tpu.memory_space<vmem>>[vector<16xi32>], vector<16xf32>,
      %sub3A_1759 = arith.subf %sub3A_1757, %gather3A_1758 : vector<16xf32>
      %gather3A_1760 = tpu.vector_load_idx %arg14[%add3A_558] : memref<256xf32, #tpu.memory_space<vmem>>[vector<16xi32>], vector<16xf32>,
      %sub3A_1761 = arith.subf %sub3A_1759, %gather3A_1760 : vector<16xf32>
      %gather3A_1762 = tpu.vector_load_idx %arg14[%add3A_564] : memref<256xf32, #tpu.memory_space<vmem>>[vector<16xi32>], vector<16xf32>,
      %sub3A_1763 = arith.subf %sub3A_1761, %gather3A_1762 : vector<16xf32>
      %gather3A_1764 = tpu.vector_load_idx %arg14[%add3A_570] : memref<256xf32, #tpu.memory_space<vmem>>[vector<16xi32>], vector<16xf32>,
      %sub3A_1765 = arith.subf %sub3A_1763, %gather3A_1764 : vector<16xf32>
      %gather3A_1766 = tpu.vector_load_idx %arg14[%add3A_576] : memref<256xf32, #tpu.memory_space<vmem>>[vector<16xi32>], vector<16xf32>,
      %sub3A_1767 = arith.subf %sub3A_1765, %gather3A_1766 : vector<16xf32>
      %gather3A_1768 = tpu.vector_load_idx %arg14[%add3A_582] : memref<256xf32, #tpu.memory_space<vmem>>[vector<16xi32>], vector<16xf32>,
      %sub3A_1769 = arith.subf %sub3A_1767, %gather3A_1768 : vector<16xf32>
      %gather3A_1770 = tpu.vector_load_idx %arg14[%add3A_588] : memref<256xf32, #tpu.memory_space<vmem>>[vector<16xi32>], vector<16xf32>,
      %sub3A_1771 = arith.subf %sub3A_1769, %gather3A_1770 : vector<16xf32>
      %mul3A_1772 = arith.constant 80 : i32
      %mul3A_1773 = arith.muli %scan3A_600, %mul3A_1772 : i32
      %add3A_1774 = arith.constant 512 : i32
      %add3A_1775 = arith.addi %add3A_1774, %mul3A_1773 : i32
      %add3A_1776 = arith.constant 48 : i32
      %add3A_1777 = arith.addi %add3A_1775, %add3A_1776 : i32
      %swap3A_1778 = arith.index_cast %add3A_1777 : i32 to index
      %swap3A_1779 = tpu.vector_load %arg15[%swap3A_1778] {strides = array<i32>} : memref<3072xf32, #tpu.memory_space<vmem>>, vector<16xf32>,
      tpu.vector_store %arg15[%swap3A_1778], %sub3A_1771 {strides = array<i32>} : memref<3072xf32, #tpu.memory_space<vmem>>, vector<16xf32>,
      %mul3A_1780 = arith.constant 80 : i32
      %mul3A_1781 = arith.muli %scan3A_600, %mul3A_1780 : i32
      %add3A_1782 = arith.constant 64 : i32
      %add3A_1783 = arith.addi %mul3A_1781, %add3A_1782 : i32
      %get3A_1784 = arith.index_cast %add3A_1783 : i32 to index
      %get3A_1785 = arith.constant 0 : index
      %get3A_1786 = tpu.vector_load %arg13[%get3A_1784, %get3A_1785] {strides = array<i32>} : memref<2560x32xf32, #tpu.memory_space<vmem>>, vector<16xf32>,
      %mul3A_1787 = arith.mulf %get3A_1786, %get3A_648 : vector<16xf32>
      %get3A_1788 = arith.index_cast %add3A_1783 : i32 to index
      %get3A_1789 = arith.constant 16 : index
      %get3A_1790 = tpu.vector_load %arg13[%get3A_1788, %get3A_1789] {strides = array<i32>} : memref<2560x32xf32, #tpu.memory_space<vmem>>, vector<16xf32>,
      %mul3A_1791 = arith.mulf %get3A_1790, %get3A_655 : vector<16xf32>
      %add3A_1792 = arith.addf %mul3A_1787, %mul3A_1791 : vector<16xf32>
      %swap3A_1793 = arith.constant 0 : index
      %swap3A_1794 = tpu.vector_load %arg14[%swap3A_1793] {strides = array<i32>} : memref<256xf32, #tpu.memory_space<vmem>>, vector<16xf32>,
      tpu.vector_store %arg14[%swap3A_1793], %add3A_1792 {strides = array<i32>} : memref<256xf32, #tpu.memory_space<vmem>>, vector<16xf32>,
      %mul3A_1795 = arith.constant 80 : i32
      %mul3A_1796 = arith.muli %scan3A_600, %mul3A_1795 : i32
      %add3A_1797 = arith.constant 65 : i32
      %add3A_1798 = arith.addi %mul3A_1796, %add3A_1797 : i32
      %get3A_1799 = arith.index_cast %add3A_1798 : i32 to index
      %get3A_1800 = arith.constant 0 : index
      %get3A_1801 = tpu.vector_load %arg13[%get3A_1799, %get3A_1800] {strides = array<i32>} : memref<2560x32xf32, #tpu.memory_space<vmem>>, vector<16xf32>,
      %mul3A_1802 = arith.mulf %get3A_1801, %get3A_648 : vector<16xf32>
      %get3A_1803 = arith.index_cast %add3A_1798 : i32 to index
      %get3A_1804 = arith.constant 16 : index
      %get3A_1805 = tpu.vector_load %arg13[%get3A_1803, %get3A_1804] {strides = array<i32>} : memref<2560x32xf32, #tpu.memory_space<vmem>>, vector<16xf32>,
      %mul3A_1806 = arith.mulf %get3A_1805, %get3A_655 : vector<16xf32>
      %add3A_1807 = arith.addf %mul3A_1802, %mul3A_1806 : vector<16xf32>
      %swap3A_1808 = arith.constant 16 : index
      %swap3A_1809 = tpu.vector_load %arg14[%swap3A_1808] {strides = array<i32>} : memref<256xf32, #tpu.memory_space<vmem>>, vector<16xf32>,
      tpu.vector_store %arg14[%swap3A_1808], %add3A_1807 {strides = array<i32>} : memref<256xf32, #tpu.memory_space<vmem>>, vector<16xf32>,
      %mul3A_1810 = arith.constant 80 : i32
      %mul3A_1811 = arith.muli %scan3A_600, %mul3A_1810 : i32
      %add3A_1812 = arith.constant 66 : i32
      %add3A_1813 = arith.addi %mul3A_1811, %add3A_1812 : i32
      %get3A_1814 = arith.index_cast %add3A_1813 : i32 to index
      %get3A_1815 = arith.constant 0 : index
      %get3A_1816 = tpu.vector_load %arg13[%get3A_1814, %get3A_1815] {strides = array<i32>} : memref<2560x32xf32, #tpu.memory_space<vmem>>, vector<16xf32>,
      %mul3A_1817 = arith.mulf %get3A_1816, %get3A_648 : vector<16xf32>
      %get3A_1818 = arith.index_cast %add3A_1813 : i32 to index
      %get3A_1819 = arith.constant 16 : index
      %get3A_1820 = tpu.vector_load %arg13[%get3A_1818, %get3A_1819] {strides = array<i32>} : memref<2560x32xf32, #tpu.memory_space<vmem>>, vector<16xf32>,
      %mul3A_1821 = arith.mulf %get3A_1820, %get3A_655 : vector<16xf32>
      %add3A_1822 = arith.addf %mul3A_1817, %mul3A_1821 : vector<16xf32>
      %swap3A_1823 = arith.constant 32 : index
      %swap3A_1824 = tpu.vector_load %arg14[%swap3A_1823] {strides = array<i32>} : memref<256xf32, #tpu.memory_space<vmem>>, vector<16xf32>,
      tpu.vector_store %arg14[%swap3A_1823], %add3A_1822 {strides = array<i32>} : memref<256xf32, #tpu.memory_space<vmem>>, vector<16xf32>,
      %mul3A_1825 = arith.constant 80 : i32
      %mul3A_1826 = arith.muli %scan3A_600, %mul3A_1825 : i32
      %add3A_1827 = arith.constant 67 : i32
      %add3A_1828 = arith.addi %mul3A_1826, %add3A_1827 : i32
      %get3A_1829 = arith.index_cast %add3A_1828 : i32 to index
      %get3A_1830 = arith.constant 0 : index
      %get3A_1831 = tpu.vector_load %arg13[%get3A_1829, %get3A_1830] {strides = array<i32>} : memref<2560x32xf32, #tpu.memory_space<vmem>>, vector<16xf32>,
      %mul3A_1832 = arith.mulf %get3A_1831, %get3A_648 : vector<16xf32>
      %get3A_1833 = arith.index_cast %add3A_1828 : i32 to index
      %get3A_1834 = arith.constant 16 : index
      %get3A_1835 = tpu.vector_load %arg13[%get3A_1833, %get3A_1834] {strides = array<i32>} : memref<2560x32xf32, #tpu.memory_space<vmem>>, vector<16xf32>,
      %mul3A_1836 = arith.mulf %get3A_1835, %get3A_655 : vector<16xf32>
      %add3A_1837 = arith.addf %mul3A_1832, %mul3A_1836 : vector<16xf32>
      %swap3A_1838 = arith.constant 48 : index
      %swap3A_1839 = tpu.vector_load %arg14[%swap3A_1838] {strides = array<i32>} : memref<256xf32, #tpu.memory_space<vmem>>, vector<16xf32>,
      tpu.vector_store %arg14[%swap3A_1838], %add3A_1837 {strides = array<i32>} : memref<256xf32, #tpu.memory_space<vmem>>, vector<16xf32>,
      %mul3A_1840 = arith.constant 80 : i32
      %mul3A_1841 = arith.muli %scan3A_600, %mul3A_1840 : i32
      %add3A_1842 = arith.constant 68 : i32
      %add3A_1843 = arith.addi %mul3A_1841, %add3A_1842 : i32
      %get3A_1844 = arith.index_cast %add3A_1843 : i32 to index
      %get3A_1845 = arith.constant 0 : index
      %get3A_1846 = tpu.vector_load %arg13[%get3A_1844, %get3A_1845] {strides = array<i32>} : memref<2560x32xf32, #tpu.memory_space<vmem>>, vector<16xf32>,
      %mul3A_1847 = arith.mulf %get3A_1846, %get3A_648 : vector<16xf32>
      %get3A_1848 = arith.index_cast %add3A_1843 : i32 to index
      %get3A_1849 = arith.constant 16 : index
      %get3A_1850 = tpu.vector_load %arg13[%get3A_1848, %get3A_1849] {strides = array<i32>} : memref<2560x32xf32, #tpu.memory_space<vmem>>, vector<16xf32>,
      %mul3A_1851 = arith.mulf %get3A_1850, %get3A_655 : vector<16xf32>
      %add3A_1852 = arith.addf %mul3A_1847, %mul3A_1851 : vector<16xf32>
      %swap3A_1853 = arith.constant 64 : index
      %swap3A_1854 = tpu.vector_load %arg14[%swap3A_1853] {strides = array<i32>} : memref<256xf32, #tpu.memory_space<vmem>>, vector<16xf32>,
      tpu.vector_store %arg14[%swap3A_1853], %add3A_1852 {strides = array<i32>} : memref<256xf32, #tpu.memory_space<vmem>>, vector<16xf32>,
      %mul3A_1855 = arith.constant 80 : i32
      %mul3A_1856 = arith.muli %scan3A_600, %mul3A_1855 : i32
      %add3A_1857 = arith.constant 69 : i32
      %add3A_1858 = arith.addi %mul3A_1856, %add3A_1857 : i32
      %get3A_1859 = arith.index_cast %add3A_1858 : i32 to index
      %get3A_1860 = arith.constant 0 : index
      %get3A_1861 = tpu.vector_load %arg13[%get3A_1859, %get3A_1860] {strides = array<i32>} : memref<2560x32xf32, #tpu.memory_space<vmem>>, vector<16xf32>,
      %mul3A_1862 = arith.mulf %get3A_1861, %get3A_648 : vector<16xf32>
      %get3A_1863 = arith.index_cast %add3A_1858 : i32 to index
      %get3A_1864 = arith.constant 16 : index
      %get3A_1865 = tpu.vector_load %arg13[%get3A_1863, %get3A_1864] {strides = array<i32>} : memref<2560x32xf32, #tpu.memory_space<vmem>>, vector<16xf32>,
      %mul3A_1866 = arith.mulf %get3A_1865, %get3A_655 : vector<16xf32>
      %add3A_1867 = arith.addf %mul3A_1862, %mul3A_1866 : vector<16xf32>
      %swap3A_1868 = arith.constant 80 : index
      %swap3A_1869 = tpu.vector_load %arg14[%swap3A_1868] {strides = array<i32>} : memref<256xf32, #tpu.memory_space<vmem>>, vector<16xf32>,
      tpu.vector_store %arg14[%swap3A_1868], %add3A_1867 {strides = array<i32>} : memref<256xf32, #tpu.memory_space<vmem>>, vector<16xf32>,
      %mul3A_1870 = arith.constant 80 : i32
      %mul3A_1871 = arith.muli %scan3A_600, %mul3A_1870 : i32
      %add3A_1872 = arith.constant 70 : i32
      %add3A_1873 = arith.addi %mul3A_1871, %add3A_1872 : i32
      %get3A_1874 = arith.index_cast %add3A_1873 : i32 to index
      %get3A_1875 = arith.constant 0 : index
      %get3A_1876 = tpu.vector_load %arg13[%get3A_1874, %get3A_1875] {strides = array<i32>} : memref<2560x32xf32, #tpu.memory_space<vmem>>, vector<16xf32>,
      %mul3A_1877 = arith.mulf %get3A_1876, %get3A_648 : vector<16xf32>
      %get3A_1878 = arith.index_cast %add3A_1873 : i32 to index
      %get3A_1879 = arith.constant 16 : index
      %get3A_1880 = tpu.vector_load %arg13[%get3A_1878, %get3A_1879] {strides = array<i32>} : memref<2560x32xf32, #tpu.memory_space<vmem>>, vector<16xf32>,
      %mul3A_1881 = arith.mulf %get3A_1880, %get3A_655 : vector<16xf32>
      %add3A_1882 = arith.addf %mul3A_1877, %mul3A_1881 : vector<16xf32>
      %swap3A_1883 = arith.constant 96 : index
      %swap3A_1884 = tpu.vector_load %arg14[%swap3A_1883] {strides = array<i32>} : memref<256xf32, #tpu.memory_space<vmem>>, vector<16xf32>,
      tpu.vector_store %arg14[%swap3A_1883], %add3A_1882 {strides = array<i32>} : memref<256xf32, #tpu.memory_space<vmem>>, vector<16xf32>,
      %mul3A_1885 = arith.constant 80 : i32
      %mul3A_1886 = arith.muli %scan3A_600, %mul3A_1885 : i32
      %add3A_1887 = arith.constant 71 : i32
      %add3A_1888 = arith.addi %mul3A_1886, %add3A_1887 : i32
      %get3A_1889 = arith.index_cast %add3A_1888 : i32 to index
      %get3A_1890 = arith.constant 0 : index
      %get3A_1891 = tpu.vector_load %arg13[%get3A_1889, %get3A_1890] {strides = array<i32>} : memref<2560x32xf32, #tpu.memory_space<vmem>>, vector<16xf32>,
      %mul3A_1892 = arith.mulf %get3A_1891, %get3A_648 : vector<16xf32>
      %get3A_1893 = arith.index_cast %add3A_1888 : i32 to index
      %get3A_1894 = arith.constant 16 : index
      %get3A_1895 = tpu.vector_load %arg13[%get3A_1893, %get3A_1894] {strides = array<i32>} : memref<2560x32xf32, #tpu.memory_space<vmem>>, vector<16xf32>,
      %mul3A_1896 = arith.mulf %get3A_1895, %get3A_655 : vector<16xf32>
      %add3A_1897 = arith.addf %mul3A_1892, %mul3A_1896 : vector<16xf32>
      %swap3A_1898 = arith.constant 112 : index
      %swap3A_1899 = tpu.vector_load %arg14[%swap3A_1898] {strides = array<i32>} : memref<256xf32, #tpu.memory_space<vmem>>, vector<16xf32>,
      tpu.vector_store %arg14[%swap3A_1898], %add3A_1897 {strides = array<i32>} : memref<256xf32, #tpu.memory_space<vmem>>, vector<16xf32>,
      %mul3A_1900 = arith.constant 80 : i32
      %mul3A_1901 = arith.muli %scan3A_600, %mul3A_1900 : i32
      %add3A_1902 = arith.constant 72 : i32
      %add3A_1903 = arith.addi %mul3A_1901, %add3A_1902 : i32
      %get3A_1904 = arith.index_cast %add3A_1903 : i32 to index
      %get3A_1905 = arith.constant 0 : index
      %get3A_1906 = tpu.vector_load %arg13[%get3A_1904, %get3A_1905] {strides = array<i32>} : memref<2560x32xf32, #tpu.memory_space<vmem>>, vector<16xf32>,
      %mul3A_1907 = arith.mulf %get3A_1906, %get3A_648 : vector<16xf32>
      %get3A_1908 = arith.index_cast %add3A_1903 : i32 to index
      %get3A_1909 = arith.constant 16 : index
      %get3A_1910 = tpu.vector_load %arg13[%get3A_1908, %get3A_1909] {strides = array<i32>} : memref<2560x32xf32, #tpu.memory_space<vmem>>, vector<16xf32>,
      %mul3A_1911 = arith.mulf %get3A_1910, %get3A_655 : vector<16xf32>
      %add3A_1912 = arith.addf %mul3A_1907, %mul3A_1911 : vector<16xf32>
      %swap3A_1913 = arith.constant 128 : index
      %swap3A_1914 = tpu.vector_load %arg14[%swap3A_1913] {strides = array<i32>} : memref<256xf32, #tpu.memory_space<vmem>>, vector<16xf32>,
      tpu.vector_store %arg14[%swap3A_1913], %add3A_1912 {strides = array<i32>} : memref<256xf32, #tpu.memory_space<vmem>>, vector<16xf32>,
      %mul3A_1915 = arith.constant 80 : i32
      %mul3A_1916 = arith.muli %scan3A_600, %mul3A_1915 : i32
      %add3A_1917 = arith.constant 73 : i32
      %add3A_1918 = arith.addi %mul3A_1916, %add3A_1917 : i32
      %get3A_1919 = arith.index_cast %add3A_1918 : i32 to index
      %get3A_1920 = arith.constant 0 : index
      %get3A_1921 = tpu.vector_load %arg13[%get3A_1919, %get3A_1920] {strides = array<i32>} : memref<2560x32xf32, #tpu.memory_space<vmem>>, vector<16xf32>,
      %mul3A_1922 = arith.mulf %get3A_1921, %get3A_648 : vector<16xf32>
      %get3A_1923 = arith.index_cast %add3A_1918 : i32 to index
      %get3A_1924 = arith.constant 16 : index
      %get3A_1925 = tpu.vector_load %arg13[%get3A_1923, %get3A_1924] {strides = array<i32>} : memref<2560x32xf32, #tpu.memory_space<vmem>>, vector<16xf32>,
      %mul3A_1926 = arith.mulf %get3A_1925, %get3A_655 : vector<16xf32>
      %add3A_1927 = arith.addf %mul3A_1922, %mul3A_1926 : vector<16xf32>
      %swap3A_1928 = arith.constant 144 : index
      %swap3A_1929 = tpu.vector_load %arg14[%swap3A_1928] {strides = array<i32>} : memref<256xf32, #tpu.memory_space<vmem>>, vector<16xf32>,
      tpu.vector_store %arg14[%swap3A_1928], %add3A_1927 {strides = array<i32>} : memref<256xf32, #tpu.memory_space<vmem>>, vector<16xf32>,
      %mul3A_1930 = arith.constant 80 : i32
      %mul3A_1931 = arith.muli %scan3A_600, %mul3A_1930 : i32
      %add3A_1932 = arith.constant 74 : i32
      %add3A_1933 = arith.addi %mul3A_1931, %add3A_1932 : i32
      %get3A_1934 = arith.index_cast %add3A_1933 : i32 to index
      %get3A_1935 = arith.constant 0 : index
      %get3A_1936 = tpu.vector_load %arg13[%get3A_1934, %get3A_1935] {strides = array<i32>} : memref<2560x32xf32, #tpu.memory_space<vmem>>, vector<16xf32>,
      %mul3A_1937 = arith.mulf %get3A_1936, %get3A_648 : vector<16xf32>
      %get3A_1938 = arith.index_cast %add3A_1933 : i32 to index
      %get3A_1939 = arith.constant 16 : index
      %get3A_1940 = tpu.vector_load %arg13[%get3A_1938, %get3A_1939] {strides = array<i32>} : memref<2560x32xf32, #tpu.memory_space<vmem>>, vector<16xf32>,
      %mul3A_1941 = arith.mulf %get3A_1940, %get3A_655 : vector<16xf32>
      %add3A_1942 = arith.addf %mul3A_1937, %mul3A_1941 : vector<16xf32>
      %swap3A_1943 = arith.constant 160 : index
      %swap3A_1944 = tpu.vector_load %arg14[%swap3A_1943] {strides = array<i32>} : memref<256xf32, #tpu.memory_space<vmem>>, vector<16xf32>,
      tpu.vector_store %arg14[%swap3A_1943], %add3A_1942 {strides = array<i32>} : memref<256xf32, #tpu.memory_space<vmem>>, vector<16xf32>,
      %mul3A_1945 = arith.constant 80 : i32
      %mul3A_1946 = arith.muli %scan3A_600, %mul3A_1945 : i32
      %add3A_1947 = arith.constant 75 : i32
      %add3A_1948 = arith.addi %mul3A_1946, %add3A_1947 : i32
      %get3A_1949 = arith.index_cast %add3A_1948 : i32 to index
      %get3A_1950 = arith.constant 0 : index
      %get3A_1951 = tpu.vector_load %arg13[%get3A_1949, %get3A_1950] {strides = array<i32>} : memref<2560x32xf32, #tpu.memory_space<vmem>>, vector<16xf32>,
      %mul3A_1952 = arith.mulf %get3A_1951, %get3A_648 : vector<16xf32>
      %get3A_1953 = arith.index_cast %add3A_1948 : i32 to index
      %get3A_1954 = arith.constant 16 : index
      %get3A_1955 = tpu.vector_load %arg13[%get3A_1953, %get3A_1954] {strides = array<i32>} : memref<2560x32xf32, #tpu.memory_space<vmem>>, vector<16xf32>,
      %mul3A_1956 = arith.mulf %get3A_1955, %get3A_655 : vector<16xf32>
      %add3A_1957 = arith.addf %mul3A_1952, %mul3A_1956 : vector<16xf32>
      %swap3A_1958 = arith.constant 176 : index
      %swap3A_1959 = tpu.vector_load %arg14[%swap3A_1958] {strides = array<i32>} : memref<256xf32, #tpu.memory_space<vmem>>, vector<16xf32>,
      tpu.vector_store %arg14[%swap3A_1958], %add3A_1957 {strides = array<i32>} : memref<256xf32, #tpu.memory_space<vmem>>, vector<16xf32>,
      %mul3A_1960 = arith.constant 80 : i32
      %mul3A_1961 = arith.muli %scan3A_600, %mul3A_1960 : i32
      %add3A_1962 = arith.constant 76 : i32
      %add3A_1963 = arith.addi %mul3A_1961, %add3A_1962 : i32
      %get3A_1964 = arith.index_cast %add3A_1963 : i32 to index
      %get3A_1965 = arith.constant 0 : index
      %get3A_1966 = tpu.vector_load %arg13[%get3A_1964, %get3A_1965] {strides = array<i32>} : memref<2560x32xf32, #tpu.memory_space<vmem>>, vector<16xf32>,
      %mul3A_1967 = arith.mulf %get3A_1966, %get3A_648 : vector<16xf32>
      %get3A_1968 = arith.index_cast %add3A_1963 : i32 to index
      %get3A_1969 = arith.constant 16 : index
      %get3A_1970 = tpu.vector_load %arg13[%get3A_1968, %get3A_1969] {strides = array<i32>} : memref<2560x32xf32, #tpu.memory_space<vmem>>, vector<16xf32>,
      %mul3A_1971 = arith.mulf %get3A_1970, %get3A_655 : vector<16xf32>
      %add3A_1972 = arith.addf %mul3A_1967, %mul3A_1971 : vector<16xf32>
      %swap3A_1973 = arith.constant 192 : index
      %swap3A_1974 = tpu.vector_load %arg14[%swap3A_1973] {strides = array<i32>} : memref<256xf32, #tpu.memory_space<vmem>>, vector<16xf32>,
      tpu.vector_store %arg14[%swap3A_1973], %add3A_1972 {strides = array<i32>} : memref<256xf32, #tpu.memory_space<vmem>>, vector<16xf32>,
      %mul3A_1975 = arith.constant 80 : i32
      %mul3A_1976 = arith.muli %scan3A_600, %mul3A_1975 : i32
      %add3A_1977 = arith.constant 77 : i32
      %add3A_1978 = arith.addi %mul3A_1976, %add3A_1977 : i32
      %get3A_1979 = arith.index_cast %add3A_1978 : i32 to index
      %get3A_1980 = arith.constant 0 : index
      %get3A_1981 = tpu.vector_load %arg13[%get3A_1979, %get3A_1980] {strides = array<i32>} : memref<2560x32xf32, #tpu.memory_space<vmem>>, vector<16xf32>,
      %mul3A_1982 = arith.mulf %get3A_1981, %get3A_648 : vector<16xf32>
      %get3A_1983 = arith.index_cast %add3A_1978 : i32 to index
      %get3A_1984 = arith.constant 16 : index
      %get3A_1985 = tpu.vector_load %arg13[%get3A_1983, %get3A_1984] {strides = array<i32>} : memref<2560x32xf32, #tpu.memory_space<vmem>>, vector<16xf32>,
      %mul3A_1986 = arith.mulf %get3A_1985, %get3A_655 : vector<16xf32>
      %add3A_1987 = arith.addf %mul3A_1982, %mul3A_1986 : vector<16xf32>
      %swap3A_1988 = arith.constant 208 : index
      %swap3A_1989 = tpu.vector_load %arg14[%swap3A_1988] {strides = array<i32>} : memref<256xf32, #tpu.memory_space<vmem>>, vector<16xf32>,
      tpu.vector_store %arg14[%swap3A_1988], %add3A_1987 {strides = array<i32>} : memref<256xf32, #tpu.memory_space<vmem>>, vector<16xf32>,
      %mul3A_1990 = arith.constant 80 : i32
      %mul3A_1991 = arith.muli %scan3A_600, %mul3A_1990 : i32
      %add3A_1992 = arith.constant 78 : i32
      %add3A_1993 = arith.addi %mul3A_1991, %add3A_1992 : i32
      %get3A_1994 = arith.index_cast %add3A_1993 : i32 to index
      %get3A_1995 = arith.constant 0 : index
      %get3A_1996 = tpu.vector_load %arg13[%get3A_1994, %get3A_1995] {strides = array<i32>} : memref<2560x32xf32, #tpu.memory_space<vmem>>, vector<16xf32>,
      %mul3A_1997 = arith.mulf %get3A_1996, %get3A_648 : vector<16xf32>
      %get3A_1998 = arith.index_cast %add3A_1993 : i32 to index
      %get3A_1999 = arith.constant 16 : index
      %get3A_2000 = tpu.vector_load %arg13[%get3A_1998, %get3A_1999] {strides = array<i32>} : memref<2560x32xf32, #tpu.memory_space<vmem>>, vector<16xf32>,
      %mul3A_2001 = arith.mulf %get3A_2000, %get3A_655 : vector<16xf32>
      %add3A_2002 = arith.addf %mul3A_1997, %mul3A_2001 : vector<16xf32>
      %swap3A_2003 = arith.constant 224 : index
      %swap3A_2004 = tpu.vector_load %arg14[%swap3A_2003] {strides = array<i32>} : memref<256xf32, #tpu.memory_space<vmem>>, vector<16xf32>,
      tpu.vector_store %arg14[%swap3A_2003], %add3A_2002 {strides = array<i32>} : memref<256xf32, #tpu.memory_space<vmem>>, vector<16xf32>,
      %mul3A_2005 = arith.constant 80 : i32
      %mul3A_2006 = arith.muli %scan3A_600, %mul3A_2005 : i32
      %add3A_2007 = arith.constant 79 : i32
      %add3A_2008 = arith.addi %mul3A_2006, %add3A_2007 : i32
      %get3A_2009 = arith.index_cast %add3A_2008 : i32 to index
      %get3A_2010 = arith.constant 0 : index
      %get3A_2011 = tpu.vector_load %arg13[%get3A_2009, %get3A_2010] {strides = array<i32>} : memref<2560x32xf32, #tpu.memory_space<vmem>>, vector<16xf32>,
      %mul3A_2012 = arith.mulf %get3A_2011, %get3A_648 : vector<16xf32>
      %get3A_2013 = arith.index_cast %add3A_2008 : i32 to index
      %get3A_2014 = arith.constant 16 : index
      %get3A_2015 = tpu.vector_load %arg13[%get3A_2013, %get3A_2014] {strides = array<i32>} : memref<2560x32xf32, #tpu.memory_space<vmem>>, vector<16xf32>,
      %mul3A_2016 = arith.mulf %get3A_2015, %get3A_655 : vector<16xf32>
      %add3A_2017 = arith.addf %mul3A_2012, %mul3A_2016 : vector<16xf32>
      %swap3A_2018 = arith.constant 240 : index
      %swap3A_2019 = tpu.vector_load %arg14[%swap3A_2018] {strides = array<i32>} : memref<256xf32, #tpu.memory_space<vmem>>, vector<16xf32>,
      tpu.vector_store %arg14[%swap3A_2018], %add3A_2017 {strides = array<i32>} : memref<256xf32, #tpu.memory_space<vmem>>, vector<16xf32>,
      %broadcast_in_dim3A_2020 = arith.constant 0.000000e+00 : f32
      %broadcast_in_dim3A_2021 = vector.broadcast %broadcast_in_dim3A_2020 : f32 to vector<16xf32>
      %gather3A_2022 = tpu.vector_load_idx %arg14[%add3A_498] : memref<256xf32, #tpu.memory_space<vmem>>[vector<16xi32>], vector<16xf32>,
      %sub3A_2023 = arith.subf %broadcast_in_dim3A_2021, %gather3A_2022 : vector<16xf32>
      %gather3A_2024 = tpu.vector_load_idx %arg14[%add3A_504] : memref<256xf32, #tpu.memory_space<vmem>>[vector<16xi32>], vector<16xf32>,
      %sub3A_2025 = arith.subf %sub3A_2023, %gather3A_2024 : vector<16xf32>
      %gather3A_2026 = tpu.vector_load_idx %arg14[%add3A_510] : memref<256xf32, #tpu.memory_space<vmem>>[vector<16xi32>], vector<16xf32>,
      %sub3A_2027 = arith.subf %sub3A_2025, %gather3A_2026 : vector<16xf32>
      %gather3A_2028 = tpu.vector_load_idx %arg14[%add3A_516] : memref<256xf32, #tpu.memory_space<vmem>>[vector<16xi32>], vector<16xf32>,
      %sub3A_2029 = arith.subf %sub3A_2027, %gather3A_2028 : vector<16xf32>
      %gather3A_2030 = tpu.vector_load_idx %arg14[%add3A_522] : memref<256xf32, #tpu.memory_space<vmem>>[vector<16xi32>], vector<16xf32>,
      %sub3A_2031 = arith.subf %sub3A_2029, %gather3A_2030 : vector<16xf32>
      %gather3A_2032 = tpu.vector_load_idx %arg14[%add3A_528] : memref<256xf32, #tpu.memory_space<vmem>>[vector<16xi32>], vector<16xf32>,
      %sub3A_2033 = arith.subf %sub3A_2031, %gather3A_2032 : vector<16xf32>
      %gather3A_2034 = tpu.vector_load_idx %arg14[%add3A_534] : memref<256xf32, #tpu.memory_space<vmem>>[vector<16xi32>], vector<16xf32>,
      %sub3A_2035 = arith.subf %sub3A_2033, %gather3A_2034 : vector<16xf32>
      %gather3A_2036 = tpu.vector_load_idx %arg14[%add3A_540] : memref<256xf32, #tpu.memory_space<vmem>>[vector<16xi32>], vector<16xf32>,
      %sub3A_2037 = arith.subf %sub3A_2035, %gather3A_2036 : vector<16xf32>
      %gather3A_2038 = tpu.vector_load_idx %arg14[%add3A_546] : memref<256xf32, #tpu.memory_space<vmem>>[vector<16xi32>], vector<16xf32>,
      %sub3A_2039 = arith.subf %sub3A_2037, %gather3A_2038 : vector<16xf32>
      %gather3A_2040 = tpu.vector_load_idx %arg14[%add3A_552] : memref<256xf32, #tpu.memory_space<vmem>>[vector<16xi32>], vector<16xf32>,
      %sub3A_2041 = arith.subf %sub3A_2039, %gather3A_2040 : vector<16xf32>
      %gather3A_2042 = tpu.vector_load_idx %arg14[%add3A_558] : memref<256xf32, #tpu.memory_space<vmem>>[vector<16xi32>], vector<16xf32>,
      %sub3A_2043 = arith.subf %sub3A_2041, %gather3A_2042 : vector<16xf32>
      %gather3A_2044 = tpu.vector_load_idx %arg14[%add3A_564] : memref<256xf32, #tpu.memory_space<vmem>>[vector<16xi32>], vector<16xf32>,
      %sub3A_2045 = arith.subf %sub3A_2043, %gather3A_2044 : vector<16xf32>
      %gather3A_2046 = tpu.vector_load_idx %arg14[%add3A_570] : memref<256xf32, #tpu.memory_space<vmem>>[vector<16xi32>], vector<16xf32>,
      %sub3A_2047 = arith.subf %sub3A_2045, %gather3A_2046 : vector<16xf32>
      %gather3A_2048 = tpu.vector_load_idx %arg14[%add3A_576] : memref<256xf32, #tpu.memory_space<vmem>>[vector<16xi32>], vector<16xf32>,
      %sub3A_2049 = arith.subf %sub3A_2047, %gather3A_2048 : vector<16xf32>
      %gather3A_2050 = tpu.vector_load_idx %arg14[%add3A_582] : memref<256xf32, #tpu.memory_space<vmem>>[vector<16xi32>], vector<16xf32>,
      %sub3A_2051 = arith.subf %sub3A_2049, %gather3A_2050 : vector<16xf32>
      %gather3A_2052 = tpu.vector_load_idx %arg14[%add3A_588] : memref<256xf32, #tpu.memory_space<vmem>>[vector<16xi32>], vector<16xf32>,
      %sub3A_2053 = arith.subf %sub3A_2051, %gather3A_2052 : vector<16xf32>
      %mul3A_2054 = arith.constant 80 : i32
      %mul3A_2055 = arith.muli %scan3A_600, %mul3A_2054 : i32
      %add3A_2056 = arith.constant 512 : i32
      %add3A_2057 = arith.addi %add3A_2056, %mul3A_2055 : i32
      %add3A_2058 = arith.constant 64 : i32
      %add3A_2059 = arith.addi %add3A_2057, %add3A_2058 : i32
      %swap3A_2060 = arith.index_cast %add3A_2059 : i32 to index
      %swap3A_2061 = tpu.vector_load %arg15[%swap3A_2060] {strides = array<i32>} : memref<3072xf32, #tpu.memory_space<vmem>>, vector<16xf32>,
      tpu.vector_store %arg15[%swap3A_2060], %sub3A_2053 {strides = array<i32>} : memref<3072xf32, #tpu.memory_space<vmem>>, vector<16xf32>,
    }
    %scan3A_599 = arith.constant 32 : i32
    "tpu.region"() ({
      %run_scoped3A = tpu.sem_alloc : memref<!tpu.dma_semaphore, #tpu.memory_space<semaphore_mem>>
      %dma_start3A_600 = arith.constant 0 : i32
      %dma_start3A_601 = tpu.memref_slice %arg7[%add3A, %dma_start3A_600] : memref<32x3072xf32, #tpu.memory_space<hbm>> -> memref<1x3072xf32, #tpu.memory_space<hbm>>
      %dma_start3A_602 = tpu.memref_squeeze %dma_start3A_601 : memref<1x3072xf32, #tpu.memory_space<hbm>> -> memref<3072xf32, #tpu.memory_space<hbm>>
      %dma_start3A_603 = arith.constant 0 : i32
      %dma_start3A_604 = tpu.memref_slice %arg7[%add3A, %dma_start3A_603] : memref<32x3072xf32, #tpu.memory_space<hbm>> -> memref<1x3072xf32, #tpu.memory_space<hbm>>
      %dma_start3A_605 = tpu.memref_squeeze %dma_start3A_604 : memref<1x3072xf32, #tpu.memory_space<hbm>> -> memref<3072xf32, #tpu.memory_space<hbm>>
      tpu.enqueue_dma source(%arg15 : memref<3072xf32, #tpu.memory_space<vmem>>) target(%dma_start3A_605 : memref<3072xf32, #tpu.memory_space<hbm>>) target_semaphore(%run_scoped3A : memref<!tpu.dma_semaphore, #tpu.memory_space<semaphore_mem>>)
      %dma_wait3A_606 = arith.constant 0 : i32
      %dma_wait3A_607 = tpu.memref_slice %arg7[%add3A, %dma_wait3A_606] : memref<32x3072xf32, #tpu.memory_space<hbm>> -> memref<1x3072xf32, #tpu.memory_space<hbm>>
      %dma_wait3A_608 = tpu.memref_squeeze %dma_wait3A_607 : memref<1x3072xf32, #tpu.memory_space<hbm>> -> memref<3072xf32, #tpu.memory_space<hbm>>
      %dma_wait3A_609 = arith.constant 0 : i32
      %dma_wait3A_610 = tpu.memref_slice %arg7[%add3A, %dma_wait3A_609] : memref<32x3072xf32, #tpu.memory_space<hbm>> -> memref<1x3072xf32, #tpu.memory_space<hbm>>
      %dma_wait3A_611 = tpu.memref_squeeze %dma_wait3A_610 : memref<1x3072xf32, #tpu.memory_space<hbm>> -> memref<3072xf32, #tpu.memory_space<hbm>>
      tpu.wait_dma2 semaphore(%run_scoped3A : memref<!tpu.dma_semaphore, #tpu.memory_space<semaphore_mem>>) src(%arg15 : memref<3072xf32, #tpu.memory_space<vmem>>) dst(%dma_wait3A_611 : memref<3072xf32, #tpu.memory_space<hbm>>)
      tpu.yield
    }) : () -> ()
    return
  }
}

module attributes {stable_mosaic.version = 14 : i64} {
  func.func @_tc_loss_kernel(%arg0: memref<32x3072xf32, #tpu.memory_space<vmem>>, %arg1: memref<1x1xf32, #tpu.memory_space<vmem>>) attributes {dimension_semantics = [], scalar_prefetch = 0 : i64, scratch_operands = 0 : i64, tpu.core_type = #tpu.core_type<tc>} {
    %get3A = arith.constant 0 : index
    %get3A_0 = arith.constant 0 : index
    %get3A_1 = vector.load %arg0[%get3A, %get3A_0] : memref<32x3072xf32, #tpu.memory_space<vmem>>, vector<32x3072xf32>
    %min3A = arith.constant 0.000000e+00 : f32
    %min3A_2 = vector.broadcast %min3A : f32 to vector<32x3072xf32>
    %min3A_3 = arith.minimumf %get3A_1, %min3A_2 : vector<32x3072xf32>
    %abs3A = math.absf %get3A_1 : vector<32x3072xf32>
    %neg3A = arith.constant 0.000000e+00 : f32
    %neg3A_4 = vector.broadcast %neg3A : f32 to vector<32x3072xf32>
    %neg3A_5 = arith.subf %neg3A_4, %abs3A : vector<32x3072xf32>
    %exp3A = math.exp %neg3A_5 : vector<32x3072xf32>
    %log1p3A = math.log1p %exp3A : vector<32x3072xf32>
    %sub3A = arith.subf %min3A_3, %log1p3A : vector<32x3072xf32>
    %reduce_sum3A = vector.shape_cast %sub3A : vector<32x3072xf32> to vector<1x32x3072xf32>
    %reduce_sum3A_6 = arith.constant dense<0.000000e+00> : vector<1xf32>
    %reduce_sum3A_7 = vector.multi_reduction <add>, %reduce_sum3A, %reduce_sum3A_6 [1, 2] : vector<1x32x3072xf32> to vector<1xf32>
    %reduce_sum3A_8 = vector.shape_cast %reduce_sum3A_7 : vector<1xf32> to vector<1x1x1xf32>
    %reduce_sum3A_9 = vector.extract %reduce_sum3A_8[0, 0, 0] : f32 from vector<1x1x1xf32>
    %neg3A_10 = arith.constant 0.000000e+00 : f32
    %neg3A_11 = arith.subf %neg3A_10, %reduce_sum3A_9 : f32
    %div3A = arith.constant 4.096000e+03 : f32
    %div3A_12 = arith.divf %neg3A_11, %div3A : f32
    %reshape3A = vector.broadcast %div3A_12 : f32 to vector<1x1xf32>
    %swap3A = arith.constant 0 : index
    %swap3A_13 = arith.constant 0 : index
    %swap3A_14 = vector.load %arg1[%swap3A, %swap3A_13] : memref<1x1xf32, #tpu.memory_space<vmem>>, vector<1x1xf32>
    tpu.vector_store %arg1[%swap3A, %swap3A_13], %reshape3A {strides = array<i32>} : memref<1x1xf32, #tpu.memory_space<vmem>>, vector<1x1xf32>,
    return
  }
}

</mosaic_0001>

<sc_bundles>
// kernel: kernel.4.cloned.1.call-start
scs
__scs_entry_jumppad:
0x0: {  	(pc) =	sbr.rel $0x88, $3  }
0x1: {  	(tag) =	ssettag $0x0;
	lr =	simm.s32 $0x1  }
0x2: {  	[smem:$0x3F9C] =	sst lr;
	_ =	strace $0xD0000000  }
0x3: {  	_ = 	snop  }
0x4: {  	_ = 	snop  }
0x5: {  	_ = 	snop  }
0x6: {  	_ = 	snop  }
0x7: {  	_ = 	snop  }
__scs_overlays_trampoline_lowered:
0x8: {  	[smem:$0x3FAB] =	sst s0  }
0x9: {  	[smem:$0x3FAC] =	sst s1  }
0xa: {  	[smem:$0x3FAD] =	sst s2  }
0xb: {  	[smem:$0x3FAE] =	sst s3  }
0xc: {  	[smem:$0x3FAF] =	sst s4  }
0xd: {  	[smem:$0x3FB0] =	sst s5  }
0xe: {  	[smem:$0x3FB1] =	sst s6  }
0xf: {  	[smem:$0x3FB2] =	sst s7  }
0x10: {  	[smem:$0x3FB3] =	sst s8  }
0x11: {  	[smem:$0x3FB4] =	sst s9;
	s0 =	simm.s32 @!p0 $0x0  }
0x12: {  	s1 =	sld [smem:$0x3F9A];
	s0 =	simm.s32 @p0 $0x1  }
0x13: {  	[smem:$0x3FB5] =	sst s0;
	s0 =	simm.s32 @!p1 $0x0  }
0x14: {  	s2 =	sld [smem:$0x3F99];
	s0 =	simm.s32 @p1 $0x1  }
0x15: {  	[smem:$0x3FB6] =	sst s0;
	s0 =	simm.s32 @!p2 $0x0  }
0x16: {  	s3 =	sld [smem:$0x3FDB];
	s0 =	simm.s32 @p2 $0x1  }
0x17: {  	s4 =	simm.s32 $0x1BF5;
	[smem:$0x3FB8] =	sst s0  }
0x18: {  	s0 =	sld [smem:$0x3F9B];
	_ =	swait.ge [sflag:s4], $0x0  }
0x19: {  	s7 =	sld [smem:$0x3F9C]  }
0x1a: {  	s8 =	sadd.s32 $0xFFFFE003, lr  }
0x1b: {  	s9 =	sadd.s32 $0xFFFFFEF7, lr;
	s5 =	simm.s32 $0xFFFFFFFF;
	p2 =	slt.u32 s8, $0xFFFFF086  }
0x1c: {  	p1 =	slt.u32 s9, $0xF7A;
	s5 =	simm.s32 @!p2 $0x0  }
0x1d: {  	s5 =	simm.s32 @p1 $0x1;
	p0 =	seq.s32 s7, s2  }
0x1e: {  	s7 =	smul.u32 @!p0 $0xF7A, s2;
	p2 =	seq.s32 @!p0 s5, $0x0  }
0x1f: {  	s9 =	smul.u32 $0xF7A, s1;
	s8 =	simm.s32 @!p0 $0x1BF5;
	p2 =	por !p2, p0  }
0x20: {  	[sflag:s8] =	ssyncset.s32 @!p0 $0xFFFFF086;
	s6 =	sadd.s32 @!p0 s3, s7;
	s7 =	simm.s32 @!p0 $0x108  }
0x21: {  	s3 =	sadd.s32 s3, s9;
	s6 =	sadd.s32 @!p0 $0x88, s6;
	s7 =	simm.s32 @p2 $0x1082  }
0x22: {  	[simem:s7], [sflag:s8] =	dma.local @!p0 [hbm:s6], $0xF7A  }
0x23: {  	s9 =	sor.u32 $0xD0000000, s2;
	s6 =	simm.s32 $0x108;
	_ =	swait.ge @!p0 [sflag:s8], $0x0  }
0x24: {  	s3 =	sadd.s32 $0x88, s3;
	s6 =	simm.s32 @!p1 $0x1082;
	[sflag:s4] =	ssyncset.s32 $0xFFFFF086  }
0x25: {  	[simem:s6], [sflag:s4] =	dma.local [hbm:s3], $0xF7A  }
0x26: {  	[smem:$0x3F9C] =	sst s1;
	(tag) =	ssettag s2;
	_ =	strace s9  }
0x27: {  	s1 =	sld [smem:$0x3FAC]  }
0x28: {  	s2 =	sld [smem:$0x3FAD]  }
0x29: {  	s4 =	sld [smem:$0x3FAF]  }
0x2a: {  	p0 =	seq.s32 s5, $0x0;
	s5 =	sld [smem:$0x3FB0]  }
0x2b: {  	s6 =	sld [smem:$0x3FB1]  }
0x2c: {  	s7 =	sld [smem:$0x3FB2]  }
0x2d: {  	s3 =	simm.s32 $0x108;
	s8 =	sld [smem:$0x3FB3]  }
0x2e: {  	s3 =	simm.s32 @!p0 $0x1082;
	s9 =	sld [smem:$0x3FB4]  }
0x2f: {  	lr =	sadd.s32 s0, s3;
	s0 =	sld [smem:$0x3FAB]  }
0x30: {  	s3 =	sld [smem:$0x3FAE]  }
0x31: {  	[smem:$0x3FB7] =	sst s10  }
0x32: {  	s10 =	sld [smem:$0x3FB5];
	_ =	sdelay $0x3  }
0x33: {  	p0 =	seq.s32 s10, $0x1;
	s10 =	sld [smem:$0x3FB7];
	_ =	sdelay $0x3  }
0x34: {  	[smem:$0x3FB7] =	sst s10  }
0x35: {  	s10 =	sld [smem:$0x3FB6];
	_ =	sdelay $0x3  }
0x36: {  	p1 =	seq.s32 s10, $0x1;
	s10 =	sld [smem:$0x3FB7];
	_ =	sdelay $0x3  }
0x37: {  	[smem:$0x3FB7] =	sst s10  }
0x38: {  	s10 =	sld [smem:$0x3FB8]  }
0x39: {  	_ = 	snop;
	(pc) =	sbr.ind lr, $3  }
0x3a: {  	_ = 	snop  }
0x3b: {  	_ = 	snop  }
0x3c: {  	p2 =	seq.s32 s10, $0x1;
	s10 =	sld [smem:$0x3FB7]  }
0x3d: {  	_ =	shalt  }
0x3e: {  	_ =	shalt  }
0x3f: {  	_ =	shalt  }
0x40: {  	_ =	shalt  }
0x41: {  	_ =	shalt  }
0x42: {  	_ =	shalt  }
0x43: {  	_ =	shalt  }
0x44: {  	_ =	shalt  }
0x45: {  	_ =	shalt  }
0x46: {  	_ =	shalt  }
0x47: {  	_ =	shalt  }
0x48: {  	_ =	shalt  }
0x49: {  	_ =	shalt  }
0x4a: {  	_ =	shalt  }
0x4b: {  	_ =	shalt  }
0x4c: {  	_ =	shalt  }
0x4d: {  	_ =	shalt  }
0x4e: {  	_ =	shalt  }
0x4f: {  	_ =	shalt  }
0x50: {  	_ =	shalt  }
0x51: {  	_ =	shalt  }
0x52: {  	_ =	shalt  }
0x53: {  	_ =	shalt  }
0x54: {  	_ =	shalt  }
0x55: {  	_ =	shalt  }
0x56: {  	_ =	shalt  }
0x57: {  	_ =	shalt  }
0x58: {  	_ =	shalt  }
0x59: {  	_ =	shalt  }
0x5a: {  	_ =	shalt  }
0x5b: {  	_ =	shalt  }
0x5c: {  	_ =	shalt  }
0x5d: {  	_ =	shalt  }
0x5e: {  	_ =	shalt  }
0x5f: {  	_ =	shalt  }
0x60: {  	_ =	shalt  }
0x61: {  	_ =	shalt  }
0x62: {  	_ =	shalt  }
0x63: {  	_ =	shalt  }
0x64: {  	_ =	shalt  }
0x65: {  	_ =	shalt  }
0x66: {  	_ =	shalt  }
0x67: {  	_ =	shalt  }
0x68: {  	_ =	shalt  }
0x69: {  	_ =	shalt  }
0x6a: {  	_ =	shalt  }
0x6b: {  	_ =	shalt  }
0x6c: {  	_ =	shalt  }
0x6d: {  	_ =	shalt  }
0x6e: {  	_ =	shalt  }
0x6f: {  	_ =	shalt  }
0x70: {  	_ =	shalt  }
0x71: {  	_ =	shalt  }
0x72: {  	_ =	shalt  }
0x73: {  	_ =	shalt  }
0x74: {  	_ =	shalt  }
0x75: {  	_ =	shalt  }
0x76: {  	_ =	shalt  }
0x77: {  	_ =	shalt  }
0x78: {  	_ =	shalt  }
0x79: {  	_ =	shalt  }
0x7a: {  	_ =	shalt  }
0x7b: {  	_ =	shalt  }
0x7c: {  	_ =	shalt  }
0x7d: {  	_ =	shalt  }
0x7e: {  	_ =	shalt  }
0x7f: {  	_ =	shalt  }
0x80: {  	_ =	shalt  }
0x81: {  	_ =	shalt  }
0x82: {  	_ =	shalt  }
0x83: {  	_ =	shalt  }
0x84: {  	_ =	shalt  }
0x85: {  	_ =	shalt  }
0x86: {  	_ =	shalt  }
0x87: {  	_ =	shalt  }
.Lfunc_end0:
.L_simem_size_0:
called_computation_lowered:
.L_overlay_start_0:
0x88: {  	s2 =	sld [smem:$0x3FD9]  }
0x89: {  	s3 =	sld [smem:$0x3FFE];
	_ =	sdelay $0x1  }
0x8a: {  	s1 =	srdreg.scid  }
0x8b: {  	s0 =	sand.u32 $0x1, s1  }
0x8c: {  	s17 =	sshll.u32 s0, $0xA;
	s2 =	sadd.s32 s3, s2  }
0x8d: {  	s2 =	sadd.s32 s2, s17  }
0x8e: {  	[smem:$0x3FC3] =	sst s2  }
0x8f: {  	_ = 	snop  }
0x90: {  	s2 =	sld [smem:$0x3FC9];
	(tm) =	ssettm $0x1  }
0x91: {  	s18 =	sld [smem:$0x3FFB];
	_ =	sdelay $0x3  }
0x92: {  	_ =	strace s18  }
0x93: {  	s3 =	sld [smem:$0x3FFC];
	_ =	sdelay $0x3  }
0x94: {  	_ =	strace s3  }
0x95: {  	s3 =	sld [smem:$0x3FFD];
	_ =	sdelay $0x3  }
0x96: {  	_ =	strace s3  }
0x97: {  	_ =	strace $0x8FFFFFFF  }
0x98: {  	s19 =	sld [smem:$0x3FDB];
	_ =	sdelay $0x1  }
0x99: {  	s4 =	simm.s32 $_scs_section_size  }
0x9a: {  	s5 =	simm.s32 $_size__tile_overlayer_lowered;
	s6 =	simm.s32 $_tile_overlayer_lowered  }
0x9b: {  	s22 =	simm.s32 $0x1BFF;
	s21 =	sshll.u32 s6, $0x1;
	s3 =	sadd.s32 s4, s19  }
0x9c: {  	s7 =	simm.s32 $0x0;
	s20 =	sshll.u32 s5, $0x1;
	s5 =	sadd.s32 s21, s3  }
0x9d: {  	[timem:s7], [sflag:s22] =	dma.local [hbm:s5], s20  }
0x9e: {  	_ =	swait.ge [sflag:s22], s20  }
0x9f: {  	s4 =	ssub.s32 $0x0, s20;
	[sflag:s22] =	ssyncset.done $0x0  }
0xa0: {  	[sflag:s22] =	ssyncadd.s32 s4;
	_ =	sdelay $0x1  }
0xa1: {  	s23 =	simm.s32 $0x1B8B  }
0xa2: {  	_ =	swait.ge [sflag:s23], $0x1  }
0xa3: {  	[sflag:s23] =	ssyncset.done $0x0  }
0xa4: {  	s25 =	simm.s32 $0x1B8E;
	s24 =	sld [smem:$0x3FFE];
	[sflag:s23] =	ssyncadd.s32 $0xFFFFFFFF  }
0xa5: {  	s26 =	simm.s32 $execute0_lowered;
	[smem:$0x3FD2] =	sst s25  }
0xa6: {  	s5 =	sshll.u32 s26, $0x1;
	_ =	strace $0x80000046;
	[dreg:$0x1] =	wrdreg $0xFFFFFFFF  }
0xa7: {  	s28 =	simm.s32 $_size_execute0_lowered;
	s3 =	sadd.s32 s3, s5;
	[dreg:$0x0] =	wrdreg $0x0  }
0xa8: {  	s5 =	sshll.u32 s28, $0x1;
	[dreg:$0x2] =	wrdreg s3  }
0xa9: {  	[dreg:$0x3] =	wrdreg s5  }
0xaa: {  	[dreg:$0x4] =	wrdreg $0xC0  }
0xab: {  	_ =	task [dreg:s7], $0x5FFFF  }
0xac: {  	[dreg:$0x1] =	wrdreg $0xFFFFFFFF  }
0xad: {  	[dreg:$0x0] =	wrdreg $0x60  }
0xae: {  	[dreg:$0x2] =	wrdreg s2  }
0xaf: {  	[dreg:$0x3] =	wrdreg s24  }
0xb0: {  	[dreg:$0x4] =	wrdreg $0x9  }
0xb1: {  	_ =	task.clear_ibuf [dreg:s7], $0x5FFFF;
	_ =	strace $0x90000046  }
0xb2: {  	s29 =	simm.s32 $0x9;
	_ =	strace $0x80000048  }
0xb3: {  	_ =	swait.ge [sflag:s29], $0x1  }
0xb4: {  	[sflag:s29] =	ssyncadd.s32 $0xFFFFFFFF  }
0xb5: {  	_ =	strace $0x90000048  }
0xb6: {  	_ =	sfence  }
0xb7: {  	s30 =	sld [smem:$0x0];
	_ =	sdelay $0x2  }
0xb8: {  	s31 =	sshll.u32 s1, $0xD;
	s1 =	sshrl.u32 s1, $0x2  }
0xb9: {  	s3 =	sand.u32 $0x4000, s31;
	s1 =	sadd.s32 s1, s30  }
0xba: {  	s0 =	sor.u32 s3, s0;
	s1 =	sshll.u32 s1, $0x11  }
0xbb: {  	s0 =	sor.u32 s1, s0  }
0xbc: {  	s0 =	sadd.s32 $0x8F2B, s0  }
0xbd: {  	[sflag:s0] =	ssyncadd.remote.s32 $0x1  }
0xbe: {  	_ =	sfence.sel $0xFFFF  }
0xbf: {  	[dreg:$0x0] =	wrdreg $0xFFFFFFFF;
	(pc) =	sbr.abs _section_cstart, $3  }
0xc0: {  	[dreg:$0x1] =	wrdreg $0xFFFFFFFF  }
0xc1: {  	_ =	task.clear_ibuf [dreg:s7], $0x2FFFF;
	_ =	strace $0x9FFFFFFF  }
0xc2: {  	(tm) =	ssettm $0x7FFFFFFF  }
0xc3: {  	_ =	shalt  }
tec
execute0_lowered:
.L_overlay_start_1:
0x0: {  	(tag) =	ssettag $0x1  }
0x1: {  	s0 =	rddreg [dreg:$0x0];
	s1 =	srdreg.scid  }
0x2: {  	s2 =	stileid.u32;
	s5 =	rddreg [dreg:$0x1]  }
0x3: {  	s10 =	simm.s32 $0x2;
	s11 =	simm.s32 $0x80;
	s12 =	simm.s32 $0x280  }
0x4: {  	s13 =	simm.s32 $0x15C80;
	s14 =	simm.s32 $0xB00;
	s15 =	simm.s32 $0x16C80  }
0x5: {  	s16 =	simm.s32 $0xB80;
	s17 =	simm.s32 $0x17C80;
	s18 =	simm.s32 $0xC00  }
0x6: {  	s19 =	simm.s32 $0x18C80;
	s20 =	simm.s32 $0x1;
	s21 =	simm.s32 $0x19C80  }
0x7: {  	s22 =	simm.s32 $0x19D80;
	s1 =	sand.u32 $0x1, s1;
	s3 =	sshll.u32 s2, $0x1  }
0x8: {  	v0 =	vlaneseq.u32;
	s23 =	simm.s32 $0x0;
	s2 =	simm.s32 $0x0;
	s6 =	sor.u32 s1, s3  }
0x9: {  	v0 =	vmul.u32 $0x10, v0;
	[smem:$0x7FF] =	sst s2;
	s1 =	ssub.s32 $0x2, s1;
	s3 =	smul.u32 $0x140, s6  }
0xa: {  	_ =	strace $0x80000047;
	s4 =	sshll.u32 s6, $0x6;
	s9 =	smul.u32 $0x180, s6  }
0xb: {  	s31 =	sshrl.u32 s1, $0x1;
	s6 =	sshll.u32 s6, $0x4;
	v1 =	vor.u32 $0x1, v0;
	v2 =	vor.u32 $0x2, v0;
	v3 =	vor.u32 $0x3, v0;
	s7 =	sadd.s32 s4, s5  }
0xc: {  	v4 =	vor.u32 $0x4, v0;
	v5 =	vor.u32 $0x5, v0;
	v6 =	vor.u32 $0x6, v0;
	s4 =	sadd.s32 $0xF42E00, s5;
	s1 =	ssub.s32 s1, s31;
	s8 =	sadd.s32 s3, s5  }
0xd: {  	v7 =	vor.u32 $0x7, v0;
	v8 =	vor.u32 $0x8, v0;
	v9 =	vor.u32 $0x9, v0;
	s3 =	sadd.s32 $0x1313800, s5;
	s9 =	sadd.s32 s9, s5;
	s5 =	sadd.s32 s0, s6  }
0xe: {  	v10 =	vor.u32 $0xA, v0;
	v11 =	vor.u32 $0xB, v0;
	v12 =	vor.u32 $0xC, v0;
	s6 =	sadd.s32 $0x3000, s7;
	s0 =	simm.s32 $0xA80;
	s7 =	sadd.s32 $0x800, s8  }
0xf: {  	v13 =	vor.u32 $0xD, v0;
	v14 =	vor.u32 $0xE, v0;
	v15 =	vor.u32 $0xF, v0;
	s8 =	sadd.s32 $0x3800, s9;
	s9 =	smax.u32 s1, $0x1;
	s1 =	simm.s32 $0x14C80  }
.LBB2_1:
0x10: {  	[tilespmem:s2], [sflag:$0x2] =	stream.linear.gather [hbm4b:s5+s2], $0x80, $0x38;
	[tilespmem:$0x1A980] =	vst v63  }
0x11: {  	_ =	swait.ge [sflag:s10], $0x80  }
0x12: {  	[sflag:s10] =	ssyncset.done $0x0  }
0x13: {  	[sflag:s10] =	ssyncadd.s32 $0xFFFFFF80  }
0x14: {  	[tilespmem:s11], [sflag:$0x2] =	stream.linear.gather [hbm4b:s6+s2], $0x200, $0x38;
	[tilespmem:$0x1A980] =	vst v63  }
0x15: {  	_ =	swait.ge [sflag:s10], $0x200  }
0x16: {  	[sflag:s10] =	ssyncset.done $0x0  }
0x17: {  	[sflag:s10] =	ssyncadd.s32 $0xFFFFFE00  }
0x18: {  	[tilespmem:s12], [sflag:$0x2] =	stream.linear.gather [hbm4b:s7+s2], $0xA00, $0x38;
	[tilespmem:$0x1A980] =	vst v63  }
0x19: {  	_ =	swait.ge [sflag:s10], $0xA00  }
0x1a: {  	[sflag:s10] =	ssyncset.done $0x0  }
0x1b: {  	s24 =	simm.s32 $0xC80;
	[sflag:s10] =	ssyncadd.s32 $0xFFFFF600  }
0x1c: {  	[tilespmem:s24], [sflag:$0x1] =	stream.indirect.gather [hbm4b:s3+s11], $0x20, s2, s11, $0xb8;
	[tilespmem:$0x1A980] =	vst v63  }
0x1d: {  	s30 =	simm.s32 $0x1C80  }
0x1e: {  	[tilespmem:s30], [sflag:$0x1] =	stream.indirect.gather [hbm4b:s4+s11], $0x20, s11, s11, $0xb8;
	[tilespmem:$0x1A980] =	vst v63  }
0x1f: {  	s31 =	simm.s32 $0x100;
	s25 =	simm.s32 $0x2C80  }
0x20: {  	[tilespmem:s25], [sflag:$0x1] =	stream.indirect.gather [hbm4b:s4+s11], $0x20, s31, s11, $0xb8;
	[tilespmem:$0x1A980] =	vst v63  }
0x21: {  	s26 =	simm.s32 $0x3C80;
	s25 =	simm.s32 $0x180  }
0x22: {  	[tilespmem:s26], [sflag:$0x1] =	stream.indirect.gather [hbm4b:s4+s11], $0x20, s25, s11, $0xb8;
	[tilespmem:$0x1A980] =	vst v63  }
0x23: {  	s30 =	simm.s32 $0x200;
	s31 =	simm.s32 $0x4C80  }
0x24: {  	[tilespmem:s31], [sflag:$0x1] =	stream.indirect.gather [hbm4b:s4+s11], $0x20, s30, s11, $0xb8;
	[tilespmem:$0x1A980] =	vst v63  }
0x25: {  	s26 =	simm.s32 $0x5C80  }
0x26: {  	[tilespmem:s26], [sflag:$0x1] =	stream.indirect.gather [hbm4b:s4+s11], $0x20, s12, s11, $0xb8;
	[tilespmem:$0x1A980] =	vst v63  }
0x27: {  	s30 =	simm.s32 $0x300;
	s31 =	simm.s32 $0x6C80  }
0x28: {  	[tilespmem:s31], [sflag:$0x1] =	stream.indirect.gather [hbm4b:s4+s11], $0x20, s30, s11, $0xb8;
	[tilespmem:$0x1A980] =	vst v63  }
0x29: {  	s25 =	simm.s32 $0x380;
	s26 =	simm.s32 $0x7C80  }
0x2a: {  	[tilespmem:s26], [sflag:$0x1] =	stream.indirect.gather [hbm4b:s4+s11], $0x20, s25, s11, $0xb8;
	[tilespmem:$0x1A980] =	vst v63  }
0x2b: {  	s30 =	simm.s32 $0x400;
	s31 =	simm.s32 $0x8C80  }
0x2c: {  	[tilespmem:s31], [sflag:$0x1] =	stream.indirect.gather [hbm4b:s4+s11], $0x20, s30, s11, $0xb8;
	[tilespmem:$0x1A980] =	vst v63  }
0x2d: {  	s25 =	simm.s32 $0x480;
	s26 =	simm.s32 $0x9C80  }
0x2e: {  	[tilespmem:s26], [sflag:$0x1] =	stream.indirect.gather [hbm4b:s4+s11], $0x20, s25, s11, $0xb8;
	[tilespmem:$0x1A980] =	vst v63  }
0x2f: {  	s30 =	simm.s32 $0x500;
	s31 =	simm.s32 $0xAC80  }
0x30: {  	[tilespmem:s31], [sflag:$0x1] =	stream.indirect.gather [hbm4b:s4+s11], $0x20, s30, s11, $0xb8;
	[tilespmem:$0x1A980] =	vst v63  }
0x31: {  	s25 =	simm.s32 $0x580;
	s26 =	simm.s32 $0xBC80  }
0x32: {  	[tilespmem:s26], [sflag:$0x1] =	stream.indirect.gather [hbm4b:s4+s11], $0x20, s25, s11, $0xb8;
	[tilespmem:$0x1A980] =	vst v63  }
0x33: {  	s30 =	simm.s32 $0x600;
	s31 =	simm.s32 $0xCC80  }
0x34: {  	[tilespmem:s31], [sflag:$0x1] =	stream.indirect.gather [hbm4b:s4+s11], $0x20, s30, s11, $0xb8;
	[tilespmem:$0x1A980] =	vst v63  }
0x35: {  	s25 =	simm.s32 $0x680;
	s26 =	simm.s32 $0xDC80  }
0x36: {  	[tilespmem:s26], [sflag:$0x1] =	stream.indirect.gather [hbm4b:s4+s11], $0x20, s25, s11, $0xb8;
	[tilespmem:$0x1A980] =	vst v63  }
0x37: {  	s30 =	simm.s32 $0x700;
	s31 =	simm.s32 $0xEC80  }
0x38: {  	[tilespmem:s31], [sflag:$0x1] =	stream.indirect.gather [hbm4b:s4+s11], $0x20, s30, s11, $0xb8;
	[tilespmem:$0x1A980] =	vst v63  }
0x39: {  	s25 =	simm.s32 $0x780;
	s26 =	simm.s32 $0xFC80  }
0x3a: {  	[tilespmem:s26], [sflag:$0x1] =	stream.indirect.gather [hbm4b:s4+s11], $0x20, s25, s11, $0xb8;
	[tilespmem:$0x1A980] =	vst v63  }
0x3b: {  	s30 =	simm.s32 $0x800;
	s31 =	simm.s32 $0x10C80  }
0x3c: {  	[tilespmem:s31], [sflag:$0x1] =	stream.indirect.gather [hbm4b:s4+s11], $0x20, s30, s11, $0xb8;
	[tilespmem:$0x1A980] =	vst v63  }
0x3d: {  	s25 =	simm.s32 $0x880;
	s26 =	simm.s32 $0x11C80  }
0x3e: {  	[tilespmem:s26], [sflag:$0x1] =	stream.indirect.gather [hbm4b:s4+s11], $0x20, s25, s11, $0xb8;
	[tilespmem:$0x1A980] =	vst v63  }
0x3f: {  	s30 =	simm.s32 $0x900;
	s31 =	simm.s32 $0x12C80  }
0x40: {  	[tilespmem:s31], [sflag:$0x1] =	stream.indirect.gather [hbm4b:s4+s11], $0x20, s30, s11, $0xb8;
	[tilespmem:$0x1A980] =	vst v63  }
0x41: {  	s26 =	simm.s32 $0x980;
	s30 =	simm.s32 $0x13C80  }
0x42: {  	[tilespmem:s30], [sflag:$0x1] =	stream.indirect.gather [hbm4b:s4+s11], $0x20, s26, s11, $0xb8;
	[tilespmem:$0x1A980] =	vst v63  }
0x43: {  	s31 =	simm.s32 $0xA00  }
0x44: {  	[tilespmem:s1], [sflag:$0x1] =	stream.indirect.gather [hbm4b:s4+s11], $0x20, s31, s11, $0xb8;
	[tilespmem:$0x1A980] =	vst v63  }
0x45: {  	_ = 	snop  }
0x46: {  	[tilespmem:s13], [sflag:$0x1] =	stream.indirect.gather [hbm4b:s4+s11], $0x20, s0, s11, $0xb8;
	[tilespmem:$0x1A980] =	vst v63  }
0x47: {  	_ = 	snop  }
0x48: {  	[tilespmem:s15], [sflag:$0x1] =	stream.indirect.gather [hbm4b:s4+s11], $0x20, s14, s11, $0xb8;
	[tilespmem:$0x1A980] =	vst v63  }
0x49: {  	_ = 	snop  }
0x4a: {  	[tilespmem:s17], [sflag:$0x1] =	stream.indirect.gather [hbm4b:s4+s11], $0x20, s16, s11, $0xb8;
	[tilespmem:$0x1A980] =	vst v63  }
0x4b: {  	_ = 	snop  }
0x4c: {  	[tilespmem:s19], [sflag:$0x1] =	stream.indirect.gather [hbm4b:s4+s11], $0x20, s18, s11, $0xb8;
	[tilespmem:$0x1A980] =	vst v63  }
0x4d: {  	_ =	swait.ge [sflag:s20], $0x1000  }
0x4e: {  	[sflag:s20] =	ssyncset.done $0x0  }
0x4f: {  	[sflag:s20] =	ssyncadd.s32 $0xFFFFF000  }
0x50: {  	_ =	swait.ge [sflag:s20], $0x1000  }
0x51: {  	[sflag:s20] =	ssyncset.done $0x0  }
0x52: {  	[sflag:s20] =	ssyncadd.s32 $0xFFFFF000  }
0x53: {  	_ =	swait.ge [sflag:s20], $0x1000  }
0x54: {  	[sflag:s20] =	ssyncset.done $0x0  }
0x55: {  	[sflag:s20] =	ssyncadd.s32 $0xFFFFF000  }
0x56: {  	_ =	swait.ge [sflag:s20], $0x1000  }
0x57: {  	[sflag:s20] =	ssyncset.done $0x0  }
0x58: {  	[sflag:s20] =	ssyncadd.s32 $0xFFFFF000  }
0x59: {  	_ =	swait.ge [sflag:s20], $0x1000  }
0x5a: {  	[sflag:s20] =	ssyncset.done $0x0  }
0x5b: {  	[sflag:s20] =	ssyncadd.s32 $0xFFFFF000  }
0x5c: {  	_ =	swait.ge [sflag:s20], $0x1000  }
0x5d: {  	[sflag:s20] =	ssyncset.done $0x0  }
0x5e: {  	[sflag:s20] =	ssyncadd.s32 $0xFFFFF000  }
0x5f: {  	_ =	swait.ge [sflag:s20], $0x1000  }
0x60: {  	[sflag:s20] =	ssyncset.done $0x0  }
0x61: {  	[sflag:s20] =	ssyncadd.s32 $0xFFFFF000  }
0x62: {  	_ =	swait.ge [sflag:s20], $0x1000  }
0x63: {  	[sflag:s20] =	ssyncset.done $0x0  }
0x64: {  	[sflag:s20] =	ssyncadd.s32 $0xFFFFF000  }
0x65: {  	_ =	swait.ge [sflag:s20], $0x1000  }
0x66: {  	[sflag:s20] =	ssyncset.done $0x0  }
0x67: {  	[sflag:s20] =	ssyncadd.s32 $0xFFFFF000  }
0x68: {  	_ =	swait.ge [sflag:s20], $0x1000  }
0x69: {  	[sflag:s20] =	ssyncset.done $0x0  }
0x6a: {  	[sflag:s20] =	ssyncadd.s32 $0xFFFFF000  }
0x6b: {  	_ =	swait.ge [sflag:s20], $0x1000  }
0x6c: {  	[sflag:s20] =	ssyncset.done $0x0  }
0x6d: {  	[sflag:s20] =	ssyncadd.s32 $0xFFFFF000  }
0x6e: {  	_ =	swait.ge [sflag:s20], $0x1000  }
0x6f: {  	[sflag:s20] =	ssyncset.done $0x0  }
0x70: {  	[sflag:s20] =	ssyncadd.s32 $0xFFFFF000  }
0x71: {  	_ =	swait.ge [sflag:s20], $0x1000  }
0x72: {  	[sflag:s20] =	ssyncset.done $0x0  }
0x73: {  	[sflag:s20] =	ssyncadd.s32 $0xFFFFF000  }
0x74: {  	_ =	swait.ge [sflag:s20], $0x1000  }
0x75: {  	[sflag:s20] =	ssyncset.done $0x0  }
0x76: {  	[sflag:s20] =	ssyncadd.s32 $0xFFFFF000  }
0x77: {  	_ =	swait.ge [sflag:s20], $0x1000  }
0x78: {  	[sflag:s20] =	ssyncset.done $0x0  }
0x79: {  	[sflag:s20] =	ssyncadd.s32 $0xFFFFF000  }
0x7a: {  	_ =	swait.ge [sflag:s20], $0x1000  }
0x7b: {  	[sflag:s20] =	ssyncset.done $0x0  }
0x7c: {  	[sflag:s20] =	ssyncadd.s32 $0xFFFFF000  }
0x7d: {  	_ =	swait.ge [sflag:s20], $0x1000  }
0x7e: {  	[sflag:s20] =	ssyncset.done $0x0  }
0x7f: {  	[sflag:s20] =	ssyncadd.s32 $0xFFFFF000  }
0x80: {  	_ =	swait.ge [sflag:s20], $0x1000  }
0x81: {  	[sflag:s20] =	ssyncset.done $0x0  }
0x82: {  	[sflag:s20] =	ssyncadd.s32 $0xFFFFF000  }
0x83: {  	_ =	swait.ge [sflag:s20], $0x1000  }
0x84: {  	[sflag:s20] =	ssyncset.done $0x0  }
0x85: {  	[sflag:s20] =	ssyncadd.s32 $0xFFFFF000  }
0x86: {  	_ =	swait.ge [sflag:s20], $0x1000  }
0x87: {  	[sflag:s20] =	ssyncset.done $0x0  }
0x88: {  	[sflag:s20] =	ssyncadd.s32 $0xFFFFF000  }
0x89: {  	_ =	swait.ge [sflag:s20], $0x1000  }
0x8a: {  	[sflag:s20] =	ssyncset.done $0x0  }
0x8b: {  	[sflag:s20] =	ssyncadd.s32 $0xFFFFF000  }
0x8c: {  	_ =	swait.ge [sflag:s20], $0x1000  }
0x8d: {  	[sflag:s20] =	ssyncset.done $0x0  }
0x8e: {  	[sflag:s20] =	ssyncadd.s32 $0xFFFFF000  }
0x8f: {  	_ =	swait.ge [sflag:s20], $0x1000  }
0x90: {  	[sflag:s20] =	ssyncset.done $0x0  }
0x91: {  	[sflag:s20] =	ssyncadd.s32 $0xFFFFF000  }
0x92: {  	_ =	swait.ge [sflag:s20], $0x1000  }
0x93: {  	[sflag:s20] =	ssyncset.done $0x0  }
0x94: {  	[sflag:s20] =	ssyncadd.s32 $0xFFFFF000  }
0x95: {  	_ =	swait.ge [sflag:s20], $0x1000  }
0x96: {  	[sflag:s20] =	ssyncset.done $0x0  }
0x97: {  	s24 =	simm.s32 $0xCC0;
	[sflag:s20] =	ssyncadd.s32 $0xFFFFF000  }
0x98: {  	s25 =	simm.s32 $0x1D80;
	v16 =	vld [tilespmem:s24+$0xFFFFFFD0]  }
0x99: {  	v17 =	vld [tilespmem:s25+$0xFFFFFF00]  }
0x9a: {  	v18 =	vld [tilespmem:s25+$0xFFFFFF10]  }
0x9b: {  	v19 =	vld [tilespmem:s24+$0xFFFFFFC0];
	_ =	sdelay $0x3  }
0x9c: {  	v20 =	vld [tilespmem:s24+$0x30]  }
0x9d: {  	v21 =	vld [tilespmem:s24+$0x20];
	v18 =	vmul.f32 v18, v16;
	v17 =	vmul.f32 v17, v19  }
0x9e: {  	v22 =	vld [tilespmem:s24+$0x0]  }
0x9f: {  	v23 =	vld [tilespmem:s24+$0xFFFFFFF0];
	v17 =	vadd.f32 v18, v17  }
0xa0: {  	v24 =	vld [tilespmem:s24+$0xFFFFFFE0]  }
0xa1: {  	v18 =	vld [tilespmem:s24+$0x10];
	[tilespmem:$0x19C80] =	vst v17  }
0xa2: {  	v17 =	vld [tilespmem:s25+$0xFFFFFF20]  }
0xa3: {  	v25 =	vld [tilespmem:s25+$0xFFFFFF30];
	_ =	sdelay $0x4  }
0xa4: {  	v17 =	vmul.f32 v17, v19;
	v25 =	vmul.f32 v25, v16;
	_ =	sdelay $0x1  }
0xa5: {  	v17 =	vadd.f32 v25, v17;
	_ =	sdelay $0x1  }
0xa6: {  	[tilespmem:$0x19C90] =	vst v17  }
0xa7: {  	v17 =	vld [tilespmem:s25+$0xFFFFFF40]  }
0xa8: {  	v25 =	vld [tilespmem:s25+$0xFFFFFF50];
	_ =	sdelay $0x4  }
0xa9: {  	v17 =	vmul.f32 v17, v19;
	v25 =	vmul.f32 v25, v16;
	_ =	sdelay $0x1  }
0xaa: {  	v17 =	vadd.f32 v25, v17;
	_ =	sdelay $0x1  }
0xab: {  	[tilespmem:$0x19CA0] =	vst v17  }
0xac: {  	v17 =	vld [tilespmem:s25+$0xFFFFFF70]  }
0xad: {  	v25 =	vld [tilespmem:s25+$0xFFFFFF60];
	_ =	sdelay $0x4  }
0xae: {  	v16 =	vmul.f32 v17, v16;
	v17 =	vmul.f32 v25, v19;
	_ =	sdelay $0x1  }
0xaf: {  	v16 =	vadd.f32 v16, v17;
	_ =	sdelay $0x1  }
0xb0: {  	[tilespmem:$0x19CB0] =	vst v16  }
0xb1: {  	v16 =	vld [tilespmem:s25+$0xFFFFFF80]  }
0xb2: {  	v17 =	vld [tilespmem:s25+$0xFFFFFF90];
	_ =	sdelay $0x4  }
0xb3: {  	v16 =	vmul.f32 v16, v24;
	v17 =	vmul.f32 v17, v23;
	_ =	sdelay $0x1  }
0xb4: {  	v16 =	vadd.f32 v17, v16;
	_ =	sdelay $0x1  }
0xb5: {  	[tilespmem:$0x19CC0] =	vst v16  }
0xb6: {  	v16 =	vld [tilespmem:s25+$0xFFFFFFA0]  }
0xb7: {  	v17 =	vld [tilespmem:s25+$0xFFFFFFB0];
	_ =	sdelay $0x4  }
0xb8: {  	v16 =	vmul.f32 v16, v24;
	v17 =	vmul.f32 v17, v23;
	_ =	sdelay $0x1  }
0xb9: {  	v16 =	vadd.f32 v17, v16;
	_ =	sdelay $0x1  }
0xba: {  	[tilespmem:$0x19CD0] =	vst v16  }
0xbb: {  	v16 =	vld [tilespmem:s25+$0xFFFFFFC0]  }
0xbc: {  	v17 =	vld [tilespmem:s25+$0xFFFFFFD0];
	_ =	sdelay $0x4  }
0xbd: {  	v16 =	vmul.f32 v16, v24;
	v17 =	vmul.f32 v17, v23;
	_ =	sdelay $0x1  }
0xbe: {  	v16 =	vadd.f32 v17, v16;
	_ =	sdelay $0x1  }
0xbf: {  	[tilespmem:$0x19CE0] =	vst v16  }
0xc0: {  	v16 =	vld [tilespmem:s25+$0xFFFFFFF0]  }
0xc1: {  	v17 =	vld [tilespmem:s25+$0xFFFFFFE0];
	_ =	sdelay $0x4  }
0xc2: {  	v16 =	vmul.f32 v16, v23;
	v17 =	vmul.f32 v17, v24;
	_ =	sdelay $0x1  }
0xc3: {  	v16 =	vadd.f32 v16, v17;
	_ =	sdelay $0x1  }
0xc4: {  	[tilespmem:$0x19CF0] =	vst v16  }
0xc5: {  	v16 =	vld [tilespmem:s25+$0x0]  }
0xc6: {  	v17 =	vld [tilespmem:s25+$0x10];
	_ =	sdelay $0x4  }
0xc7: {  	v16 =	vmul.f32 v16, v22;
	v17 =	vmul.f32 v17, v18;
	_ =	sdelay $0x1  }
0xc8: {  	v16 =	vadd.f32 v17, v16;
	_ =	sdelay $0x1  }
0xc9: {  	[tilespmem:$0x19D00] =	vst v16  }
0xca: {  	v16 =	vld [tilespmem:s25+$0x20]  }
0xcb: {  	v17 =	vld [tilespmem:s25+$0x30];
	_ =	sdelay $0x4  }
0xcc: {  	v16 =	vmul.f32 v16, v22;
	v17 =	vmul.f32 v17, v18;
	_ =	sdelay $0x1  }
0xcd: {  	v16 =	vadd.f32 v17, v16;
	_ =	sdelay $0x1  }
0xce: {  	[tilespmem:$0x19D10] =	vst v16  }
0xcf: {  	v16 =	vld [tilespmem:s25+$0x40]  }
0xd0: {  	v17 =	vld [tilespmem:s25+$0x50];
	_ =	sdelay $0x4  }
0xd1: {  	v16 =	vmul.f32 v16, v22;
	v17 =	vmul.f32 v17, v18;
	_ =	sdelay $0x1  }
0xd2: {  	v16 =	vadd.f32 v17, v16;
	_ =	sdelay $0x1  }
0xd3: {  	[tilespmem:$0x19D20] =	vst v16  }
0xd4: {  	v16 =	vld [tilespmem:s25+$0x60]  }
0xd5: {  	v17 =	vld [tilespmem:s25+$0x70];
	_ =	sdelay $0x4  }
0xd6: {  	v16 =	vmul.f32 v16, v22;
	v17 =	vmul.f32 v17, v18;
	_ =	sdelay $0x1  }
0xd7: {  	v16 =	vadd.f32 v17, v16;
	_ =	sdelay $0x1  }
0xd8: {  	[tilespmem:$0x19D30] =	vst v16  }
0xd9: {  	v16 =	vld [tilespmem:s25+$0x90]  }
0xda: {  	v17 =	vld [tilespmem:s25+$0x80];
	_ =	sdelay $0x4  }
0xdb: {  	v16 =	vmul.f32 v16, v20;
	v17 =	vmul.f32 v17, v21;
	_ =	sdelay $0x1  }
0xdc: {  	v16 =	vadd.f32 v16, v17;
	_ =	sdelay $0x1  }
0xdd: {  	[tilespmem:$0x19D40] =	vst v16  }
0xde: {  	v16 =	vld [tilespmem:s25+$0xA0]  }
0xdf: {  	v17 =	vld [tilespmem:s25+$0xB0];
	_ =	sdelay $0x4  }
0xe0: {  	v16 =	vmul.f32 v16, v21;
	v17 =	vmul.f32 v17, v20;
	_ =	sdelay $0x1  }
0xe1: {  	v16 =	vadd.f32 v17, v16;
	_ =	sdelay $0x1  }
0xe2: {  	[tilespmem:$0x19D50] =	vst v16  }
0xe3: {  	v16 =	vld [tilespmem:s25+$0xC0]  }
0xe4: {  	v17 =	vld [tilespmem:s25+$0xD0];
	_ =	sdelay $0x4  }
0xe5: {  	v16 =	vmul.f32 v16, v21;
	v17 =	vmul.f32 v17, v20;
	_ =	sdelay $0x1  }
0xe6: {  	v16 =	vadd.f32 v17, v16;
	_ =	sdelay $0x1  }
0xe7: {  	[tilespmem:$0x19D60] =	vst v16  }
0xe8: {  	v16 =	vld [tilespmem:s25+$0xE0]  }
0xe9: {  	v17 =	vld [tilespmem:s25+$0xF0];
	_ =	sdelay $0x4  }
0xea: {  	v16 =	vmul.f32 v16, v21;
	v17 =	vmul.f32 v17, v20;
	_ =	sdelay $0x1  }
0xeb: {  	v16 =	vadd.f32 v17, v16;
	_ =	sdelay $0x1  }
0xec: {  	[tilespmem:$0x19D70] =	vst v16  }
0xed: {  	v16 =	vld.idx.msk [tilespmem:v0+s21+$0x0], $0xffff;
	_ =	sdelay $0x1  }
0xee: {  	v17 =	vld.idx.msk [tilespmem:v1+s21+$0x0], $0xffff;
	_ =	sdelay $0x1  }
0xef: {  	v18 =	vld.idx.msk [tilespmem:v2+s21+$0x0], $0xffff  }
0xf0: {  	v16 =	vadd.f32 $0.0e+00, v16  }
0xf1: {  	v19 =	vld.idx.msk [tilespmem:v3+s21+$0x0], $0xffff  }
0xf2: {  	v16 =	vadd.f32 v17, v16  }
0xf3: {  	v17 =	vld.idx.msk [tilespmem:v4+s21+$0x0], $0xffff  }
0xf4: {  	v20 =	vld.idx.msk [tilespmem:v5+s21+$0x0], $0xffff;
	v16 =	vadd.f32 v18, v16  }
0xf5: {  	v21 =	vld.idx.msk [tilespmem:v6+s21+$0x0], $0xffff  }
0xf6: {  	v24 =	vld.idx.msk [tilespmem:v7+s21+$0x0], $0xffff;
	v18 =	vadd.f32 v19, v16  }
0xf7: {  	v23 =	vld.idx.msk [tilespmem:v8+s21+$0x0], $0xffff  }
0xf8: {  	v16 =	vld.idx.msk [tilespmem:v9+s21+$0x0], $0xffff;
	v18 =	vadd.f32 v17, v18  }
0xf9: {  	v19 =	vld.idx.msk [tilespmem:v10+s21+$0x0], $0xffff  }
0xfa: {  	v17 =	vld.idx.msk [tilespmem:v11+s21+$0x0], $0xffff;
	v22 =	vadd.f32 v20, v18  }
0xfb: {  	v20 =	vld.idx.msk [tilespmem:v12+s21+$0x0], $0xffff  }
0xfc: {  	v18 =	vld.idx.msk [tilespmem:v13+s21+$0x0], $0xffff;
	v25 =	vadd.f32 v21, v22  }
0xfd: {  	v21 =	vld.idx.msk [tilespmem:v14+s21+$0x0], $0xffff  }
0xfe: {  	s28 =	simm.s32 $0x40;
	s29 =	simm.s32 $0xCC0;
	s26 =	simm.s32 $0x0;
	v22 =	vld.idx.msk [tilespmem:v15+s21+$0x0], $0xffff;
	v24 =	vadd.f32 v24, v25  }
.LBB2_2:
0xff: {  	_ = 	snop  }
0x100: {  	p0 =	sne.s32 s28, $0x7C0;
	s25 =	sadd.s32 $0x200, s25;
	s29 =	sadd.s32 $0x80, s29;
	v23 =	vadd.f32 v23, v24  }
0x101: {  	s30 =	smov.u32 s28;
	s28 =	sadd.s32 $0x40, s28  }
0x102: {  	v16 =	vadd.f32 v16, v23;
	_ =	sdelay $0x1  }
0x103: {  	v16 =	vadd.f32 v19, v16;
	_ =	sdelay $0x1  }
0x104: {  	v16 =	vadd.f32 v17, v16;
	_ =	sdelay $0x1  }
0x105: {  	v16 =	vadd.f32 v20, v16;
	_ =	sdelay $0x1  }
0x106: {  	v16 =	vadd.f32 v18, v16;
	_ =	sdelay $0x1  }
0x107: {  	v16 =	vadd.f32 v21, v16;
	_ =	sdelay $0x1  }
0x108: {  	v16 =	vadd.f32 v22, v16  }
0x109: {  	s31 =	sshra.s32 s26, $0x2;
	s26 =	smov.u32 s30  }
0x10a: {  	[tilespmem:s31+$0x19D80] =	vst v16  }
0x10b: {  	v20 =	vld [tilespmem:s29+$0xFFFFFFD0]  }
0x10c: {  	v19 =	vld [tilespmem:s25+$0xFFFFFF00]  }
0x10d: {  	v18 =	vld [tilespmem:s25+$0xFFFFFF10]  }
0x10e: {  	v21 =	vld [tilespmem:s29+$0xFFFFFFC0];
	_ =	sdelay $0x2  }
0x10f: {  	v16 =	vld [tilespmem:s29+$0x30]  }
0x110: {  	v17 =	vld [tilespmem:s29+$0x20];
	v22 =	vmul.f32 v18, v20  }
0x111: {  	v18 =	vld [tilespmem:s29+$0x0];
	v19 =	vmul.f32 v19, v21  }
0x112: {  	v23 =	vld [tilespmem:s29+$0xFFFFFFF0]  }
0x113: {  	v24 =	vld [tilespmem:s29+$0xFFFFFFE0];
	v22 =	vadd.f32 v22, v19  }
0x114: {  	v19 =	vld [tilespmem:s29+$0x10]  }
0x115: {  	[tilespmem:$0x19C80] =	vst v22  }
0x116: {  	v22 =	vld [tilespmem:s25+$0xFFFFFF20]  }
0x117: {  	v25 =	vld [tilespmem:s25+$0xFFFFFF30];
	_ =	sdelay $0x3  }
0x118: {  	v22 =	vmul.f32 v22, v21  }
0x119: {  	v25 =	vmul.f32 v25, v20;
	_ =	sdelay $0x1  }
0x11a: {  	v22 =	vadd.f32 v25, v22;
	_ =	sdelay $0x1  }
0x11b: {  	[tilespmem:$0x19C90] =	vst v22  }
0x11c: {  	v22 =	vld [tilespmem:s25+$0xFFFFFF40]  }
0x11d: {  	v25 =	vld [tilespmem:s25+$0xFFFFFF50];
	_ =	sdelay $0x3  }
0x11e: {  	v22 =	vmul.f32 v22, v21  }
0x11f: {  	v25 =	vmul.f32 v25, v20;
	_ =	sdelay $0x1  }
0x120: {  	v22 =	vadd.f32 v25, v22;
	_ =	sdelay $0x1  }
0x121: {  	[tilespmem:$0x19CA0] =	vst v22  }
0x122: {  	v22 =	vld [tilespmem:s25+$0xFFFFFF70]  }
0x123: {  	v25 =	vld [tilespmem:s25+$0xFFFFFF60];
	_ =	sdelay $0x3  }
0x124: {  	v20 =	vmul.f32 v22, v20  }
0x125: {  	v21 =	vmul.f32 v25, v21;
	_ =	sdelay $0x1  }
0x126: {  	v20 =	vadd.f32 v20, v21;
	_ =	sdelay $0x1  }
0x127: {  	[tilespmem:$0x19CB0] =	vst v20  }
0x128: {  	v20 =	vld [tilespmem:s25+$0xFFFFFF80]  }
0x129: {  	v21 =	vld [tilespmem:s25+$0xFFFFFF90];
	_ =	sdelay $0x3  }
0x12a: {  	v20 =	vmul.f32 v20, v24  }
0x12b: {  	v21 =	vmul.f32 v21, v23;
	_ =	sdelay $0x1  }
0x12c: {  	v20 =	vadd.f32 v21, v20;
	_ =	sdelay $0x1  }
0x12d: {  	[tilespmem:$0x19CC0] =	vst v20  }
0x12e: {  	v20 =	vld [tilespmem:s25+$0xFFFFFFA0]  }
0x12f: {  	v21 =	vld [tilespmem:s25+$0xFFFFFFB0];
	_ =	sdelay $0x3  }
0x130: {  	v20 =	vmul.f32 v20, v24  }
0x131: {  	v21 =	vmul.f32 v21, v23;
	_ =	sdelay $0x1  }
0x132: {  	v20 =	vadd.f32 v21, v20;
	_ =	sdelay $0x1  }
0x133: {  	[tilespmem:$0x19CD0] =	vst v20  }
0x134: {  	v20 =	vld [tilespmem:s25+$0xFFFFFFC0]  }
0x135: {  	v21 =	vld [tilespmem:s25+$0xFFFFFFD0];
	_ =	sdelay $0x3  }
0x136: {  	v20 =	vmul.f32 v20, v24  }
0x137: {  	v21 =	vmul.f32 v21, v23;
	_ =	sdelay $0x1  }
0x138: {  	v20 =	vadd.f32 v21, v20;
	_ =	sdelay $0x1  }
0x139: {  	[tilespmem:$0x19CE0] =	vst v20  }
0x13a: {  	v20 =	vld [tilespmem:s25+$0xFFFFFFF0]  }
0x13b: {  	v21 =	vld [tilespmem:s25+$0xFFFFFFE0];
	_ =	sdelay $0x3  }
0x13c: {  	v20 =	vmul.f32 v20, v23  }
0x13d: {  	v21 =	vmul.f32 v21, v24;
	_ =	sdelay $0x1  }
0x13e: {  	v20 =	vadd.f32 v20, v21;
	_ =	sdelay $0x1  }
0x13f: {  	[tilespmem:$0x19CF0] =	vst v20  }
0x140: {  	v20 =	vld [tilespmem:s25+$0x0]  }
0x141: {  	v21 =	vld [tilespmem:s25+$0x10];
	_ =	sdelay $0x3  }
0x142: {  	v20 =	vmul.f32 v20, v18  }
0x143: {  	v21 =	vmul.f32 v21, v19;
	_ =	sdelay $0x1  }
0x144: {  	v20 =	vadd.f32 v21, v20;
	_ =	sdelay $0x1  }
0x145: {  	[tilespmem:$0x19D00] =	vst v20  }
0x146: {  	v20 =	vld [tilespmem:s25+$0x20]  }
0x147: {  	v21 =	vld [tilespmem:s25+$0x30];
	_ =	sdelay $0x3  }
0x148: {  	v20 =	vmul.f32 v20, v18  }
0x149: {  	v21 =	vmul.f32 v21, v19;
	_ =	sdelay $0x1  }
0x14a: {  	v20 =	vadd.f32 v21, v20;
	_ =	sdelay $0x1  }
0x14b: {  	[tilespmem:$0x19D10] =	vst v20  }
0x14c: {  	v20 =	vld [tilespmem:s25+$0x40]  }
0x14d: {  	v21 =	vld [tilespmem:s25+$0x50];
	_ =	sdelay $0x3  }
0x14e: {  	v20 =	vmul.f32 v20, v18  }
0x14f: {  	v21 =	vmul.f32 v21, v19;
	_ =	sdelay $0x1  }
0x150: {  	v20 =	vadd.f32 v21, v20;
	_ =	sdelay $0x1  }
0x151: {  	[tilespmem:$0x19D20] =	vst v20  }
0x152: {  	v20 =	vld [tilespmem:s25+$0x60]  }
0x153: {  	v21 =	vld [tilespmem:s25+$0x70];
	_ =	sdelay $0x3  }
0x154: {  	v18 =	vmul.f32 v20, v18  }
0x155: {  	v19 =	vmul.f32 v21, v19;
	_ =	sdelay $0x1  }
0x156: {  	v18 =	vadd.f32 v19, v18;
	_ =	sdelay $0x1  }
0x157: {  	[tilespmem:$0x19D30] =	vst v18  }
0x158: {  	v18 =	vld [tilespmem:s25+$0x90]  }
0x159: {  	v19 =	vld [tilespmem:s25+$0x80];
	_ =	sdelay $0x3  }
0x15a: {  	v18 =	vmul.f32 v18, v16  }
0x15b: {  	v19 =	vmul.f32 v19, v17;
	_ =	sdelay $0x1  }
0x15c: {  	v18 =	vadd.f32 v18, v19;
	_ =	sdelay $0x1  }
0x15d: {  	[tilespmem:$0x19D40] =	vst v18  }
0x15e: {  	v18 =	vld [tilespmem:s25+$0xA0]  }
0x15f: {  	v19 =	vld [tilespmem:s25+$0xB0];
	_ =	sdelay $0x3  }
0x160: {  	v18 =	vmul.f32 v18, v17  }
0x161: {  	v19 =	vmul.f32 v19, v16;
	_ =	sdelay $0x1  }
0x162: {  	v18 =	vadd.f32 v19, v18;
	_ =	sdelay $0x1  }
0x163: {  	[tilespmem:$0x19D50] =	vst v18  }
0x164: {  	v18 =	vld [tilespmem:s25+$0xC0]  }
0x165: {  	v19 =	vld [tilespmem:s25+$0xD0];
	_ =	sdelay $0x3  }
0x166: {  	v18 =	vmul.f32 v18, v17  }
0x167: {  	v19 =	vmul.f32 v19, v16;
	_ =	sdelay $0x1  }
0x168: {  	v18 =	vadd.f32 v19, v18;
	_ =	sdelay $0x1  }
0x169: {  	[tilespmem:$0x19D60] =	vst v18  }
0x16a: {  	v18 =	vld [tilespmem:s25+$0xE0]  }
0x16b: {  	v19 =	vld [tilespmem:s25+$0xF0];
	_ =	sdelay $0x3  }
0x16c: {  	v17 =	vmul.f32 v18, v17  }
0x16d: {  	v16 =	vmul.f32 v19, v16;
	_ =	sdelay $0x1  }
0x16e: {  	v16 =	vadd.f32 v16, v17;
	_ =	sdelay $0x1  }
0x16f: {  	[tilespmem:$0x19D70] =	vst v16  }
0x170: {  	v16 =	vld.idx.msk [tilespmem:v0+s21+$0x0], $0xffff  }
0x171: {  	v17 =	vld.idx.msk [tilespmem:v1+s21+$0x0], $0xffff  }
0x172: {  	v18 =	vld.idx.msk [tilespmem:v2+s21+$0x0], $0xffff  }
0x173: {  	v20 =	vld.idx.msk [tilespmem:v3+s21+$0x0], $0xffff  }
0x174: {  	v21 =	vld.idx.msk [tilespmem:v4+s21+$0x0], $0xffff  }
0x175: {  	v24 =	vld.idx.msk [tilespmem:v5+s21+$0x0], $0xffff  }
0x176: {  	v16 =	vadd.f32 $0.0e+00, v16;
	v25 =	vld.idx.msk [tilespmem:v6+s21+$0x0], $0xffff  }
0x177: {  	v26 =	vld.idx.msk [tilespmem:v7+s21+$0x0], $0xffff  }
0x178: {  	v17 =	vadd.f32 v17, v16;
	v23 =	vld.idx.msk [tilespmem:v8+s21+$0x0], $0xffff  }
0x179: {  	v16 =	vld.idx.msk [tilespmem:v9+s21+$0x0], $0xffff  }
0x17a: {  	v18 =	vadd.f32 v18, v17;
	v19 =	vld.idx.msk [tilespmem:v10+s21+$0x0], $0xffff  }
0x17b: {  	v17 =	vld.idx.msk [tilespmem:v11+s21+$0x0], $0xffff  }
0x17c: {  	v22 =	vadd.f32 v20, v18;
	v20 =	vld.idx.msk [tilespmem:v12+s21+$0x0], $0xffff  }
0x17d: {  	v18 =	vld.idx.msk [tilespmem:v13+s21+$0x0], $0xffff  }
0x17e: {  	v27 =	vadd.f32 v21, v22;
	v21 =	vld.idx.msk [tilespmem:v14+s21+$0x0], $0xffff  }
0x17f: {  	v22 =	vld.idx.msk [tilespmem:v15+s21+$0x0], $0xffff  }
.Ltmp0:
0x180: {  	v24 =	vadd.f32 v24, v27;
	(pc) =	sbr.rel @p0 .LBB2_2-.Ltmp0, $3  }
0x181: {  	_ = 	snop  }
0x182: {  	v24 =	vadd.f32 v25, v24;
	_ =	sdelay $0x1  }
0x183: {  	v24 =	vadd.f32 v26, v24  }
0x184: {  	_ = 	snop  }
0x185: {  	v23 =	vadd.f32 v23, v24;
	_ =	sdelay $0x1  }
0x186: {  	v16 =	vadd.f32 v16, v23;
	_ =	sdelay $0x1  }
0x187: {  	v16 =	vadd.f32 v19, v16;
	_ =	sdelay $0x1  }
0x188: {  	v16 =	vadd.f32 v17, v16;
	_ =	sdelay $0x1  }
0x189: {  	v16 =	vadd.f32 v20, v16;
	_ =	sdelay $0x1  }
0x18a: {  	v16 =	vadd.f32 v18, v16;
	_ =	sdelay $0x1  }
0x18b: {  	v16 =	vadd.f32 v21, v16;
	_ =	sdelay $0x1  }
0x18c: {  	v16 =	vadd.f32 v22, v16  }
0x18d: {  	s25 =	sshra.s32 s26, $0x2  }
0x18e: {  	s26 =	simm.s32 $0x6180;
	[tilespmem:s25+$0x19D80] =	vst v16;
	s25 =	simm.s32 $0x0  }
.LBB2_4:
0x18f: {  	v22 =	vld [tilespmem:s24+$0xFFFFFFC0]  }
0x190: {  	v23 =	vld [tilespmem:s24+$0xFFFFFFD0]  }
0x191: {  	v16 =	vld [tilespmem:s26+$0xFFFFFB00]  }
0x192: {  	v17 =	vld [tilespmem:s26+$0xFFFFFB10];
	_ =	sdelay $0x3  }
0x193: {  	v20 =	vld [tilespmem:s24+$0xFFFFFFE0]  }
0x194: {  	v21 =	vld [tilespmem:s24+$0xFFFFFFF0];
	v24 =	vmul.f32 v16, v22;
	v17 =	vmul.f32 v17, v23  }
0x195: {  	v18 =	vld [tilespmem:s24+$0x0]  }
0x196: {  	v19 =	vld [tilespmem:s24+$0x10];
	v24 =	vadd.f32 v17, v24  }
0x197: {  	v16 =	vld [tilespmem:s24+$0x20]  }
0x198: {  	v17 =	vld [tilespmem:s24+$0x30];
	[tilespmem:$0x19C80] =	vst v24  }
0x199: {  	v24 =	vld [tilespmem:s26+$0xFFFFFB20]  }
0x19a: {  	v25 =	vld [tilespmem:s26+$0xFFFFFB30];
	_ =	sdelay $0x4  }
0x19b: {  	v24 =	vmul.f32 v24, v22;
	v25 =	vmul.f32 v25, v23;
	_ =	sdelay $0x1  }
0x19c: {  	v24 =	vadd.f32 v25, v24;
	_ =	sdelay $0x1  }
0x19d: {  	[tilespmem:$0x19C90] =	vst v24  }
0x19e: {  	v24 =	vld [tilespmem:s26+$0xFFFFFB40]  }
0x19f: {  	v34 =	vld [tilespmem:s26+$0xFFFFFB50];
	_ =	sdelay $0x4  }
0x1a0: {  	v24 =	vmul.f32 v24, v22;
	v25 =	vmul.f32 v34, v23;
	_ =	sdelay $0x1  }
0x1a1: {  	v24 =	vadd.f32 v25, v24;
	_ =	sdelay $0x1  }
0x1a2: {  	[tilespmem:$0x19CA0] =	vst v24  }
0x1a3: {  	v24 =	vld [tilespmem:s26+$0xFFFFFB60]  }
0x1a4: {  	v35 =	vld [tilespmem:s26+$0xFFFFFB70];
	_ =	sdelay $0x4  }
0x1a5: {  	v24 =	vmul.f32 v24, v22;
	v25 =	vmul.f32 v35, v23;
	_ =	sdelay $0x1  }
0x1a6: {  	v24 =	vadd.f32 v25, v24;
	_ =	sdelay $0x1  }
0x1a7: {  	[tilespmem:$0x19CB0] =	vst v24  }
0x1a8: {  	v24 =	vld [tilespmem:s26+$0xFFFFFB80]  }
0x1a9: {  	v36 =	vld [tilespmem:s26+$0xFFFFFB90];
	_ =	sdelay $0x4  }
0x1aa: {  	v24 =	vmul.f32 v24, v22;
	v25 =	vmul.f32 v36, v23;
	_ =	sdelay $0x1  }
0x1ab: {  	v24 =	vadd.f32 v25, v24;
	_ =	sdelay $0x1  }
0x1ac: {  	[tilespmem:$0x19CC0] =	vst v24  }
0x1ad: {  	v24 =	vld [tilespmem:s26+$0xFFFFFBA0]  }
0x1ae: {  	v37 =	vld [tilespmem:s26+$0xFFFFFBB0];
	_ =	sdelay $0x4  }
0x1af: {  	v24 =	vmul.f32 v24, v22;
	v25 =	vmul.f32 v37, v23;
	_ =	sdelay $0x1  }
0x1b0: {  	v24 =	vadd.f32 v25, v24;
	_ =	sdelay $0x1  }
0x1b1: {  	[tilespmem:$0x19CD0] =	vst v24  }
0x1b2: {  	v24 =	vld [tilespmem:s26+$0xFFFFFBC0]  }
0x1b3: {  	v38 =	vld [tilespmem:s26+$0xFFFFFBD0];
	_ =	sdelay $0x4  }
0x1b4: {  	v24 =	vmul.f32 v24, v22;
	v25 =	vmul.f32 v38, v23;
	_ =	sdelay $0x1  }
0x1b5: {  	v24 =	vadd.f32 v25, v24;
	_ =	sdelay $0x1  }
0x1b6: {  	[tilespmem:$0x19CE0] =	vst v24  }
0x1b7: {  	v24 =	vld [tilespmem:s26+$0xFFFFFBE0]  }
0x1b8: {  	v39 =	vld [tilespmem:s26+$0xFFFFFBF0];
	_ =	sdelay $0x4  }
0x1b9: {  	v24 =	vmul.f32 v24, v22;
	v25 =	vmul.f32 v39, v23;
	_ =	sdelay $0x1  }
0x1ba: {  	v24 =	vadd.f32 v25, v24;
	_ =	sdelay $0x1  }
0x1bb: {  	[tilespmem:$0x19CF0] =	vst v24  }
0x1bc: {  	v24 =	vld [tilespmem:s26+$0xFFFFFC00]  }
0x1bd: {  	v40 =	vld [tilespmem:s26+$0xFFFFFC10];
	_ =	sdelay $0x4  }
0x1be: {  	v24 =	vmul.f32 v24, v22;
	v25 =	vmul.f32 v40, v23;
	_ =	sdelay $0x1  }
0x1bf: {  	v24 =	vadd.f32 v25, v24;
	_ =	sdelay $0x1  }
0x1c0: {  	[tilespmem:$0x19D00] =	vst v24  }
0x1c1: {  	v24 =	vld [tilespmem:s26+$0xFFFFFC20]  }
0x1c2: {  	v41 =	vld [tilespmem:s26+$0xFFFFFC30];
	_ =	sdelay $0x4  }
0x1c3: {  	v24 =	vmul.f32 v24, v22;
	v25 =	vmul.f32 v41, v23;
	_ =	sdelay $0x1  }
0x1c4: {  	v24 =	vadd.f32 v25, v24;
	_ =	sdelay $0x1  }
0x1c5: {  	[tilespmem:$0x19D10] =	vst v24  }
0x1c6: {  	v24 =	vld [tilespmem:s26+$0xFFFFFC40]  }
0x1c7: {  	v42 =	vld [tilespmem:s26+$0xFFFFFC50];
	_ =	sdelay $0x4  }
0x1c8: {  	v24 =	vmul.f32 v24, v22;
	v25 =	vmul.f32 v42, v23;
	_ =	sdelay $0x1  }
0x1c9: {  	v24 =	vadd.f32 v25, v24;
	_ =	sdelay $0x1  }
0x1ca: {  	[tilespmem:$0x19D20] =	vst v24  }
0x1cb: {  	v24 =	vld [tilespmem:s26+$0xFFFFFC60]  }
0x1cc: {  	v43 =	vld [tilespmem:s26+$0xFFFFFC70];
	_ =	sdelay $0x4  }
0x1cd: {  	v24 =	vmul.f32 v24, v22;
	v25 =	vmul.f32 v43, v23;
	_ =	sdelay $0x1  }
0x1ce: {  	v24 =	vadd.f32 v25, v24;
	_ =	sdelay $0x1  }
0x1cf: {  	[tilespmem:$0x19D30] =	vst v24  }
0x1d0: {  	v24 =	vld [tilespmem:s26+$0xFFFFFC80]  }
0x1d1: {  	v44 =	vld [tilespmem:s26+$0xFFFFFC90];
	_ =	sdelay $0x4  }
0x1d2: {  	v24 =	vmul.f32 v24, v22;
	v25 =	vmul.f32 v44, v23;
	_ =	sdelay $0x1  }
0x1d3: {  	v24 =	vadd.f32 v25, v24;
	_ =	sdelay $0x1  }
0x1d4: {  	[tilespmem:$0x19D40] =	vst v24  }
0x1d5: {  	v24 =	vld [tilespmem:s26+$0xFFFFFCA0]  }
0x1d6: {  	v45 =	vld [tilespmem:s26+$0xFFFFFCB0];
	_ =	sdelay $0x4  }
0x1d7: {  	v24 =	vmul.f32 v24, v22;
	v25 =	vmul.f32 v45, v23;
	_ =	sdelay $0x1  }
0x1d8: {  	v24 =	vadd.f32 v25, v24;
	_ =	sdelay $0x1  }
0x1d9: {  	[tilespmem:$0x19D50] =	vst v24  }
0x1da: {  	v24 =	vld [tilespmem:s26+$0xFFFFFCC0]  }
0x1db: {  	v46 =	vld [tilespmem:s26+$0xFFFFFCD0];
	_ =	sdelay $0x4  }
0x1dc: {  	v24 =	vmul.f32 v24, v22;
	v25 =	vmul.f32 v46, v23;
	_ =	sdelay $0x1  }
0x1dd: {  	v24 =	vadd.f32 v25, v24;
	_ =	sdelay $0x1  }
0x1de: {  	[tilespmem:$0x19D60] =	vst v24  }
0x1df: {  	v24 =	vld [tilespmem:s26+$0xFFFFFCE0]  }
0x1e0: {  	v47 =	vld [tilespmem:s26+$0xFFFFFCF0];
	_ =	sdelay $0x4  }
0x1e1: {  	v24 =	vmul.f32 v24, v22;
	v25 =	vmul.f32 v47, v23;
	_ =	sdelay $0x1  }
0x1e2: {  	v24 =	vadd.f32 v25, v24;
	_ =	sdelay $0x1  }
0x1e3: {  	[tilespmem:$0x19D70] =	vst v24  }
0x1e4: {  	v24 =	vld.idx.msk [tilespmem:v0+s21+$0x0], $0xffff;
	_ =	sdelay $0x1  }
0x1e5: {  	v48 =	vld.idx.msk [tilespmem:v1+s21+$0x0], $0xffff;
	_ =	sdelay $0x1  }
0x1e6: {  	v26 =	vld.idx.msk [tilespmem:v2+s21+$0x0], $0xffff  }
0x1e7: {  	v24 =	vsub.f32 $0.0e+00, v24  }
0x1e8: {  	v27 =	vld.idx.msk [tilespmem:v3+s21+$0x0], $0xffff  }
0x1e9: {  	v24 =	vsub.f32 v24, v48  }
0x1ea: {  	v49 =	vld.idx.msk [tilespmem:v4+s21+$0x0], $0xffff  }
0x1eb: {  	v24 =	vsub.f32 v24, v26  }
0x1ec: {  	v50 =	vld.idx.msk [tilespmem:v5+s21+$0x0], $0xffff  }
0x1ed: {  	v24 =	vsub.f32 v24, v27  }
0x1ee: {  	v51 =	vld.idx.msk [tilespmem:v6+s21+$0x0], $0xffff  }
0x1ef: {  	v24 =	vsub.f32 v24, v49  }
0x1f0: {  	v52 =	vld.idx.msk [tilespmem:v7+s21+$0x0], $0xffff  }
0x1f1: {  	v24 =	vsub.f32 v24, v50  }
0x1f2: {  	v53 =	vld.idx.msk [tilespmem:v8+s21+$0x0], $0xffff  }
0x1f3: {  	v24 =	vsub.f32 v24, v51  }
0x1f4: {  	v54 =	vld.idx.msk [tilespmem:v9+s21+$0x0], $0xffff  }
0x1f5: {  	v24 =	vsub.f32 v24, v52  }
0x1f6: {  	v55 =	vld.idx.msk [tilespmem:v10+s21+$0x0], $0xffff  }
0x1f7: {  	v24 =	vsub.f32 v24, v53  }
0x1f8: {  	v56 =	vld.idx.msk [tilespmem:v11+s21+$0x0], $0xffff  }
0x1f9: {  	v24 =	vsub.f32 v24, v54  }
0x1fa: {  	v57 =	vld.idx.msk [tilespmem:v12+s21+$0x0], $0xffff  }
0x1fb: {  	v24 =	vsub.f32 v24, v55  }
0x1fc: {  	v58 =	vld.idx.msk [tilespmem:v13+s21+$0x0], $0xffff  }
0x1fd: {  	v24 =	vsub.f32 v24, v56  }
0x1fe: {  	v59 =	vld.idx.msk [tilespmem:v14+s21+$0x0], $0xffff  }
0x1ff: {  	v24 =	vsub.f32 v24, v57  }
0x200: {  	v60 =	vld.idx.msk [tilespmem:v15+s21+$0x0], $0xffff  }
0x201: {  	v24 =	vsub.f32 v24, v58;
	_ =	sdelay $0x1  }
0x202: {  	v24 =	vsub.f32 v24, v59;
	_ =	sdelay $0x1  }
0x203: {  	v24 =	vsub.f32 v24, v60  }
0x204: {  	s28 =	sshra.s32 s25, $0x2  }
0x205: {  	[tilespmem:s28+$0x19F80] =	vst v24  }
0x206: {  	v24 =	vld [tilespmem:s26+$0xFFFFFD00]  }
0x207: {  	v61 =	vld [tilespmem:s26+$0xFFFFFD10];
	_ =	sdelay $0x4  }
0x208: {  	v24 =	vmul.f32 v24, v22;
	v25 =	vmul.f32 v61, v23;
	_ =	sdelay $0x1  }
0x209: {  	v24 =	vadd.f32 v25, v24;
	_ =	sdelay $0x1  }
0x20a: {  	[tilespmem:$0x19C80] =	vst v24  }
0x20b: {  	v24 =	vld [tilespmem:s26+$0xFFFFFD20]  }
0x20c: {  	v62 =	vld [tilespmem:s26+$0xFFFFFD30];
	_ =	sdelay $0x4  }
0x20d: {  	v24 =	vmul.f32 v24, v22;
	v25 =	vmul.f32 v62, v23;
	_ =	sdelay $0x1  }
0x20e: {  	v24 =	vadd.f32 v25, v24;
	_ =	sdelay $0x1  }
0x20f: {  	[tilespmem:$0x19C90] =	vst v24  }
0x210: {  	v24 =	vld [tilespmem:s26+$0xFFFFFD40]  }
0x211: {  	v63 =	vld [tilespmem:s26+$0xFFFFFD50];
	_ =	sdelay $0x4  }
0x212: {  	v24 =	vmul.f32 v24, v22;
	v25 =	vmul.f32 v63, v23;
	_ =	sdelay $0x1  }
0x213: {  	v24 =	vadd.f32 v25, v24;
	_ =	sdelay $0x1  }
0x214: {  	[tilespmem:$0x19CA0] =	vst v24  }
0x215: {  	v24 =	vld [tilespmem:s26+$0xFFFFFD60]  }
0x216: {  	v28 =	vld [tilespmem:s26+$0xFFFFFD70];
	_ =	sdelay $0x4  }
0x217: {  	v22 =	vmul.f32 v24, v22;
	v23 =	vmul.f32 v28, v23;
	_ =	sdelay $0x1  }
0x218: {  	v22 =	vadd.f32 v23, v22;
	_ =	sdelay $0x1  }
0x219: {  	[tilespmem:$0x19CB0] =	vst v22  }
0x21a: {  	v22 =	vld [tilespmem:s26+$0xFFFFFD80]  }
0x21b: {  	v29 =	vld [tilespmem:s26+$0xFFFFFD90];
	_ =	sdelay $0x4  }
0x21c: {  	v22 =	vmul.f32 v22, v20;
	v23 =	vmul.f32 v29, v21;
	_ =	sdelay $0x1  }
0x21d: {  	v22 =	vadd.f32 v23, v22;
	_ =	sdelay $0x1  }
0x21e: {  	[tilespmem:$0x19CC0] =	vst v22  }
0x21f: {  	v22 =	vld [tilespmem:s26+$0xFFFFFDA0]  }
0x220: {  	v30 =	vld [tilespmem:s26+$0xFFFFFDB0];
	_ =	sdelay $0x4  }
0x221: {  	v22 =	vmul.f32 v22, v20;
	v23 =	vmul.f32 v30, v21;
	_ =	sdelay $0x1  }
0x222: {  	v22 =	vadd.f32 v23, v22;
	_ =	sdelay $0x1  }
0x223: {  	[tilespmem:$0x19CD0] =	vst v22  }
0x224: {  	v22 =	vld [tilespmem:s26+$0xFFFFFDC0]  }
0x225: {  	v31 =	vld [tilespmem:s26+$0xFFFFFDD0];
	_ =	sdelay $0x4  }
0x226: {  	v22 =	vmul.f32 v22, v20;
	v23 =	vmul.f32 v31, v21;
	_ =	sdelay $0x1  }
0x227: {  	v22 =	vadd.f32 v23, v22;
	_ =	sdelay $0x1  }
0x228: {  	[tilespmem:$0x19CE0] =	vst v22  }
0x229: {  	v22 =	vld [tilespmem:s26+$0xFFFFFDE0]  }
0x22a: {  	v32 =	vld [tilespmem:s26+$0xFFFFFDF0];
	_ =	sdelay $0x4  }
0x22b: {  	v22 =	vmul.f32 v22, v20;
	v23 =	vmul.f32 v32, v21;
	_ =	sdelay $0x1  }
0x22c: {  	v22 =	vadd.f32 v23, v22;
	_ =	sdelay $0x1  }
0x22d: {  	[tilespmem:$0x19CF0] =	vst v22  }
0x22e: {  	v22 =	vld [tilespmem:s26+$0xFFFFFE00]  }
0x22f: {  	v33 =	vld [tilespmem:s26+$0xFFFFFE10];
	_ =	sdelay $0x4  }
0x230: {  	v22 =	vmul.f32 v22, v20;
	v23 =	vmul.f32 v33, v21;
	_ =	sdelay $0x1  }
0x231: {  	v22 =	vadd.f32 v23, v22;
	_ =	sdelay $0x1  }
0x232: {  	[tilespmem:$0x19D00] =	vst v22  }
0x233: {  	v22 =	vld [tilespmem:s26+$0xFFFFFE20]  }
0x234: {  	v34 =	vld [tilespmem:s26+$0xFFFFFE30];
	_ =	sdelay $0x4  }
0x235: {  	v22 =	vmul.f32 v22, v20;
	v23 =	vmul.f32 v34, v21;
	_ =	sdelay $0x1  }
0x236: {  	v22 =	vadd.f32 v23, v22;
	_ =	sdelay $0x1  }
0x237: {  	[tilespmem:$0x19D10] =	vst v22  }
0x238: {  	v22 =	vld [tilespmem:s26+$0xFFFFFE40]  }
0x239: {  	v35 =	vld [tilespmem:s26+$0xFFFFFE50];
	_ =	sdelay $0x4  }
0x23a: {  	v22 =	vmul.f32 v22, v20;
	v23 =	vmul.f32 v35, v21;
	_ =	sdelay $0x1  }
0x23b: {  	v22 =	vadd.f32 v23, v22;
	_ =	sdelay $0x1  }
0x23c: {  	[tilespmem:$0x19D20] =	vst v22  }
0x23d: {  	v22 =	vld [tilespmem:s26+$0xFFFFFE60]  }
0x23e: {  	v36 =	vld [tilespmem:s26+$0xFFFFFE70];
	_ =	sdelay $0x4  }
0x23f: {  	v22 =	vmul.f32 v22, v20;
	v23 =	vmul.f32 v36, v21;
	_ =	sdelay $0x1  }
0x240: {  	v22 =	vadd.f32 v23, v22;
	_ =	sdelay $0x1  }
0x241: {  	[tilespmem:$0x19D30] =	vst v22  }
0x242: {  	v22 =	vld [tilespmem:s26+$0xFFFFFE80]  }
0x243: {  	v37 =	vld [tilespmem:s26+$0xFFFFFE90];
	_ =	sdelay $0x4  }
0x244: {  	v22 =	vmul.f32 v22, v20;
	v23 =	vmul.f32 v37, v21;
	_ =	sdelay $0x1  }
0x245: {  	v22 =	vadd.f32 v23, v22;
	_ =	sdelay $0x1  }
0x246: {  	[tilespmem:$0x19D40] =	vst v22  }
0x247: {  	v22 =	vld [tilespmem:s26+$0xFFFFFEA0]  }
0x248: {  	v38 =	vld [tilespmem:s26+$0xFFFFFEB0];
	_ =	sdelay $0x4  }
0x249: {  	v22 =	vmul.f32 v22, v20;
	v23 =	vmul.f32 v38, v21;
	_ =	sdelay $0x1  }
0x24a: {  	v22 =	vadd.f32 v23, v22;
	_ =	sdelay $0x1  }
0x24b: {  	[tilespmem:$0x19D50] =	vst v22  }
0x24c: {  	v22 =	vld [tilespmem:s26+$0xFFFFFEC0]  }
0x24d: {  	v39 =	vld [tilespmem:s26+$0xFFFFFED0];
	_ =	sdelay $0x4  }
0x24e: {  	v22 =	vmul.f32 v22, v20;
	v23 =	vmul.f32 v39, v21;
	_ =	sdelay $0x1  }
0x24f: {  	v22 =	vadd.f32 v23, v22;
	_ =	sdelay $0x1  }
0x250: {  	[tilespmem:$0x19D60] =	vst v22  }
0x251: {  	v22 =	vld [tilespmem:s26+$0xFFFFFEE0]  }
0x252: {  	v40 =	vld [tilespmem:s26+$0xFFFFFEF0];
	_ =	sdelay $0x4  }
0x253: {  	v22 =	vmul.f32 v22, v20;
	v23 =	vmul.f32 v40, v21;
	_ =	sdelay $0x1  }
0x254: {  	v22 =	vadd.f32 v23, v22;
	_ =	sdelay $0x1  }
0x255: {  	[tilespmem:$0x19D70] =	vst v22  }
0x256: {  	v22 =	vld.idx.msk [tilespmem:v0+s21+$0x0], $0xffff;
	_ =	sdelay $0x1  }
0x257: {  	v41 =	vld.idx.msk [tilespmem:v1+s21+$0x0], $0xffff;
	_ =	sdelay $0x1  }
0x258: {  	v42 =	vld.idx.msk [tilespmem:v2+s21+$0x0], $0xffff  }
0x259: {  	v22 =	vsub.f32 $0.0e+00, v22  }
0x25a: {  	v43 =	vld.idx.msk [tilespmem:v3+s21+$0x0], $0xffff  }
0x25b: {  	v22 =	vsub.f32 v22, v41  }
0x25c: {  	v44 =	vld.idx.msk [tilespmem:v4+s21+$0x0], $0xffff  }
0x25d: {  	v22 =	vsub.f32 v22, v42  }
0x25e: {  	v45 =	vld.idx.msk [tilespmem:v5+s21+$0x0], $0xffff  }
0x25f: {  	v22 =	vsub.f32 v22, v43  }
0x260: {  	v46 =	vld.idx.msk [tilespmem:v6+s21+$0x0], $0xffff  }
0x261: {  	v22 =	vsub.f32 v22, v44  }
0x262: {  	v47 =	vld.idx.msk [tilespmem:v7+s21+$0x0], $0xffff  }
0x263: {  	v22 =	vsub.f32 v22, v45  }
0x264: {  	v48 =	vld.idx.msk [tilespmem:v8+s21+$0x0], $0xffff  }
0x265: {  	v22 =	vsub.f32 v22, v46  }
0x266: {  	v49 =	vld.idx.msk [tilespmem:v9+s21+$0x0], $0xffff  }
0x267: {  	v22 =	vsub.f32 v22, v47  }
0x268: {  	v50 =	vld.idx.msk [tilespmem:v10+s21+$0x0], $0xffff  }
0x269: {  	v22 =	vsub.f32 v22, v48  }
0x26a: {  	v51 =	vld.idx.msk [tilespmem:v11+s21+$0x0], $0xffff  }
0x26b: {  	v22 =	vsub.f32 v22, v49  }
0x26c: {  	v52 =	vld.idx.msk [tilespmem:v12+s21+$0x0], $0xffff  }
0x26d: {  	v22 =	vsub.f32 v22, v50  }
0x26e: {  	v53 =	vld.idx.msk [tilespmem:v13+s21+$0x0], $0xffff  }
0x26f: {  	v22 =	vsub.f32 v22, v51  }
0x270: {  	v54 =	vld.idx.msk [tilespmem:v14+s21+$0x0], $0xffff  }
0x271: {  	v22 =	vsub.f32 v22, v52  }
0x272: {  	v55 =	vld.idx.msk [tilespmem:v15+s21+$0x0], $0xffff  }
0x273: {  	v22 =	vsub.f32 v22, v53;
	_ =	sdelay $0x1  }
0x274: {  	v22 =	vsub.f32 v22, v54;
	_ =	sdelay $0x1  }
0x275: {  	v22 =	vsub.f32 v22, v55;
	_ =	sdelay $0x1  }
0x276: {  	[tilespmem:s28+$0x19F90] =	vst v22  }
0x277: {  	v22 =	vld [tilespmem:s26+$0xFFFFFF00]  }
0x278: {  	v56 =	vld [tilespmem:s26+$0xFFFFFF10];
	_ =	sdelay $0x4  }
0x279: {  	v22 =	vmul.f32 v22, v20;
	v23 =	vmul.f32 v56, v21;
	_ =	sdelay $0x1  }
0x27a: {  	v22 =	vadd.f32 v23, v22;
	_ =	sdelay $0x1  }
0x27b: {  	[tilespmem:$0x19C80] =	vst v22  }
0x27c: {  	v22 =	vld [tilespmem:s26+$0xFFFFFF20]  }
0x27d: {  	v57 =	vld [tilespmem:s26+$0xFFFFFF30];
	_ =	sdelay $0x4  }
0x27e: {  	v22 =	vmul.f32 v22, v20;
	v23 =	vmul.f32 v57, v21;
	_ =	sdelay $0x1  }
0x27f: {  	v22 =	vadd.f32 v23, v22;
	_ =	sdelay $0x1  }
0x280: {  	[tilespmem:$0x19C90] =	vst v22  }
0x281: {  	v22 =	vld [tilespmem:s26+$0xFFFFFF40]  }
0x282: {  	v58 =	vld [tilespmem:s26+$0xFFFFFF50];
	_ =	sdelay $0x4  }
0x283: {  	v22 =	vmul.f32 v22, v20;
	v23 =	vmul.f32 v58, v21;
	_ =	sdelay $0x1  }
0x284: {  	v22 =	vadd.f32 v23, v22;
	_ =	sdelay $0x1  }
0x285: {  	[tilespmem:$0x19CA0] =	vst v22  }
0x286: {  	v22 =	vld [tilespmem:s26+$0xFFFFFF60]  }
0x287: {  	v59 =	vld [tilespmem:s26+$0xFFFFFF70];
	_ =	sdelay $0x4  }
0x288: {  	v22 =	vmul.f32 v22, v20;
	v23 =	vmul.f32 v59, v21;
	_ =	sdelay $0x1  }
0x289: {  	v22 =	vadd.f32 v23, v22;
	_ =	sdelay $0x1  }
0x28a: {  	[tilespmem:$0x19CB0] =	vst v22  }
0x28b: {  	v22 =	vld [tilespmem:s26+$0xFFFFFF80]  }
0x28c: {  	v60 =	vld [tilespmem:s26+$0xFFFFFF90];
	_ =	sdelay $0x4  }
0x28d: {  	v22 =	vmul.f32 v22, v20;
	v23 =	vmul.f32 v60, v21;
	_ =	sdelay $0x1  }
0x28e: {  	v22 =	vadd.f32 v23, v22;
	_ =	sdelay $0x1  }
0x28f: {  	[tilespmem:$0x19CC0] =	vst v22  }
0x290: {  	v22 =	vld [tilespmem:s26+$0xFFFFFFA0]  }
0x291: {  	v61 =	vld [tilespmem:s26+$0xFFFFFFB0];
	_ =	sdelay $0x4  }
0x292: {  	v22 =	vmul.f32 v22, v20;
	v23 =	vmul.f32 v61, v21;
	_ =	sdelay $0x1  }
0x293: {  	v22 =	vadd.f32 v23, v22;
	_ =	sdelay $0x1  }
0x294: {  	[tilespmem:$0x19CD0] =	vst v22  }
0x295: {  	v22 =	vld [tilespmem:s26+$0xFFFFFFC0]  }
0x296: {  	v62 =	vld [tilespmem:s26+$0xFFFFFFD0];
	_ =	sdelay $0x4  }
0x297: {  	v22 =	vmul.f32 v22, v20;
	v23 =	vmul.f32 v62, v21;
	_ =	sdelay $0x1  }
0x298: {  	v22 =	vadd.f32 v23, v22;
	_ =	sdelay $0x1  }
0x299: {  	[tilespmem:$0x19CE0] =	vst v22  }
0x29a: {  	v22 =	vld [tilespmem:s26+$0xFFFFFFE0]  }
0x29b: {  	v63 =	vld [tilespmem:s26+$0xFFFFFFF0];
	_ =	sdelay $0x4  }
0x29c: {  	v20 =	vmul.f32 v22, v20;
	v21 =	vmul.f32 v63, v21;
	_ =	sdelay $0x1  }
0x29d: {  	v20 =	vadd.f32 v21, v20;
	_ =	sdelay $0x1  }
0x29e: {  	[tilespmem:$0x19CF0] =	vst v20  }
0x29f: {  	v20 =	vld [tilespmem:s26+$0x0]  }
0x2a0: {  	v24 =	vld [tilespmem:s26+$0x10];
	_ =	sdelay $0x4  }
0x2a1: {  	v20 =	vmul.f32 v20, v18;
	v21 =	vmul.f32 v24, v19;
	_ =	sdelay $0x1  }
0x2a2: {  	v20 =	vadd.f32 v21, v20;
	_ =	sdelay $0x1  }
0x2a3: {  	[tilespmem:$0x19D00] =	vst v20  }
0x2a4: {  	v20 =	vld [tilespmem:s26+$0x20]  }
0x2a5: {  	v25 =	vld [tilespmem:s26+$0x30];
	_ =	sdelay $0x4  }
0x2a6: {  	v20 =	vmul.f32 v20, v18;
	v21 =	vmul.f32 v25, v19;
	_ =	sdelay $0x1  }
0x2a7: {  	v20 =	vadd.f32 v21, v20;
	_ =	sdelay $0x1  }
0x2a8: {  	[tilespmem:$0x19D10] =	vst v20  }
0x2a9: {  	v20 =	vld [tilespmem:s26+$0x40]  }
0x2aa: {  	v26 =	vld [tilespmem:s26+$0x50];
	_ =	sdelay $0x4  }
0x2ab: {  	v20 =	vmul.f32 v20, v18;
	v21 =	vmul.f32 v26, v19;
	_ =	sdelay $0x1  }
0x2ac: {  	v20 =	vadd.f32 v21, v20;
	_ =	sdelay $0x1  }
0x2ad: {  	[tilespmem:$0x19D20] =	vst v20  }
0x2ae: {  	v20 =	vld [tilespmem:s26+$0x60]  }
0x2af: {  	v27 =	vld [tilespmem:s26+$0x70];
	_ =	sdelay $0x4  }
0x2b0: {  	v20 =	vmul.f32 v20, v18;
	v21 =	vmul.f32 v27, v19;
	_ =	sdelay $0x1  }
0x2b1: {  	v20 =	vadd.f32 v21, v20;
	_ =	sdelay $0x1  }
0x2b2: {  	[tilespmem:$0x19D30] =	vst v20  }
0x2b3: {  	v20 =	vld [tilespmem:s26+$0x80]  }
0x2b4: {  	v28 =	vld [tilespmem:s26+$0x90];
	_ =	sdelay $0x4  }
0x2b5: {  	v20 =	vmul.f32 v20, v18;
	v21 =	vmul.f32 v28, v19;
	_ =	sdelay $0x1  }
0x2b6: {  	v20 =	vadd.f32 v21, v20;
	_ =	sdelay $0x1  }
0x2b7: {  	[tilespmem:$0x19D40] =	vst v20  }
0x2b8: {  	v20 =	vld [tilespmem:s26+$0xA0]  }
0x2b9: {  	v29 =	vld [tilespmem:s26+$0xB0];
	_ =	sdelay $0x4  }
0x2ba: {  	v20 =	vmul.f32 v20, v18;
	v21 =	vmul.f32 v29, v19;
	_ =	sdelay $0x1  }
0x2bb: {  	v20 =	vadd.f32 v21, v20;
	_ =	sdelay $0x1  }
0x2bc: {  	[tilespmem:$0x19D50] =	vst v20  }
0x2bd: {  	v20 =	vld [tilespmem:s26+$0xC0]  }
0x2be: {  	v30 =	vld [tilespmem:s26+$0xD0];
	_ =	sdelay $0x4  }
0x2bf: {  	v20 =	vmul.f32 v20, v18;
	v21 =	vmul.f32 v30, v19;
	_ =	sdelay $0x1  }
0x2c0: {  	v20 =	vadd.f32 v21, v20;
	_ =	sdelay $0x1  }
0x2c1: {  	[tilespmem:$0x19D60] =	vst v20  }
0x2c2: {  	v20 =	vld [tilespmem:s26+$0xE0]  }
0x2c3: {  	v31 =	vld [tilespmem:s26+$0xF0];
	_ =	sdelay $0x4  }
0x2c4: {  	v20 =	vmul.f32 v20, v18;
	v21 =	vmul.f32 v31, v19;
	_ =	sdelay $0x1  }
0x2c5: {  	v20 =	vadd.f32 v21, v20;
	_ =	sdelay $0x1  }
0x2c6: {  	[tilespmem:$0x19D70] =	vst v20  }
0x2c7: {  	v20 =	vld.idx.msk [tilespmem:v0+s21+$0x0], $0xffff;
	_ =	sdelay $0x1  }
0x2c8: {  	v32 =	vld.idx.msk [tilespmem:v1+s21+$0x0], $0xffff;
	_ =	sdelay $0x1  }
0x2c9: {  	v33 =	vld.idx.msk [tilespmem:v2+s21+$0x0], $0xffff  }
0x2ca: {  	v20 =	vsub.f32 $0.0e+00, v20  }
0x2cb: {  	v34 =	vld.idx.msk [tilespmem:v3+s21+$0x0], $0xffff  }
0x2cc: {  	v20 =	vsub.f32 v20, v32  }
0x2cd: {  	v35 =	vld.idx.msk [tilespmem:v4+s21+$0x0], $0xffff  }
0x2ce: {  	v20 =	vsub.f32 v20, v33  }
0x2cf: {  	v36 =	vld.idx.msk [tilespmem:v5+s21+$0x0], $0xffff  }
0x2d0: {  	v20 =	vsub.f32 v20, v34  }
0x2d1: {  	v37 =	vld.idx.msk [tilespmem:v6+s21+$0x0], $0xffff  }
0x2d2: {  	v20 =	vsub.f32 v20, v35  }
0x2d3: {  	v38 =	vld.idx.msk [tilespmem:v7+s21+$0x0], $0xffff  }
0x2d4: {  	v20 =	vsub.f32 v20, v36  }
0x2d5: {  	v39 =	vld.idx.msk [tilespmem:v8+s21+$0x0], $0xffff  }
0x2d6: {  	v20 =	vsub.f32 v20, v37  }
0x2d7: {  	v40 =	vld.idx.msk [tilespmem:v9+s21+$0x0], $0xffff  }
0x2d8: {  	v20 =	vsub.f32 v20, v38  }
0x2d9: {  	v41 =	vld.idx.msk [tilespmem:v10+s21+$0x0], $0xffff  }
0x2da: {  	v20 =	vsub.f32 v20, v39  }
0x2db: {  	v42 =	vld.idx.msk [tilespmem:v11+s21+$0x0], $0xffff  }
0x2dc: {  	v20 =	vsub.f32 v20, v40  }
0x2dd: {  	v43 =	vld.idx.msk [tilespmem:v12+s21+$0x0], $0xffff  }
0x2de: {  	v20 =	vsub.f32 v20, v41  }
0x2df: {  	v44 =	vld.idx.msk [tilespmem:v13+s21+$0x0], $0xffff  }
0x2e0: {  	v20 =	vsub.f32 v20, v42  }
0x2e1: {  	v45 =	vld.idx.msk [tilespmem:v14+s21+$0x0], $0xffff  }
0x2e2: {  	v20 =	vsub.f32 v20, v43  }
0x2e3: {  	v46 =	vld.idx.msk [tilespmem:v15+s21+$0x0], $0xffff  }
0x2e4: {  	v20 =	vsub.f32 v20, v44;
	_ =	sdelay $0x1  }
0x2e5: {  	v20 =	vsub.f32 v20, v45;
	_ =	sdelay $0x1  }
0x2e6: {  	v20 =	vsub.f32 v20, v46;
	_ =	sdelay $0x1  }
0x2e7: {  	[tilespmem:s28+$0x19FA0] =	vst v20  }
0x2e8: {  	v20 =	vld [tilespmem:s26+$0x100]  }
0x2e9: {  	v47 =	vld [tilespmem:s26+$0x110];
	_ =	sdelay $0x4  }
0x2ea: {  	v20 =	vmul.f32 v20, v18;
	v21 =	vmul.f32 v47, v19;
	_ =	sdelay $0x1  }
0x2eb: {  	v20 =	vadd.f32 v21, v20;
	_ =	sdelay $0x1  }
0x2ec: {  	[tilespmem:$0x19C80] =	vst v20  }
0x2ed: {  	v20 =	vld [tilespmem:s26+$0x120]  }
0x2ee: {  	v48 =	vld [tilespmem:s26+$0x130];
	_ =	sdelay $0x4  }
0x2ef: {  	v20 =	vmul.f32 v20, v18;
	v21 =	vmul.f32 v48, v19;
	_ =	sdelay $0x1  }
0x2f0: {  	v20 =	vadd.f32 v21, v20;
	_ =	sdelay $0x1  }
0x2f1: {  	[tilespmem:$0x19C90] =	vst v20  }
0x2f2: {  	v20 =	vld [tilespmem:s26+$0x140]  }
0x2f3: {  	v49 =	vld [tilespmem:s26+$0x150];
	_ =	sdelay $0x4  }
0x2f4: {  	v20 =	vmul.f32 v20, v18;
	v21 =	vmul.f32 v49, v19;
	_ =	sdelay $0x1  }
0x2f5: {  	v20 =	vadd.f32 v21, v20;
	_ =	sdelay $0x1  }
0x2f6: {  	[tilespmem:$0x19CA0] =	vst v20  }
0x2f7: {  	v20 =	vld [tilespmem:s26+$0x160]  }
0x2f8: {  	v50 =	vld [tilespmem:s26+$0x170];
	_ =	sdelay $0x4  }
0x2f9: {  	v20 =	vmul.f32 v20, v18;
	v21 =	vmul.f32 v50, v19;
	_ =	sdelay $0x1  }
0x2fa: {  	v20 =	vadd.f32 v21, v20;
	_ =	sdelay $0x1  }
0x2fb: {  	[tilespmem:$0x19CB0] =	vst v20  }
0x2fc: {  	v20 =	vld [tilespmem:s26+$0x180]  }
0x2fd: {  	v51 =	vld [tilespmem:s26+$0x190];
	_ =	sdelay $0x4  }
0x2fe: {  	v20 =	vmul.f32 v20, v18;
	v21 =	vmul.f32 v51, v19;
	_ =	sdelay $0x1  }
0x2ff: {  	v20 =	vadd.f32 v21, v20;
	_ =	sdelay $0x1  }
0x300: {  	[tilespmem:$0x19CC0] =	vst v20  }
0x301: {  	v20 =	vld [tilespmem:s26+$0x1A0]  }
0x302: {  	v52 =	vld [tilespmem:s26+$0x1B0];
	_ =	sdelay $0x4  }
0x303: {  	v20 =	vmul.f32 v20, v18;
	v21 =	vmul.f32 v52, v19;
	_ =	sdelay $0x1  }
0x304: {  	v20 =	vadd.f32 v21, v20;
	_ =	sdelay $0x1  }
0x305: {  	[tilespmem:$0x19CD0] =	vst v20  }
0x306: {  	v20 =	vld [tilespmem:s26+$0x1C0]  }
0x307: {  	v53 =	vld [tilespmem:s26+$0x1D0];
	_ =	sdelay $0x4  }
0x308: {  	v20 =	vmul.f32 v20, v18;
	v21 =	vmul.f32 v53, v19;
	_ =	sdelay $0x1  }
0x309: {  	v20 =	vadd.f32 v21, v20;
	_ =	sdelay $0x1  }
0x30a: {  	[tilespmem:$0x19CE0] =	vst v20  }
0x30b: {  	v20 =	vld [tilespmem:s26+$0x1E0]  }
0x30c: {  	v54 =	vld [tilespmem:s26+$0x1F0];
	_ =	sdelay $0x4  }
0x30d: {  	v20 =	vmul.f32 v20, v18;
	v21 =	vmul.f32 v54, v19;
	_ =	sdelay $0x1  }
0x30e: {  	v20 =	vadd.f32 v21, v20;
	_ =	sdelay $0x1  }
0x30f: {  	[tilespmem:$0x19CF0] =	vst v20  }
0x310: {  	v20 =	vld [tilespmem:s26+$0x200]  }
0x311: {  	v55 =	vld [tilespmem:s26+$0x210];
	_ =	sdelay $0x4  }
0x312: {  	v20 =	vmul.f32 v20, v18;
	v21 =	vmul.f32 v55, v19;
	_ =	sdelay $0x1  }
0x313: {  	v20 =	vadd.f32 v21, v20;
	_ =	sdelay $0x1  }
0x314: {  	[tilespmem:$0x19D00] =	vst v20  }
0x315: {  	v20 =	vld [tilespmem:s26+$0x220]  }
0x316: {  	v56 =	vld [tilespmem:s26+$0x230];
	_ =	sdelay $0x4  }
0x317: {  	v20 =	vmul.f32 v20, v18;
	v21 =	vmul.f32 v56, v19;
	_ =	sdelay $0x1  }
0x318: {  	v20 =	vadd.f32 v21, v20;
	_ =	sdelay $0x1  }
0x319: {  	[tilespmem:$0x19D10] =	vst v20  }
0x31a: {  	v20 =	vld [tilespmem:s26+$0x240]  }
0x31b: {  	v57 =	vld [tilespmem:s26+$0x250];
	_ =	sdelay $0x4  }
0x31c: {  	v20 =	vmul.f32 v20, v18;
	v21 =	vmul.f32 v57, v19;
	_ =	sdelay $0x1  }
0x31d: {  	v20 =	vadd.f32 v21, v20;
	_ =	sdelay $0x1  }
0x31e: {  	[tilespmem:$0x19D20] =	vst v20  }
0x31f: {  	v20 =	vld [tilespmem:s26+$0x260]  }
0x320: {  	v58 =	vld [tilespmem:s26+$0x270];
	_ =	sdelay $0x4  }
0x321: {  	v18 =	vmul.f32 v20, v18;
	v19 =	vmul.f32 v58, v19;
	_ =	sdelay $0x1  }
0x322: {  	v18 =	vadd.f32 v19, v18;
	_ =	sdelay $0x1  }
0x323: {  	[tilespmem:$0x19D30] =	vst v18  }
0x324: {  	v18 =	vld [tilespmem:s26+$0x280]  }
0x325: {  	v59 =	vld [tilespmem:s26+$0x290];
	_ =	sdelay $0x4  }
0x326: {  	v18 =	vmul.f32 v18, v16;
	v19 =	vmul.f32 v59, v17;
	_ =	sdelay $0x1  }
0x327: {  	v18 =	vadd.f32 v19, v18;
	_ =	sdelay $0x1  }
0x328: {  	[tilespmem:$0x19D40] =	vst v18  }
0x329: {  	v18 =	vld [tilespmem:s26+$0x2A0]  }
0x32a: {  	v60 =	vld [tilespmem:s26+$0x2B0];
	_ =	sdelay $0x4  }
0x32b: {  	v18 =	vmul.f32 v18, v16;
	v19 =	vmul.f32 v60, v17;
	_ =	sdelay $0x1  }
0x32c: {  	v18 =	vadd.f32 v19, v18;
	_ =	sdelay $0x1  }
0x32d: {  	[tilespmem:$0x19D50] =	vst v18  }
0x32e: {  	v18 =	vld [tilespmem:s26+$0x2C0]  }
0x32f: {  	v61 =	vld [tilespmem:s26+$0x2D0];
	_ =	sdelay $0x4  }
0x330: {  	v18 =	vmul.f32 v18, v16;
	v19 =	vmul.f32 v61, v17;
	_ =	sdelay $0x1  }
0x331: {  	v18 =	vadd.f32 v19, v18;
	_ =	sdelay $0x1  }
0x332: {  	[tilespmem:$0x19D60] =	vst v18  }
0x333: {  	v18 =	vld [tilespmem:s26+$0x2E0]  }
0x334: {  	v62 =	vld [tilespmem:s26+$0x2F0];
	_ =	sdelay $0x4  }
0x335: {  	v18 =	vmul.f32 v18, v16;
	v19 =	vmul.f32 v62, v17;
	_ =	sdelay $0x1  }
0x336: {  	v18 =	vadd.f32 v19, v18;
	_ =	sdelay $0x1  }
0x337: {  	[tilespmem:$0x19D70] =	vst v18  }
0x338: {  	v18 =	vld.idx.msk [tilespmem:v0+s21+$0x0], $0xffff;
	_ =	sdelay $0x1  }
0x339: {  	v63 =	vld.idx.msk [tilespmem:v1+s21+$0x0], $0xffff;
	_ =	sdelay $0x1  }
0x33a: {  	v24 =	vld.idx.msk [tilespmem:v2+s21+$0x0], $0xffff  }
0x33b: {  	v18 =	vsub.f32 $0.0e+00, v18  }
0x33c: {  	v25 =	vld.idx.msk [tilespmem:v3+s21+$0x0], $0xffff  }
0x33d: {  	v18 =	vsub.f32 v18, v63  }
0x33e: {  	v26 =	vld.idx.msk [tilespmem:v4+s21+$0x0], $0xffff  }
0x33f: {  	v18 =	vsub.f32 v18, v24  }
0x340: {  	v27 =	vld.idx.msk [tilespmem:v5+s21+$0x0], $0xffff  }
0x341: {  	v18 =	vsub.f32 v18, v25  }
0x342: {  	v28 =	vld.idx.msk [tilespmem:v6+s21+$0x0], $0xffff  }
0x343: {  	v18 =	vsub.f32 v18, v26  }
0x344: {  	v29 =	vld.idx.msk [tilespmem:v7+s21+$0x0], $0xffff  }
0x345: {  	v18 =	vsub.f32 v18, v27  }
0x346: {  	v30 =	vld.idx.msk [tilespmem:v8+s21+$0x0], $0xffff  }
0x347: {  	v18 =	vsub.f32 v18, v28  }
0x348: {  	v31 =	vld.idx.msk [tilespmem:v9+s21+$0x0], $0xffff  }
0x349: {  	v18 =	vsub.f32 v18, v29  }
0x34a: {  	v32 =	vld.idx.msk [tilespmem:v10+s21+$0x0], $0xffff  }
0x34b: {  	v18 =	vsub.f32 v18, v30  }
0x34c: {  	v33 =	vld.idx.msk [tilespmem:v11+s21+$0x0], $0xffff  }
0x34d: {  	v18 =	vsub.f32 v18, v31  }
0x34e: {  	v34 =	vld.idx.msk [tilespmem:v12+s21+$0x0], $0xffff  }
0x34f: {  	v18 =	vsub.f32 v18, v32  }
0x350: {  	v35 =	vld.idx.msk [tilespmem:v13+s21+$0x0], $0xffff  }
0x351: {  	v18 =	vsub.f32 v18, v33  }
0x352: {  	v36 =	vld.idx.msk [tilespmem:v14+s21+$0x0], $0xffff  }
0x353: {  	v18 =	vsub.f32 v18, v34  }
0x354: {  	v37 =	vld.idx.msk [tilespmem:v15+s21+$0x0], $0xffff  }
0x355: {  	v18 =	vsub.f32 v18, v35;
	_ =	sdelay $0x1  }
0x356: {  	v18 =	vsub.f32 v18, v36;
	_ =	sdelay $0x1  }
0x357: {  	v18 =	vsub.f32 v18, v37;
	_ =	sdelay $0x1  }
0x358: {  	[tilespmem:s28+$0x19FB0] =	vst v18  }
0x359: {  	v18 =	vld [tilespmem:s26+$0x300]  }
0x35a: {  	v38 =	vld [tilespmem:s26+$0x310];
	_ =	sdelay $0x4  }
0x35b: {  	v18 =	vmul.f32 v18, v16;
	v19 =	vmul.f32 v38, v17;
	_ =	sdelay $0x1  }
0x35c: {  	v18 =	vadd.f32 v19, v18;
	_ =	sdelay $0x1  }
0x35d: {  	[tilespmem:$0x19C80] =	vst v18  }
0x35e: {  	v18 =	vld [tilespmem:s26+$0x320]  }
0x35f: {  	v39 =	vld [tilespmem:s26+$0x330];
	_ =	sdelay $0x4  }
0x360: {  	v18 =	vmul.f32 v18, v16;
	v19 =	vmul.f32 v39, v17;
	_ =	sdelay $0x1  }
0x361: {  	v18 =	vadd.f32 v19, v18;
	_ =	sdelay $0x1  }
0x362: {  	[tilespmem:$0x19C90] =	vst v18  }
0x363: {  	v18 =	vld [tilespmem:s26+$0x340]  }
0x364: {  	v40 =	vld [tilespmem:s26+$0x350];
	_ =	sdelay $0x4  }
0x365: {  	v18 =	vmul.f32 v18, v16;
	v19 =	vmul.f32 v40, v17;
	_ =	sdelay $0x1  }
0x366: {  	v18 =	vadd.f32 v19, v18;
	_ =	sdelay $0x1  }
0x367: {  	[tilespmem:$0x19CA0] =	vst v18  }
0x368: {  	v18 =	vld [tilespmem:s26+$0x360]  }
0x369: {  	v41 =	vld [tilespmem:s26+$0x370];
	_ =	sdelay $0x4  }
0x36a: {  	v18 =	vmul.f32 v18, v16;
	v19 =	vmul.f32 v41, v17;
	_ =	sdelay $0x1  }
0x36b: {  	v18 =	vadd.f32 v19, v18;
	_ =	sdelay $0x1  }
0x36c: {  	[tilespmem:$0x19CB0] =	vst v18  }
0x36d: {  	v18 =	vld [tilespmem:s26+$0x380]  }
0x36e: {  	v42 =	vld [tilespmem:s26+$0x390];
	_ =	sdelay $0x4  }
0x36f: {  	v18 =	vmul.f32 v18, v16;
	v19 =	vmul.f32 v42, v17;
	_ =	sdelay $0x1  }
0x370: {  	v18 =	vadd.f32 v19, v18;
	_ =	sdelay $0x1  }
0x371: {  	[tilespmem:$0x19CC0] =	vst v18  }
0x372: {  	v18 =	vld [tilespmem:s26+$0x3A0]  }
0x373: {  	v43 =	vld [tilespmem:s26+$0x3B0];
	_ =	sdelay $0x4  }
0x374: {  	v18 =	vmul.f32 v18, v16;
	v19 =	vmul.f32 v43, v17;
	_ =	sdelay $0x1  }
0x375: {  	v18 =	vadd.f32 v19, v18;
	_ =	sdelay $0x1  }
0x376: {  	[tilespmem:$0x19CD0] =	vst v18  }
0x377: {  	v18 =	vld [tilespmem:s26+$0x3C0]  }
0x378: {  	v44 =	vld [tilespmem:s26+$0x3D0];
	_ =	sdelay $0x4  }
0x379: {  	v18 =	vmul.f32 v18, v16;
	v19 =	vmul.f32 v44, v17;
	_ =	sdelay $0x1  }
0x37a: {  	v18 =	vadd.f32 v19, v18;
	_ =	sdelay $0x1  }
0x37b: {  	[tilespmem:$0x19CE0] =	vst v18  }
0x37c: {  	v18 =	vld [tilespmem:s26+$0x3E0]  }
0x37d: {  	v45 =	vld [tilespmem:s26+$0x3F0];
	_ =	sdelay $0x4  }
0x37e: {  	v18 =	vmul.f32 v18, v16;
	v19 =	vmul.f32 v45, v17;
	_ =	sdelay $0x1  }
0x37f: {  	v18 =	vadd.f32 v19, v18;
	_ =	sdelay $0x1  }
0x380: {  	[tilespmem:$0x19CF0] =	vst v18  }
0x381: {  	v18 =	vld [tilespmem:s26+$0x400]  }
0x382: {  	v46 =	vld [tilespmem:s26+$0x410];
	_ =	sdelay $0x4  }
0x383: {  	v18 =	vmul.f32 v18, v16;
	v19 =	vmul.f32 v46, v17;
	_ =	sdelay $0x1  }
0x384: {  	v18 =	vadd.f32 v19, v18;
	_ =	sdelay $0x1  }
0x385: {  	[tilespmem:$0x19D00] =	vst v18  }
0x386: {  	v18 =	vld [tilespmem:s26+$0x420]  }
0x387: {  	v47 =	vld [tilespmem:s26+$0x430];
	_ =	sdelay $0x4  }
0x388: {  	v18 =	vmul.f32 v18, v16;
	v19 =	vmul.f32 v47, v17;
	_ =	sdelay $0x1  }
0x389: {  	v18 =	vadd.f32 v19, v18;
	_ =	sdelay $0x1  }
0x38a: {  	[tilespmem:$0x19D10] =	vst v18  }
0x38b: {  	v18 =	vld [tilespmem:s26+$0x440]  }
0x38c: {  	v48 =	vld [tilespmem:s26+$0x450];
	_ =	sdelay $0x4  }
0x38d: {  	v18 =	vmul.f32 v18, v16;
	v19 =	vmul.f32 v48, v17;
	_ =	sdelay $0x1  }
0x38e: {  	v18 =	vadd.f32 v19, v18;
	_ =	sdelay $0x1  }
0x38f: {  	[tilespmem:$0x19D20] =	vst v18  }
0x390: {  	v18 =	vld [tilespmem:s26+$0x460]  }
0x391: {  	v49 =	vld [tilespmem:s26+$0x470];
	_ =	sdelay $0x4  }
0x392: {  	v18 =	vmul.f32 v18, v16;
	v19 =	vmul.f32 v49, v17;
	_ =	sdelay $0x1  }
0x393: {  	v18 =	vadd.f32 v19, v18;
	_ =	sdelay $0x1  }
0x394: {  	[tilespmem:$0x19D30] =	vst v18  }
0x395: {  	v18 =	vld [tilespmem:s26+$0x480]  }
0x396: {  	v50 =	vld [tilespmem:s26+$0x490];
	_ =	sdelay $0x4  }
0x397: {  	v18 =	vmul.f32 v18, v16;
	v19 =	vmul.f32 v50, v17;
	_ =	sdelay $0x1  }
0x398: {  	v18 =	vadd.f32 v19, v18;
	_ =	sdelay $0x1  }
0x399: {  	[tilespmem:$0x19D40] =	vst v18  }
0x39a: {  	v18 =	vld [tilespmem:s26+$0x4A0]  }
0x39b: {  	v51 =	vld [tilespmem:s26+$0x4B0];
	_ =	sdelay $0x4  }
0x39c: {  	v18 =	vmul.f32 v18, v16;
	v19 =	vmul.f32 v51, v17;
	_ =	sdelay $0x1  }
0x39d: {  	v18 =	vadd.f32 v19, v18;
	_ =	sdelay $0x1  }
0x39e: {  	[tilespmem:$0x19D50] =	vst v18  }
0x39f: {  	v18 =	vld [tilespmem:s26+$0x4C0]  }
0x3a0: {  	v52 =	vld [tilespmem:s26+$0x4D0];
	_ =	sdelay $0x4  }
0x3a1: {  	v18 =	vmul.f32 v18, v16;
	v19 =	vmul.f32 v52, v17;
	_ =	sdelay $0x1  }
0x3a2: {  	v18 =	vadd.f32 v19, v18;
	_ =	sdelay $0x1  }
0x3a3: {  	[tilespmem:$0x19D60] =	vst v18  }
0x3a4: {  	v18 =	vld [tilespmem:s26+$0x4E0]  }
0x3a5: {  	v53 =	vld [tilespmem:s26+$0x4F0];
	_ =	sdelay $0x4  }
0x3a6: {  	v16 =	vmul.f32 v18, v16;
	v17 =	vmul.f32 v53, v17;
	_ =	sdelay $0x1  }
0x3a7: {  	v16 =	vadd.f32 v17, v16;
	_ =	sdelay $0x1  }
0x3a8: {  	[tilespmem:$0x19D70] =	vst v16  }
0x3a9: {  	v16 =	vld.idx.msk [tilespmem:v0+s21+$0x0], $0xffff;
	_ =	sdelay $0x1  }
0x3aa: {  	v17 =	vld.idx.msk [tilespmem:v1+s21+$0x0], $0xffff;
	_ =	sdelay $0x1  }
0x3ab: {  	v54 =	vld.idx.msk [tilespmem:v2+s21+$0x0], $0xffff  }
0x3ac: {  	v16 =	vsub.f32 $0.0e+00, v16  }
0x3ad: {  	v55 =	vld.idx.msk [tilespmem:v3+s21+$0x0], $0xffff  }
0x3ae: {  	v16 =	vsub.f32 v16, v17  }
0x3af: {  	v17 =	vld.idx.msk [tilespmem:v4+s21+$0x0], $0xffff  }
0x3b0: {  	v16 =	vsub.f32 v16, v54  }
0x3b1: {  	v56 =	vld.idx.msk [tilespmem:v5+s21+$0x0], $0xffff  }
0x3b2: {  	v16 =	vsub.f32 v16, v55  }
0x3b3: {  	v57 =	vld.idx.msk [tilespmem:v6+s21+$0x0], $0xffff  }
0x3b4: {  	v16 =	vsub.f32 v16, v17  }
0x3b5: {  	v17 =	vld.idx.msk [tilespmem:v7+s21+$0x0], $0xffff  }
0x3b6: {  	v16 =	vsub.f32 v16, v56  }
0x3b7: {  	v58 =	vld.idx.msk [tilespmem:v8+s21+$0x0], $0xffff  }
0x3b8: {  	v16 =	vsub.f32 v16, v57  }
0x3b9: {  	v59 =	vld.idx.msk [tilespmem:v9+s21+$0x0], $0xffff  }
0x3ba: {  	v16 =	vsub.f32 v16, v17  }
0x3bb: {  	v17 =	vld.idx.msk [tilespmem:v10+s21+$0x0], $0xffff  }
0x3bc: {  	v16 =	vsub.f32 v16, v58  }
0x3bd: {  	v60 =	vld.idx.msk [tilespmem:v11+s21+$0x0], $0xffff  }
0x3be: {  	v16 =	vsub.f32 v16, v59  }
0x3bf: {  	v61 =	vld.idx.msk [tilespmem:v12+s21+$0x0], $0xffff  }
0x3c0: {  	v16 =	vsub.f32 v16, v17  }
0x3c1: {  	v17 =	vld.idx.msk [tilespmem:v13+s21+$0x0], $0xffff  }
0x3c2: {  	v16 =	vsub.f32 v16, v60  }
0x3c3: {  	v62 =	vld.idx.msk [tilespmem:v14+s21+$0x0], $0xffff  }
0x3c4: {  	v16 =	vsub.f32 v16, v61  }
0x3c5: {  	v63 =	vld.idx.msk [tilespmem:v15+s21+$0x0], $0xffff  }
0x3c6: {  	v16 =	vsub.f32 v16, v17  }
0x3c7: {  	p0 =	sne.s32 s25, $0x26C0  }
.Ltmp1:
0x3c8: {  	v16 =	vsub.f32 v16, v62;
	(pc) =	sbr.rel @p0 .LBB2_4-.Ltmp1, $3  }
0x3c9: {  	_ = 	snop  }
0x3ca: {  	v16 =	vsub.f32 v16, v63;
	_ =	sdelay $0x1  }
0x3cb: {  	s25 =	sadd.s32 $0x140, s25;
	s24 =	sadd.s32 $0x80, s24;
	s26 =	sadd.s32 $0xA00, s26;
	[tilespmem:s28+$0x19FC0] =	vst v16  }
0x3cc: {  	s23 =	sadd.s32 $0x1, s23  }
0x3cd: {  	p0 =	sne.s32 s23, s9  }
.Ltmp2:
0x3ce: {  	_ = 	snop;
	(pc) =	sbr.rel @p0 .LBB2_1-.Ltmp2, $4  }
0x3cf: {  	[hbm4b:s8+s2] =	stream.linear.scatter [tilespmem:s22], [sflag:$0x2], $0xC00, $0x38;
	[tilespmem:$0x1A980] =	vst v63  }
0x3d0: {  	_ =	swait.ge [sflag:s10], $0xC00  }
0x3d1: {  	[sflag:s10] =	ssyncset.done $0x0  }
0x3d2: {  	[sflag:s10] =	ssyncadd.s32 $0xFFFFF400  }
0x3d3: {  	_ =	sfence.sel $0x180000  }
0x3d4: {  	[bflag:$0x0] =	sbarrier.arrive $0xFFFF  }
0x3d5: {  	_ =	strace $0x90000047  }
0x3d6: {  	s0 =	stileid.u32;
	[bflag:$0x2] =	sbarrier.arrive $0xFFFF  }
0x3d7: {  	p0 =	sne.s32 s0, $0x0;
	s0 =	rddreg [dreg:$0x2]  }
0x3d8: {  	s0 =	sadd.s32 @!p0 $0x100000, s0  }
0x3d9: {  	[sflag:s0] =	ssyncadd.tile.s32 @!p0 $0x1;
	_ =	shalt  }
.Lfunc_end2:
_tile_overlayer_lowered:
.L_overlay_start_2:
0x3da: {  	(tag) =	ssettag $0x2  }
0x3db: {  	s0 =	rddreg [dreg:$0x0];
	s2 =	stileid.u32  }
0x3dc: {  	s1 =	rddreg [dreg:$0x1];
	p0 =	sne.s32 s2, $0x0  }
0x3dd: {  	s3 =	rddreg [dreg:$0x2];
	[bflag:$0x3] =	sbarrier.arrive $0xFFFF;
	s2 =	simm.s32 @!p0 $0x1C02  }
0x3de: {  	[timem:s3], [sflag:s2] =	dma.local @!p0 [hbm:s0], s1  }
0x3df: {  	s0 =	simm.s32 @!p0 $0x2  }
0x3e0: {  	_ =	swait.ge @!p0 [sflag:s0], s1  }
0x3e1: {  	s1 =	ssub.s32 @!p0 $0x0, s1;
	[sflag:s0] =	ssyncset.done @!p0 $0x0  }
0x3e2: {  	[sflag:s0] =	ssyncadd.s32 @!p0 s1  }
0x3e3: {  	[bflag:$0x3] =	sbarrier.arrive $0xFFFF  }
0x3e4: {  	_ =	shalt  }

</sc_bundles>
